<compile_context>
chip_gen: v7x
topology: tpu7x:2x2x1
jax: 0.10.2.dev20260603
libtpu: 0.0.44.dev20260713+nightly
codegen_flags: <defaults>
</compile_context>

<pallas_src>
import functools
import math

import numpy as np
import jax
import jax.numpy as jnp
from jax import lax
from jax.experimental import pallas as pl
from jax.experimental.pallas import tpu as pltpu
from jax.experimental.pallas import tpu_sc as plsc

H = 8
DH = 32
D_HID = 256
_SCALE = 1.0 / math.sqrt(DH)

_NW = 32
_GC = 80



def _mm_body(x_ref, w_ref, b_ref, o_ref):
    o_ref[...] = (jnp.dot(x_ref[...], w_ref[...],
                          preferred_element_type=jnp.float32) + b_ref[...])


def _mm(x, W, b, bm):
    M, K = x.shape
    D = W.shape[1]
    return pl.pallas_call(
        _mm_body,
        grid=(M // bm,),
        in_specs=[pl.BlockSpec((bm, K), lambda i: (i, 0)),
                  pl.BlockSpec((K, D), lambda i: (0, 0)),
                  pl.BlockSpec((1, D), lambda i: (0, 0))],
        out_specs=pl.BlockSpec((bm, D), lambda i: (i, 0)),
        out_shape=jax.ShapeDtypeStruct((M, D), jnp.float32),
    )(x, W, b.reshape(1, D))


def _scores_body(q_ref, k_ref, ew_ref, smat_ref, webe_ref, o_ref, m_ref):
    i = pl.program_id(0)
    s = jnp.dot(q_ref[...] * k_ref[...], smat_ref[...],
                preferred_element_type=jnp.float32) * _SCALE
    s = s + ew_ref[...] * webe_ref[0:1, :] + webe_ref[1:2, :]
    o_ref[...] = s

    @pl.when(i == 0)
    def _():
        m_ref[...] = jnp.full(m_ref.shape, -jnp.inf, jnp.float32)

    m_ref[...] = jnp.maximum(m_ref[...], jnp.max(s))


def _scores(qg, kg, ew2, smat, webe, be):
    E = qg.shape[0]
    return pl.pallas_call(
        _scores_body,
        grid=(E // be,),
        in_specs=[pl.BlockSpec((be, D_HID), lambda i: (i, 0)),
                  pl.BlockSpec((be, D_HID), lambda i: (i, 0)),
                  pl.BlockSpec((be, 1), lambda i: (i, 0)),
                  pl.BlockSpec((D_HID, H), lambda i: (0, 0)),
                  pl.BlockSpec((2, H), lambda i: (0, 0))],
        out_specs=[pl.BlockSpec((be, H), lambda i: (i, 0)),
                   pl.BlockSpec((1, 128), lambda i: (0, 0))],
        out_shape=[jax.ShapeDtypeStruct((E, H), jnp.float32),
                   jax.ShapeDtypeStruct((1, 128), jnp.float32)],
    )(qg, kg, ew2, smat, webe)


def _weight_body(s_ref, m_ref, v_ref, stmat_ref, wv_ref):
    ex = jnp.exp(s_ref[...] - m_ref[0:1, 0:1])
    exx = jnp.dot(ex, stmat_ref[...], preferred_element_type=jnp.float32)
    w = exx * v_ref[...]
    be = w.shape[0]
    z = jnp.zeros((be, 62), jnp.float32)
    for g in range(4):
        wv_ref[g, :, :] = jnp.concatenate(
            [w[:, g * 64:(g + 1) * 64], ex[:, 2 * g:2 * g + 2], z], axis=-1)


def _weight(scores, m, vg, stmat, be):
    E = scores.shape[0]
    return pl.pallas_call(
        _weight_body,
        grid=(E // be,),
        in_specs=[pl.BlockSpec((be, H), lambda i: (i, 0)),
                  pl.BlockSpec((1, 128), lambda i: (0, 0)),
                  pl.BlockSpec((be, D_HID), lambda i: (i, 0)),
                  pl.BlockSpec((H, D_HID), lambda i: (0, 0))],
        out_specs=pl.BlockSpec((4, be, 128), lambda i: (0, i, 0)),
        out_shape=jax.ShapeDtypeStruct((4, E, 128), jnp.float32),
    )(scores, m, vg, stmat)


def _post_body(agg_ref, h_ref, wo_ref, bo_ref, g_ref, bb_ref,
               s2_ref, o_ref):
    parts = []
    for g in range(4):
        d = jnp.dot(agg_ref[g, :, 64:66], s2_ref[...],
                    preferred_element_type=jnp.float32) + 1e-8
        parts.append(agg_ref[g, :, 0:64] / d)
    att = jnp.concatenate(parts, axis=-1)
    y = (jnp.dot(att, wo_ref[...], preferred_element_type=jnp.float32)
         + bo_ref[...] + h_ref[...])
    mu = jnp.mean(y, axis=-1, keepdims=True)
    var = jnp.mean((y - mu) ** 2, axis=-1, keepdims=True)
    o_ref[...] = (y - mu) * lax.rsqrt(var + 1e-5) * g_ref[...] + bb_ref[...]


def _post(agg, h, Wo, bo, g, b, s2, bn):
    N = h.shape[0]
    return pl.pallas_call(
        _post_body,
        grid=(N // bn,),
        in_specs=[pl.BlockSpec((4, bn, 128), lambda i: (0, i, 0)),
                  pl.BlockSpec((bn, D_HID), lambda i: (i, 0)),
                  pl.BlockSpec((D_HID, D_HID), lambda i: (0, 0)),
                  pl.BlockSpec((1, D_HID), lambda i: (0, 0)),
                  pl.BlockSpec((1, D_HID), lambda i: (0, 0)),
                  pl.BlockSpec((1, D_HID), lambda i: (0, 0)),
                  pl.BlockSpec((2, 64), lambda i: (0, 0))],
        out_specs=pl.BlockSpec((bn, D_HID), lambda i: (i, 0)),
        out_shape=jax.ShapeDtypeStruct((N, D_HID), jnp.float32),
    )(agg, h, Wo, bo.reshape(1, -1), g.reshape(1, -1),
      b.reshape(1, -1), s2)


def _crossprep_body(t_ref, wt_ref, bt_ref, wk_ref, bk_ref, wv_ref, bv_ref,
                    k_ref, v_ref):
    tp = (jnp.dot(t_ref[...], wt_ref[...],
                  preferred_element_type=jnp.float32) + bt_ref[...])
    k_ref[...] = (jnp.dot(tp, wk_ref[...],
                          preferred_element_type=jnp.float32) + bk_ref[...])
    v_ref[...] = (jnp.dot(tp, wv_ref[...],
                          preferred_element_type=jnp.float32) + bv_ref[...])


def _crossprep(text_pad, cp):
    TP, DT = text_pad.shape
    return pl.pallas_call(
        _crossprep_body,
        grid=(1,),
        in_specs=[pl.BlockSpec((TP, DT), lambda i: (0, 0)),
                  pl.BlockSpec((DT, D_HID), lambda i: (0, 0)),
                  pl.BlockSpec((1, D_HID), lambda i: (0, 0)),
                  pl.BlockSpec((D_HID, D_HID), lambda i: (0, 0)),
                  pl.BlockSpec((1, D_HID), lambda i: (0, 0)),
                  pl.BlockSpec((D_HID, D_HID), lambda i: (0, 0)),
                  pl.BlockSpec((1, D_HID), lambda i: (0, 0))],
        out_specs=[pl.BlockSpec((TP, D_HID), lambda i: (0, 0)),
                   pl.BlockSpec((TP, D_HID), lambda i: (0, 0))],
        out_shape=[jax.ShapeDtypeStruct((TP, D_HID), jnp.float32),
                   jax.ShapeDtypeStruct((TP, D_HID), jnp.float32)],
    )(text_pad, cp["t"]["W"], cp["t"]["b"].reshape(1, -1),
      cp["k"]["W"], cp["k"]["b"].reshape(1, -1),
      cp["v"]["W"], cp["v"]["b"].reshape(1, -1))


def _crossmain_body(h_ref, k_ref, v_ref, wr_ref, br_ref, wq_ref, bq_ref,
                    wo_ref, bo_ref, g_ref, bb_ref, o_ref, *, t_real):
    rp = (jnp.dot(h_ref[...], wr_ref[...],
                  preferred_element_type=jnp.float32) + br_ref[...])
    q = (jnp.dot(rp, wq_ref[...],
                 preferred_element_type=jnp.float32) + bq_ref[...])
    kk = k_ref[...]
    vv = v_ref[...]
    tp = kk.shape[0]
    mask = (lax.broadcasted_iota(jnp.int32, (1, tp), 1) < t_real)
    outs = []
    for hh in range(H):
        qh = q[:, hh * DH:(hh + 1) * DH]
        kh = kk[:, hh * DH:(hh + 1) * DH]
        vh = vv[:, hh * DH:(hh + 1) * DH]
        sc = jax.lax.dot_general(
            qh, kh, (((1,), (1,)), ((), ())),
            preferred_element_type=jnp.float32) * _SCALE
        sc = jnp.where(mask, sc, -1e30)
        sc = sc - jnp.max(sc, axis=-1, keepdims=True)
        e = jnp.exp(sc)
        p = e / jnp.sum(e, axis=-1, keepdims=True)
        outs.append(jnp.dot(p, vh, preferred_element_type=jnp.float32))
    att = jnp.concatenate(outs, axis=-1)
    y = (jnp.dot(att, wo_ref[...], preferred_element_type=jnp.float32)
         + bo_ref[...] + h_ref[...])
    mu = jnp.mean(y, axis=-1, keepdims=True)
    var = jnp.mean((y - mu) ** 2, axis=-1, keepdims=True)
    o_ref[...] = (y - mu) * lax.rsqrt(var + 1e-5) * g_ref[...] + bb_ref[...]


def _crossmain(h, K, V, cp, t_real, bn):
    N = h.shape[0]
    TP = K.shape[0]
    body = functools.partial(_crossmain_body, t_real=t_real)
    return pl.pallas_call(
        body,
        grid=(N // bn,),
        in_specs=[pl.BlockSpec((bn, D_HID), lambda i: (i, 0)),
                  pl.BlockSpec((TP, D_HID), lambda i: (0, 0)),
                  pl.BlockSpec((TP, D_HID), lambda i: (0, 0)),
                  pl.BlockSpec((D_HID, D_HID), lambda i: (0, 0)),
                  pl.BlockSpec((1, D_HID), lambda i: (0, 0)),
                  pl.BlockSpec((D_HID, D_HID), lambda i: (0, 0)),
                  pl.BlockSpec((1, D_HID), lambda i: (0, 0)),
                  pl.BlockSpec((D_HID, D_HID), lambda i: (0, 0)),
                  pl.BlockSpec((1, D_HID), lambda i: (0, 0)),
                  pl.BlockSpec((1, D_HID), lambda i: (0, 0)),
                  pl.BlockSpec((1, D_HID), lambda i: (0, 0))],
        out_specs=pl.BlockSpec((bn, D_HID), lambda i: (i, 0)),
        out_shape=jax.ShapeDtypeStruct((N, D_HID), jnp.float32),
    )(h, K, V, cp["r"]["W"], cp["r"]["b"].reshape(1, -1),
      cp["q"]["W"], cp["q"]["b"].reshape(1, -1),
      cp["o"]["W"], cp["o"]["b"].reshape(1, -1),
      cp["ln_g"].reshape(1, -1), cp["ln_b"].reshape(1, -1))



def _sc_gather3(Q, K, V, tgt, src):
    N = Q.shape[0]
    E = tgt.shape[0]
    per_w = E // _NW
    mesh = plsc.VectorSubcoreMesh(core_axis_name="c", subcore_axis_name="s")

    @functools.partial(
        pl.kernel, mesh=mesh,
        out_type=[jax.ShapeDtypeStruct((E, D_HID), jnp.float32),
                  jax.ShapeDtypeStruct((E, D_HID), jnp.float32),
                  jax.ShapeDtypeStruct((E, D_HID), jnp.float32)],
        scratch_types=[pltpu.VMEM((_GC,), jnp.int32),
                       pltpu.VMEM((_GC,), jnp.int32),
                       pltpu.VMEM((_GC, D_HID), jnp.float32),
                       pltpu.SemaphoreType.DMA],
    )
    def k(q_hbm, k_hbm, v_hbm, tgt_hbm, src_hbm, qg_hbm, kg_hbm, vg_hbm,
          tidx, sidx, rows, sem):
        wid = lax.axis_index("s") * 2 + lax.axis_index("c")
        base = wid * per_w

        @pl.loop(0, per_w, step=_GC)
        def _(i):
            b = base + i
            pltpu.sync_copy(tgt_hbm.at[pl.ds(b, _GC)], tidx)
            pltpu.sync_copy(src_hbm.at[pl.ds(b, _GC)], sidx)
            pltpu.async_copy(q_hbm.at[tidx], rows, sem).wait()
            pltpu.sync_copy(rows, qg_hbm.at[pl.ds(b, _GC)])
            pltpu.async_copy(k_hbm.at[sidx], rows, sem).wait()
            pltpu.sync_copy(rows, kg_hbm.at[pl.ds(b, _GC)])
            pltpu.async_copy(v_hbm.at[sidx], rows, sem).wait()
            pltpu.sync_copy(rows, vg_hbm.at[pl.ds(b, _GC)])

    return k(Q, K, V, tgt, src)


def _sc_scatter(tgt, wv, N):
    E = tgt.shape[0]
    per_t = E // 16
    n_writers = 10
    n_per_t = N // n_writers
    zrows = 200
    mesh = plsc.VectorSubcoreMesh(core_axis_name="c", subcore_axis_name="s")

    @functools.partial(
        pl.kernel, mesh=mesh,
        out_type=jax.ShapeDtypeStruct((4, N, 128), jnp.float32),
        scratch_types=[pltpu.VMEM((_GC,), jnp.int32),
                       pltpu.VMEM((_GC, 128), jnp.float32),
                       pltpu.VMEM((zrows, 128), jnp.float32),
                       pltpu.VMEM_SHARED((N, 128), jnp.float32),
                       pltpu.SemaphoreType.DMA],
    )
    def k(tgt_hbm, wv_hbm, agg_hbm, tidx, wrows, zb, acc, sem):
        c = lax.axis_index("c")
        t = lax.axis_index("s")

        @pl.loop(0, zrows)
        def _(r):
            for j in range(8):
                zb[r, pl.ds(j * 16, 16)] = jnp.zeros((16,), jnp.float32)

        base = t * per_t
        for gi in range(2):
            g = 2 * c + gi

            @pl.when(t < n_writers)
            def _():
                @pl.loop(0, n_per_t, step=zrows)
                def _(i):
                    pltpu.sync_copy(zb, acc.at[pl.ds(t * n_per_t + i, zrows)])

            plsc.subcore_barrier()

            @pl.loop(0, per_t, step=_GC)
            def _(i):
                b = base + i
                pltpu.sync_copy(tgt_hbm.at[pl.ds(b, _GC)], tidx)
                pltpu.sync_copy(wv_hbm.at[g, pl.ds(b, _GC)], wrows)
                pltpu.sync_copy(wrows, acc.at[tidx], add=True)

            plsc.subcore_barrier()

            @pl.when(t < n_writers)
            def _():
                r0 = t * n_per_t
                pltpu.sync_copy(acc.at[pl.ds(r0, n_per_t)],
                                agg_hbm.at[g, pl.ds(r0, n_per_t)])

            plsc.subcore_barrier()

    return k(tgt, wv)



def _head_sum_mat():
    return jnp.asarray(
        (np.arange(D_HID)[:, None] // DH) == np.arange(H)[None, :],
        jnp.float32)


def kernel(node_features, edge_index, text_embeddings, edge_weights, params):
    N = node_features.shape[0]
    src = edge_index[0]
    tgt = edge_index[1]
    ew2 = edge_weights.reshape(-1, 1)

    smat = _head_sum_mat()
    stmat = smat.T
    s2 = jnp.asarray(
        (np.arange(64)[:, None] // DH) == np.arange(2)[None, :],
        jnp.float32).T

    h = _mm(node_features, params["in_proj"]["W"], params["in_proj"]["b"],
            1000)

    for lp in params["layers"]:
        Q = _mm(h, lp["q"]["W"], lp["q"]["b"], 1000)
        K = _mm(h, lp["k"]["W"], lp["k"]["b"], 1000)
        V = _mm(h, lp["v"]["W"], lp["v"]["b"], 1000)
        qg, kg, vg = _sc_gather3(Q, K, V, tgt, src)
        webe = jnp.stack([lp["e"]["W"].reshape(H), lp["e"]["b"]])
        scores, m = _scores(qg, kg, ew2, smat, webe, 1000)
        wv = _weight(scores, m, vg, stmat, 1000)
        agg = _sc_scatter(tgt, wv, N)
        h = _post(agg, h, lp["o"]["W"], lp["o"]["b"],
                  lp["ln_g"], lp["ln_b"], s2, 1000)

    cp = params["cross"]
    t_real = text_embeddings.shape[0]
    tp_pad = 8 * ((t_real + 7) // 8)
    text_pad = jnp.pad(text_embeddings, ((0, tp_pad - t_real), (0, 0)))
    Kc, Vc = _crossprep(text_pad, cp)
    out = _crossmain(h, Kc, Vc, cp, t_real, 1000)
    return out

# --- scband reference (transcript-rebuilt; emitter-appended) ---
"""Pipeline reference for scband-ragafattention-module-1486058684822 (READ-ONLY COPY).

The authoritative reference and input builder live on the scoring server;
editing this copy changes nothing except your own understanding.
"""

import jax, jax.numpy as jnp
import numpy as np
import math

H = 8
D_NODE = 128
D_HID = 256
D_TEXT = 768
N_LAYERS = 2
N = 10000
E = 320000
T = 77
DH = D_HID // H


def _init_params():
    rng = np.random.default_rng(0)
    def lin(i, o):
        return {"W": jnp.asarray(rng.normal(0, 0.02, (i, o)), jnp.float32),
                "b": jnp.zeros((o,), jnp.float32)}
    p = {"in_proj": lin(D_NODE, D_HID), "layers": []}
    for _ in range(N_LAYERS):
        p["layers"].append({
            "q": lin(D_HID, D_HID), "k": lin(D_HID, D_HID), "v": lin(D_HID, D_HID),
            "o": lin(D_HID, D_HID), "e": lin(1, H),
            "ln_g": jnp.ones((D_HID,), jnp.float32),
            "ln_b": jnp.zeros((D_HID,), jnp.float32)})
    p["cross"] = {"r": lin(D_HID, D_HID), "t": lin(D_TEXT, D_HID),
                  "q": lin(D_HID, D_HID), "k": lin(D_HID, D_HID),
                  "v": lin(D_HID, D_HID), "o": lin(D_HID, D_HID),
                  "ln_g": jnp.ones((D_HID,), jnp.float32),
                  "ln_b": jnp.zeros((D_HID,), jnp.float32)}
    return p


def _linear(x, p):
    return x @ p["W"] + p["b"]


def _ln(x, g, b):
    m = x.mean(-1, keepdims=True)
    v = x.var(-1, keepdims=True)
    return (x - m) / jnp.sqrt(v + 1e-5) * g + b


def _graph_attn(x, edge_index, edge_weights, p):
    n = x.shape[0]
    scale = math.sqrt(DH)
    Q = _linear(x, p["q"]).reshape(n, H, DH)
    K = _linear(x, p["k"]).reshape(n, H, DH)
    V = _linear(x, p["v"]).reshape(n, H, DH)
    src, tgt = edge_index[0], edge_index[1]
    scores = (Q[tgt] * K[src]).sum(-1) / scale  # (E, H)
    scores = scores + _linear(edge_weights[:, None], p["e"])  # edge_proj
    # scatter softmax over target nodes
    m = jax.ops.segment_max(scores, tgt, num_segments=n)
    ex = jnp.exp(scores - m[tgt])
    s = jax.ops.segment_sum(ex, tgt, num_segments=n)
    probs = ex / (s[tgt] + 1e-8)
    out = jax.ops.segment_sum(probs[:, :, None] * V[src], tgt, num_segments=n)
    return _linear(out.reshape(n, D_HID), p["o"])


def _cross_attn(region, text, p):
    n, t = region.shape[0], text.shape[0]
    scale = math.sqrt(DH)
    rp = _linear(region, p["r"])
    tp = _linear(text, p["t"])
    Q = _linear(rp, p["q"]).reshape(n, H, DH).transpose(1, 0, 2)
    K = _linear(tp, p["k"]).reshape(t, H, DH).transpose(1, 0, 2)
    V = _linear(tp, p["v"]).reshape(t, H, DH).transpose(1, 0, 2)
    scores = Q @ K.transpose(0, 2, 1) / scale
    probs = jax.nn.softmax(scores, axis=-1)
    out = (probs @ V).transpose(1, 0, 2).reshape(n, D_HID)
    return _linear(out, p["o"])


def _forward(node_features, text_embeddings, edge_weights, params, edge_index):
    h = _linear(node_features, params["in_proj"])
    for lp in params["layers"]:
        h = _ln(h + _graph_attn(h, edge_index, edge_weights, lp), lp["ln_g"], lp["ln_b"])
    cp = params["cross"]
    h = _ln(h + _cross_attn(h, text_embeddings, cp), cp["ln_g"], cp["ln_b"])
    return h


def setup_inputs(seed: int = 0):
    key = jax.random.key(seed)
    k1, k2, k3, k4 = jax.random.split(key, 4)
    node_features = jax.random.normal(k1, (N, D_NODE), jnp.float32)
    edge_index = jax.random.randint(k2, (2, E), 0, N, jnp.int32)
    text_embeddings = jax.random.normal(k3, (T, D_TEXT), jnp.float32)
    edge_weights = jax.random.uniform(k4, (E,), jnp.float32)
    return {"node_features": node_features, "edge_index": edge_index,
            "text_embeddings": text_embeddings, "edge_weights": edge_weights,
            "params": _init_params()}


def reference(node_features, edge_index, text_embeddings, edge_weights, params):
    return _forward(node_features, text_embeddings, edge_weights, params, edge_index)

if __name__ == "__main__":
    import jax
    _d = setup_inputs()
    print(jax.jit(kernel)(*tuple(_d.values())))

</pallas_src>

<mosaic_0001>
#map = affine_map<(d0, d1) -> (0, 0)>
#map1 = affine_map<(d0, d1) -> (0)>
module attributes {stable_mosaic.version = 14 : i64} {
  func.func @k(%arg0: i32, %arg1: i32, %arg2: memref<10000x256xf32, #tpu.memory_space<hbm>>, %arg3: memref<10000x256xf32, #tpu.memory_space<hbm>>, %arg4: memref<10000x256xf32, #tpu.memory_space<hbm>>, %arg5: memref<320000xi32, #tpu.memory_space<hbm>>, %arg6: memref<320000xi32, #tpu.memory_space<hbm>>, %arg7: memref<320000x256xf32, #tpu.memory_space<hbm>>, %arg8: memref<320000x256xf32, #tpu.memory_space<hbm>>, %arg9: memref<320000x256xf32, #tpu.memory_space<hbm>>, %arg10: memref<80xi32, #tpu.memory_space<vmem>>, %arg11: memref<80xi32, #tpu.memory_space<vmem>>, %arg12: memref<80x256xf32, #tpu.memory_space<vmem>>, %arg13: memref<!tpu.dma_semaphore, #tpu.memory_space<semaphore_mem>>) attributes {dimension_semantics = [#tpu.dimension_semantics<core_parallel>, #tpu.dimension_semantics<subcore_parallel>], iteration_bounds = array<i64: 2, 16>, scalar_prefetch = 0 : i64, scratch_operands = 4 : i64, tpu.core_type = #tpu.core_type<sc_vector_subcore>, window_params = [{transform_indices = #map}, {transform_indices = #map}, {transform_indices = #map}, {transform_indices = #map1}, {transform_indices = #map1}, {transform_indices = #map}, {transform_indices = #map}, {transform_indices = #map}]} {
    %mul3A = arith.constant 2 : i32
    %mul3A_0 = arith.muli %arg1, %mul3A : i32
    %add3A = arith.addi %mul3A_0, %arg0 : i32
    %mul3A_1 = arith.constant 10000 : i32
    %mul3A_2 = arith.muli %add3A, %mul3A_1 : i32
    %scan3A = arith.constant 0 : i32
    %scan3A_3 = arith.constant 125 : i32
    %scan3A_4 = arith.addi %scan3A, %scan3A_3 : i32
    %scan3A_5 = arith.constant 1 : i32
    scf.for %scan3A_7 = %scan3A to %scan3A_4 step %scan3A_5  : i32 {
      %mul3A_8 = arith.constant 80 : i32
      %mul3A_9 = arith.muli %scan3A_7, %mul3A_8 : i32
      %add3A_10 = arith.constant 0 : i32
      %add3A_11 = arith.addi %add3A_10, %mul3A_9 : i32
      %add3A_12 = arith.addi %mul3A_2, %add3A_11 : i32
      "tpu.region"() ({
        %run_scoped3A = tpu.sem_alloc : memref<!tpu.dma_semaphore, #tpu.memory_space<semaphore_mem>>
        %dma_start3A_29 = tpu.memref_slice %arg5[%add3A_12] : memref<320000xi32, #tpu.memory_space<hbm>> -> memref<80xi32, #tpu.memory_space<hbm>>
        %dma_start3A_30 = tpu.memref_slice %arg5[%add3A_12] : memref<320000xi32, #tpu.memory_space<hbm>> -> memref<80xi32, #tpu.memory_space<hbm>>
        tpu.enqueue_dma source(%dma_start3A_30 : memref<80xi32, #tpu.memory_space<hbm>>) target(%arg10 : memref<80xi32, #tpu.memory_space<vmem>>) target_semaphore(%run_scoped3A : memref<!tpu.dma_semaphore, #tpu.memory_space<semaphore_mem>>)
        %dma_wait3A_31 = tpu.memref_slice %arg5[%add3A_12] : memref<320000xi32, #tpu.memory_space<hbm>> -> memref<80xi32, #tpu.memory_space<hbm>>
        %dma_wait3A_32 = tpu.memref_slice %arg5[%add3A_12] : memref<320000xi32, #tpu.memory_space<hbm>> -> memref<80xi32, #tpu.memory_space<hbm>>
        tpu.wait_dma2 semaphore(%run_scoped3A : memref<!tpu.dma_semaphore, #tpu.memory_space<semaphore_mem>>) src(%dma_wait3A_32 : memref<80xi32, #tpu.memory_space<hbm>>) dst(%arg10 : memref<80xi32, #tpu.memory_space<vmem>>)
        tpu.yield
      }) : () -> ()
      "tpu.region"() ({
        %run_scoped3A = tpu.sem_alloc : memref<!tpu.dma_semaphore, #tpu.memory_space<semaphore_mem>>
        %dma_start3A_29 = tpu.memref_slice %arg6[%add3A_12] : memref<320000xi32, #tpu.memory_space<hbm>> -> memref<80xi32, #tpu.memory_space<hbm>>
        %dma_start3A_30 = tpu.memref_slice %arg6[%add3A_12] : memref<320000xi32, #tpu.memory_space<hbm>> -> memref<80xi32, #tpu.memory_space<hbm>>
        tpu.enqueue_dma source(%dma_start3A_30 : memref<80xi32, #tpu.memory_space<hbm>>) target(%arg11 : memref<80xi32, #tpu.memory_space<vmem>>) target_semaphore(%run_scoped3A : memref<!tpu.dma_semaphore, #tpu.memory_space<semaphore_mem>>)
        %dma_wait3A_31 = tpu.memref_slice %arg6[%add3A_12] : memref<320000xi32, #tpu.memory_space<hbm>> -> memref<80xi32, #tpu.memory_space<hbm>>
        %dma_wait3A_32 = tpu.memref_slice %arg6[%add3A_12] : memref<320000xi32, #tpu.memory_space<hbm>> -> memref<80xi32, #tpu.memory_space<hbm>>
        tpu.wait_dma2 semaphore(%run_scoped3A : memref<!tpu.dma_semaphore, #tpu.memory_space<semaphore_mem>>) src(%dma_wait3A_32 : memref<80xi32, #tpu.memory_space<hbm>>) dst(%arg11 : memref<80xi32, #tpu.memory_space<vmem>>)
        tpu.yield
      }) : () -> ()
      %dma_start3A = arith.constant 0 : i32
      %dma_start3A_13 = arith.constant 0 : i32
      %dma_start3A_14 = tpu.memref_slice %arg2[%dma_start3A, %dma_start3A_13] : memref<10000x256xf32, #tpu.memory_space<hbm>> -> memref<10000x256xf32, #tpu.memory_space<hbm>>
      tpu.enqueue_indirect_dma source(%dma_start3A_14 : memref<10000x256xf32, #tpu.memory_space<hbm>>) target(%arg12 : memref<80x256xf32, #tpu.memory_space<vmem>>) offsets(%arg10 : memref<80xi32, #tpu.memory_space<vmem>>) semaphore(%arg13 : memref<!tpu.dma_semaphore, #tpu.memory_space<semaphore_mem>>)
      %dma_wait3A = arith.constant 0 : i32
      %dma_wait3A_15 = arith.constant 0 : i32
      %dma_wait3A_16 = tpu.memref_slice %arg2[%dma_wait3A, %dma_wait3A_15] : memref<10000x256xf32, #tpu.memory_space<hbm>> -> memref<10000x256xf32, #tpu.memory_space<hbm>>
      tpu.wait_indirect_dma semaphore(%arg13 : memref<!tpu.dma_semaphore, #tpu.memory_space<semaphore_mem>>) src(%dma_wait3A_16 : memref<10000x256xf32, #tpu.memory_space<hbm>>) dst(%arg12 : memref<80x256xf32, #tpu.memory_space<vmem>>)
      "tpu.region"() ({
        %run_scoped3A = tpu.sem_alloc : memref<!tpu.dma_semaphore, #tpu.memory_space<semaphore_mem>>
        %dma_start3A_29 = arith.constant 0 : i32
        %dma_start3A_30 = tpu.memref_slice %arg7[%add3A_12, %dma_start3A_29] : memref<320000x256xf32, #tpu.memory_space<hbm>> -> memref<80x256xf32, #tpu.memory_space<hbm>>
        %dma_start3A_31 = arith.constant 0 : i32
        %dma_start3A_32 = tpu.memref_slice %arg7[%add3A_12, %dma_start3A_31] : memref<320000x256xf32, #tpu.memory_space<hbm>> -> memref<80x256xf32, #tpu.memory_space<hbm>>
        tpu.enqueue_dma source(%arg12 : memref<80x256xf32, #tpu.memory_space<vmem>>) target(%dma_start3A_32 : memref<80x256xf32, #tpu.memory_space<hbm>>) target_semaphore(%run_scoped3A : memref<!tpu.dma_semaphore, #tpu.memory_space<semaphore_mem>>)
        %dma_wait3A_33 = arith.constant 0 : i32
        %dma_wait3A_34 = tpu.memref_slice %arg7[%add3A_12, %dma_wait3A_33] : memref<320000x256xf32, #tpu.memory_space<hbm>> -> memref<80x256xf32, #tpu.memory_space<hbm>>
        %dma_wait3A_35 = arith.constant 0 : i32
        %dma_wait3A_36 = tpu.memref_slice %arg7[%add3A_12, %dma_wait3A_35] : memref<320000x256xf32, #tpu.memory_space<hbm>> -> memref<80x256xf32, #tpu.memory_space<hbm>>
        tpu.wait_dma2 semaphore(%run_scoped3A : memref<!tpu.dma_semaphore, #tpu.memory_space<semaphore_mem>>) src(%arg12 : memref<80x256xf32, #tpu.memory_space<vmem>>) dst(%dma_wait3A_36 : memref<80x256xf32, #tpu.memory_space<hbm>>)
        tpu.yield
      }) : () -> ()
      %dma_start3A_17 = arith.constant 0 : i32
      %dma_start3A_18 = arith.constant 0 : i32
      %dma_start3A_19 = tpu.memref_slice %arg3[%dma_start3A_17, %dma_start3A_18] : memref<10000x256xf32, #tpu.memory_space<hbm>> -> memref<10000x256xf32, #tpu.memory_space<hbm>>
      tpu.enqueue_indirect_dma source(%dma_start3A_19 : memref<10000x256xf32, #tpu.memory_space<hbm>>) target(%arg12 : memref<80x256xf32, #tpu.memory_space<vmem>>) offsets(%arg11 : memref<80xi32, #tpu.memory_space<vmem>>) semaphore(%arg13 : memref<!tpu.dma_semaphore, #tpu.memory_space<semaphore_mem>>)
      %dma_wait3A_20 = arith.constant 0 : i32
      %dma_wait3A_21 = arith.constant 0 : i32
      %dma_wait3A_22 = tpu.memref_slice %arg3[%dma_wait3A_20, %dma_wait3A_21] : memref<10000x256xf32, #tpu.memory_space<hbm>> -> memref<10000x256xf32, #tpu.memory_space<hbm>>
      tpu.wait_indirect_dma semaphore(%arg13 : memref<!tpu.dma_semaphore, #tpu.memory_space<semaphore_mem>>) src(%dma_wait3A_22 : memref<10000x256xf32, #tpu.memory_space<hbm>>) dst(%arg12 : memref<80x256xf32, #tpu.memory_space<vmem>>)
      "tpu.region"() ({
        %run_scoped3A = tpu.sem_alloc : memref<!tpu.dma_semaphore, #tpu.memory_space<semaphore_mem>>
        %dma_start3A_29 = arith.constant 0 : i32
        %dma_start3A_30 = tpu.memref_slice %arg8[%add3A_12, %dma_start3A_29] : memref<320000x256xf32, #tpu.memory_space<hbm>> -> memref<80x256xf32, #tpu.memory_space<hbm>>
        %dma_start3A_31 = arith.constant 0 : i32
        %dma_start3A_32 = tpu.memref_slice %arg8[%add3A_12, %dma_start3A_31] : memref<320000x256xf32, #tpu.memory_space<hbm>> -> memref<80x256xf32, #tpu.memory_space<hbm>>
        tpu.enqueue_dma source(%arg12 : memref<80x256xf32, #tpu.memory_space<vmem>>) target(%dma_start3A_32 : memref<80x256xf32, #tpu.memory_space<hbm>>) target_semaphore(%run_scoped3A : memref<!tpu.dma_semaphore, #tpu.memory_space<semaphore_mem>>)
        %dma_wait3A_33 = arith.constant 0 : i32
        %dma_wait3A_34 = tpu.memref_slice %arg8[%add3A_12, %dma_wait3A_33] : memref<320000x256xf32, #tpu.memory_space<hbm>> -> memref<80x256xf32, #tpu.memory_space<hbm>>
        %dma_wait3A_35 = arith.constant 0 : i32
        %dma_wait3A_36 = tpu.memref_slice %arg8[%add3A_12, %dma_wait3A_35] : memref<320000x256xf32, #tpu.memory_space<hbm>> -> memref<80x256xf32, #tpu.memory_space<hbm>>
        tpu.wait_dma2 semaphore(%run_scoped3A : memref<!tpu.dma_semaphore, #tpu.memory_space<semaphore_mem>>) src(%arg12 : memref<80x256xf32, #tpu.memory_space<vmem>>) dst(%dma_wait3A_36 : memref<80x256xf32, #tpu.memory_space<hbm>>)
        tpu.yield
      }) : () -> ()
      %dma_start3A_23 = arith.constant 0 : i32
      %dma_start3A_24 = arith.constant 0 : i32
      %dma_start3A_25 = tpu.memref_slice %arg4[%dma_start3A_23, %dma_start3A_24] : memref<10000x256xf32, #tpu.memory_space<hbm>> -> memref<10000x256xf32, #tpu.memory_space<hbm>>
      tpu.enqueue_indirect_dma source(%dma_start3A_25 : memref<10000x256xf32, #tpu.memory_space<hbm>>) target(%arg12 : memref<80x256xf32, #tpu.memory_space<vmem>>) offsets(%arg11 : memref<80xi32, #tpu.memory_space<vmem>>) semaphore(%arg13 : memref<!tpu.dma_semaphore, #tpu.memory_space<semaphore_mem>>)
      %dma_wait3A_26 = arith.constant 0 : i32
      %dma_wait3A_27 = arith.constant 0 : i32
      %dma_wait3A_28 = tpu.memref_slice %arg4[%dma_wait3A_26, %dma_wait3A_27] : memref<10000x256xf32, #tpu.memory_space<hbm>> -> memref<10000x256xf32, #tpu.memory_space<hbm>>
      tpu.wait_indirect_dma semaphore(%arg13 : memref<!tpu.dma_semaphore, #tpu.memory_space<semaphore_mem>>) src(%dma_wait3A_28 : memref<10000x256xf32, #tpu.memory_space<hbm>>) dst(%arg12 : memref<80x256xf32, #tpu.memory_space<vmem>>)
      "tpu.region"() ({
        %run_scoped3A = tpu.sem_alloc : memref<!tpu.dma_semaphore, #tpu.memory_space<semaphore_mem>>
        %dma_start3A_29 = arith.constant 0 : i32
        %dma_start3A_30 = tpu.memref_slice %arg9[%add3A_12, %dma_start3A_29] : memref<320000x256xf32, #tpu.memory_space<hbm>> -> memref<80x256xf32, #tpu.memory_space<hbm>>
        %dma_start3A_31 = arith.constant 0 : i32
        %dma_start3A_32 = tpu.memref_slice %arg9[%add3A_12, %dma_start3A_31] : memref<320000x256xf32, #tpu.memory_space<hbm>> -> memref<80x256xf32, #tpu.memory_space<hbm>>
        tpu.enqueue_dma source(%arg12 : memref<80x256xf32, #tpu.memory_space<vmem>>) target(%dma_start3A_32 : memref<80x256xf32, #tpu.memory_space<hbm>>) target_semaphore(%run_scoped3A : memref<!tpu.dma_semaphore, #tpu.memory_space<semaphore_mem>>)
        %dma_wait3A_33 = arith.constant 0 : i32
        %dma_wait3A_34 = tpu.memref_slice %arg9[%add3A_12, %dma_wait3A_33] : memref<320000x256xf32, #tpu.memory_space<hbm>> -> memref<80x256xf32, #tpu.memory_space<hbm>>
        %dma_wait3A_35 = arith.constant 0 : i32
        %dma_wait3A_36 = tpu.memref_slice %arg9[%add3A_12, %dma_wait3A_35] : memref<320000x256xf32, #tpu.memory_space<hbm>> -> memref<80x256xf32, #tpu.memory_space<hbm>>
        tpu.wait_dma2 semaphore(%run_scoped3A : memref<!tpu.dma_semaphore, #tpu.memory_space<semaphore_mem>>) src(%arg12 : memref<80x256xf32, #tpu.memory_space<vmem>>) dst(%dma_wait3A_36 : memref<80x256xf32, #tpu.memory_space<hbm>>)
        tpu.yield
      }) : () -> ()
    }
    %scan3A_6 = arith.constant 125 : i32
    return
  }
}

#map = affine_map<(d0, d1) -> (0)>
#map1 = affine_map<(d0, d1) -> (0, 0, 0)>
module attributes {stable_mosaic.version = 14 : i64} {
  func.func @k(%arg0: i32, %arg1: i32, %arg2: memref<320000xi32, #tpu.memory_space<hbm>>, %arg3: memref<4x320000x128xf32, #tpu.memory_space<hbm>>, %arg4: memref<4x10000x128xf32, #tpu.memory_space<hbm>>, %arg5: memref<80xi32, #tpu.memory_space<vmem>>, %arg6: memref<80x128xf32, #tpu.memory_space<vmem>>, %arg7: memref<200x128xf32, #tpu.memory_space<vmem>>, %arg8: memref<10000x128xf32, #tpu.memory_space<vmem_shared>>, %arg9: memref<!tpu.dma_semaphore, #tpu.memory_space<semaphore_mem>>) attributes {dimension_semantics = [#tpu.dimension_semantics<core_parallel>, #tpu.dimension_semantics<subcore_parallel>], iteration_bounds = array<i64: 2, 16>, scalar_prefetch = 0 : i64, scratch_operands = 5 : i64, tpu.core_type = #tpu.core_type<sc_vector_subcore>, window_params = [{transform_indices = #map}, {transform_indices = #map1}, {transform_indices = #map1}]} {
    %scan3A = arith.constant 0 : i32
    %scan3A_0 = arith.constant 200 : i32
    %scan3A_1 = arith.addi %scan3A, %scan3A_0 : i32
    %scan3A_2 = arith.constant 1 : i32
    scf.for %scan3A_44 = %scan3A to %scan3A_1 step %scan3A_2  : i32 {
      %mul3A_45 = arith.constant 1 : i32
      %mul3A_46 = arith.muli %scan3A_44, %mul3A_45 : i32
      %add3A_47 = arith.constant 0 : i32
      %add3A_48 = arith.addi %add3A_47, %mul3A_46 : i32
      %broadcast_in_dim3A = arith.constant 0.000000e+00 : f32
      %broadcast_in_dim3A_49 = vector.broadcast %broadcast_in_dim3A : f32 to vector<16xf32>
      %swap3A = arith.index_cast %add3A_48 : i32 to index
      %swap3A_50 = arith.constant 0 : index
      %swap3A_51 = tpu.vector_load %arg7[%swap3A, %swap3A_50] {strides = array<i32>} : memref<200x128xf32, #tpu.memory_space<vmem>>, vector<1x16xf32>,
      %swap3A_52 = vector.shape_cast %swap3A_51 : vector<1x16xf32> to vector<16xf32>
      %swap3A_53 = vector.shape_cast %broadcast_in_dim3A_49 : vector<16xf32> to vector<1x16xf32>
      tpu.vector_store %arg7[%swap3A, %swap3A_50], %swap3A_53 {strides = array<i32>} : memref<200x128xf32, #tpu.memory_space<vmem>>, vector<1x16xf32>,
      %broadcast_in_dim3A_54 = arith.constant 0.000000e+00 : f32
      %broadcast_in_dim3A_55 = vector.broadcast %broadcast_in_dim3A_54 : f32 to vector<16xf32>
      %swap3A_56 = arith.index_cast %add3A_48 : i32 to index
      %swap3A_57 = arith.constant 16 : index
      %swap3A_58 = tpu.vector_load %arg7[%swap3A_56, %swap3A_57] {strides = array<i32>} : memref<200x128xf32, #tpu.memory_space<vmem>>, vector<1x16xf32>,
      %swap3A_59 = vector.shape_cast %swap3A_58 : vector<1x16xf32> to vector<16xf32>
      %swap3A_60 = vector.shape_cast %broadcast_in_dim3A_55 : vector<16xf32> to vector<1x16xf32>
      tpu.vector_store %arg7[%swap3A_56, %swap3A_57], %swap3A_60 {strides = array<i32>} : memref<200x128xf32, #tpu.memory_space<vmem>>, vector<1x16xf32>,
      %broadcast_in_dim3A_61 = arith.constant 0.000000e+00 : f32
      %broadcast_in_dim3A_62 = vector.broadcast %broadcast_in_dim3A_61 : f32 to vector<16xf32>
      %swap3A_63 = arith.index_cast %add3A_48 : i32 to index
      %swap3A_64 = arith.constant 32 : index
      %swap3A_65 = tpu.vector_load %arg7[%swap3A_63, %swap3A_64] {strides = array<i32>} : memref<200x128xf32, #tpu.memory_space<vmem>>, vector<1x16xf32>,
      %swap3A_66 = vector.shape_cast %swap3A_65 : vector<1x16xf32> to vector<16xf32>
      %swap3A_67 = vector.shape_cast %broadcast_in_dim3A_62 : vector<16xf32> to vector<1x16xf32>
      tpu.vector_store %arg7[%swap3A_63, %swap3A_64], %swap3A_67 {strides = array<i32>} : memref<200x128xf32, #tpu.memory_space<vmem>>, vector<1x16xf32>,
      %broadcast_in_dim3A_68 = arith.constant 0.000000e+00 : f32
      %broadcast_in_dim3A_69 = vector.broadcast %broadcast_in_dim3A_68 : f32 to vector<16xf32>
      %swap3A_70 = arith.index_cast %add3A_48 : i32 to index
      %swap3A_71 = arith.constant 48 : index
      %swap3A_72 = tpu.vector_load %arg7[%swap3A_70, %swap3A_71] {strides = array<i32>} : memref<200x128xf32, #tpu.memory_space<vmem>>, vector<1x16xf32>,
      %swap3A_73 = vector.shape_cast %swap3A_72 : vector<1x16xf32> to vector<16xf32>
      %swap3A_74 = vector.shape_cast %broadcast_in_dim3A_69 : vector<16xf32> to vector<1x16xf32>
      tpu.vector_store %arg7[%swap3A_70, %swap3A_71], %swap3A_74 {strides = array<i32>} : memref<200x128xf32, #tpu.memory_space<vmem>>, vector<1x16xf32>,
      %broadcast_in_dim3A_75 = arith.constant 0.000000e+00 : f32
      %broadcast_in_dim3A_76 = vector.broadcast %broadcast_in_dim3A_75 : f32 to vector<16xf32>
      %swap3A_77 = arith.index_cast %add3A_48 : i32 to index
      %swap3A_78 = arith.constant 64 : index
      %swap3A_79 = tpu.vector_load %arg7[%swap3A_77, %swap3A_78] {strides = array<i32>} : memref<200x128xf32, #tpu.memory_space<vmem>>, vector<1x16xf32>,
      %swap3A_80 = vector.shape_cast %swap3A_79 : vector<1x16xf32> to vector<16xf32>
      %swap3A_81 = vector.shape_cast %broadcast_in_dim3A_76 : vector<16xf32> to vector<1x16xf32>
      tpu.vector_store %arg7[%swap3A_77, %swap3A_78], %swap3A_81 {strides = array<i32>} : memref<200x128xf32, #tpu.memory_space<vmem>>, vector<1x16xf32>,
      %broadcast_in_dim3A_82 = arith.constant 0.000000e+00 : f32
      %broadcast_in_dim3A_83 = vector.broadcast %broadcast_in_dim3A_82 : f32 to vector<16xf32>
      %swap3A_84 = arith.index_cast %add3A_48 : i32 to index
      %swap3A_85 = arith.constant 80 : index
      %swap3A_86 = tpu.vector_load %arg7[%swap3A_84, %swap3A_85] {strides = array<i32>} : memref<200x128xf32, #tpu.memory_space<vmem>>, vector<1x16xf32>,
      %swap3A_87 = vector.shape_cast %swap3A_86 : vector<1x16xf32> to vector<16xf32>
      %swap3A_88 = vector.shape_cast %broadcast_in_dim3A_83 : vector<16xf32> to vector<1x16xf32>
      tpu.vector_store %arg7[%swap3A_84, %swap3A_85], %swap3A_88 {strides = array<i32>} : memref<200x128xf32, #tpu.memory_space<vmem>>, vector<1x16xf32>,
      %broadcast_in_dim3A_89 = arith.constant 0.000000e+00 : f32
      %broadcast_in_dim3A_90 = vector.broadcast %broadcast_in_dim3A_89 : f32 to vector<16xf32>
      %swap3A_91 = arith.index_cast %add3A_48 : i32 to index
      %swap3A_92 = arith.constant 96 : index
      %swap3A_93 = tpu.vector_load %arg7[%swap3A_91, %swap3A_92] {strides = array<i32>} : memref<200x128xf32, #tpu.memory_space<vmem>>, vector<1x16xf32>,
      %swap3A_94 = vector.shape_cast %swap3A_93 : vector<1x16xf32> to vector<16xf32>
      %swap3A_95 = vector.shape_cast %broadcast_in_dim3A_90 : vector<16xf32> to vector<1x16xf32>
      tpu.vector_store %arg7[%swap3A_91, %swap3A_92], %swap3A_95 {strides = array<i32>} : memref<200x128xf32, #tpu.memory_space<vmem>>, vector<1x16xf32>,
      %broadcast_in_dim3A_96 = arith.constant 0.000000e+00 : f32
      %broadcast_in_dim3A_97 = vector.broadcast %broadcast_in_dim3A_96 : f32 to vector<16xf32>
      %swap3A_98 = arith.index_cast %add3A_48 : i32 to index
      %swap3A_99 = arith.constant 112 : index
      %swap3A_100 = tpu.vector_load %arg7[%swap3A_98, %swap3A_99] {strides = array<i32>} : memref<200x128xf32, #tpu.memory_space<vmem>>, vector<1x16xf32>,
      %swap3A_101 = vector.shape_cast %swap3A_100 : vector<1x16xf32> to vector<16xf32>
      %swap3A_102 = vector.shape_cast %broadcast_in_dim3A_97 : vector<16xf32> to vector<1x16xf32>
      tpu.vector_store %arg7[%swap3A_98, %swap3A_99], %swap3A_102 {strides = array<i32>} : memref<200x128xf32, #tpu.memory_space<vmem>>, vector<1x16xf32>,
    }
    %scan3A_3 = arith.constant 200 : i32
    %mul3A = arith.constant 20000 : i32
    %mul3A_4 = arith.muli %arg1, %mul3A : i32
    %mul3A_5 = arith.constant 2 : i32
    %mul3A_6 = arith.muli %mul3A_5, %arg0 : i32
    %add3A = arith.constant 0 : i32
    %add3A_7 = arith.addi %mul3A_6, %add3A : i32
    %lt3A = arith.constant 10 : i32
    %lt3A_8 = arith.cmpi slt, %arg1, %lt3A : i32
    %convert_element_type3A = arith.extui %lt3A_8 : i1 to i32
    %cond3A = arith.constant 0 : i32
    %cond3A_9 = arith.cmpi ne, %convert_element_type3A, %cond3A : i32
    scf.if %cond3A_9 {
      %scan3A_44 = arith.constant 0 : i32
      %scan3A_45 = arith.constant 5 : i32
      %scan3A_46 = arith.addi %scan3A_44, %scan3A_45 : i32
      %scan3A_47 = arith.constant 1 : i32
      scf.for %scan3A_49 = %scan3A_44 to %scan3A_46 step %scan3A_47  : i32 {
        %mul3A_50 = arith.constant 200 : i32
        %mul3A_51 = arith.muli %scan3A_49, %mul3A_50 : i32
        %add3A_52 = arith.constant 0 : i32
        %add3A_53 = arith.addi %add3A_52, %mul3A_51 : i32
        %mul3A_54 = arith.constant 1000 : i32
        %mul3A_55 = arith.muli %arg1, %mul3A_54 : i32
        %add3A_56 = arith.addi %mul3A_55, %add3A_53 : i32
        "tpu.region"() ({
          %run_scoped3A = tpu.sem_alloc : memref<!tpu.dma_semaphore, #tpu.memory_space<semaphore_mem>>
          %dma_start3A = arith.constant 0 : i32
          %dma_start3A_57 = tpu.memref_slice %arg8[%add3A_56, %dma_start3A] : memref<10000x128xf32, #tpu.memory_space<vmem_shared>> -> memref<200x128xf32, #tpu.memory_space<vmem_shared>>
          %dma_start3A_58 = arith.constant 0 : i32
          %dma_start3A_59 = tpu.memref_slice %arg8[%add3A_56, %dma_start3A_58] : memref<10000x128xf32, #tpu.memory_space<vmem_shared>> -> memref<200x128xf32, #tpu.memory_space<vmem_shared>>
          tpu.enqueue_dma source(%arg7 : memref<200x128xf32, #tpu.memory_space<vmem>>) target(%dma_start3A_59 : memref<200x128xf32, #tpu.memory_space<vmem_shared>>) target_semaphore(%run_scoped3A : memref<!tpu.dma_semaphore, #tpu.memory_space<semaphore_mem>>)
          %dma_wait3A = arith.constant 0 : i32
          %dma_wait3A_60 = tpu.memref_slice %arg8[%add3A_56, %dma_wait3A] : memref<10000x128xf32, #tpu.memory_space<vmem_shared>> -> memref<200x128xf32, #tpu.memory_space<vmem_shared>>
          %dma_wait3A_61 = arith.constant 0 : i32
          %dma_wait3A_62 = tpu.memref_slice %arg8[%add3A_56, %dma_wait3A_61] : memref<10000x128xf32, #tpu.memory_space<vmem_shared>> -> memref<200x128xf32, #tpu.memory_space<vmem_shared>>
          tpu.wait_dma2 semaphore(%run_scoped3A : memref<!tpu.dma_semaphore, #tpu.memory_space<semaphore_mem>>) src(%arg7 : memref<200x128xf32, #tpu.memory_space<vmem>>) dst(%dma_wait3A_62 : memref<200x128xf32, #tpu.memory_space<vmem_shared>>)
          tpu.yield
        }) : () -> ()
      }
      %scan3A_48 = arith.constant 5 : i32
    } else {
    }
    %barrier3A = arith.constant 0 : index
    tpu.barrier barrier_id(%barrier3A)
    %scan3A_10 = arith.constant 0 : i32
    %scan3A_11 = arith.constant 250 : i32
    %scan3A_12 = arith.addi %scan3A_10, %scan3A_11 : i32
    %scan3A_13 = arith.constant 1 : i32
    scf.for %scan3A_44 = %scan3A_10 to %scan3A_12 step %scan3A_13  : i32 {
      %mul3A_45 = arith.constant 80 : i32
      %mul3A_46 = arith.muli %scan3A_44, %mul3A_45 : i32
      %add3A_47 = arith.constant 0 : i32
      %add3A_48 = arith.addi %add3A_47, %mul3A_46 : i32
      %add3A_49 = arith.addi %mul3A_4, %add3A_48 : i32
      "tpu.region"() ({
        %run_scoped3A = tpu.sem_alloc : memref<!tpu.dma_semaphore, #tpu.memory_space<semaphore_mem>>
        %dma_start3A = tpu.memref_slice %arg2[%add3A_49] : memref<320000xi32, #tpu.memory_space<hbm>> -> memref<80xi32, #tpu.memory_space<hbm>>
        %dma_start3A_50 = tpu.memref_slice %arg2[%add3A_49] : memref<320000xi32, #tpu.memory_space<hbm>> -> memref<80xi32, #tpu.memory_space<hbm>>
        tpu.enqueue_dma source(%dma_start3A_50 : memref<80xi32, #tpu.memory_space<hbm>>) target(%arg5 : memref<80xi32, #tpu.memory_space<vmem>>) target_semaphore(%run_scoped3A : memref<!tpu.dma_semaphore, #tpu.memory_space<semaphore_mem>>)
        %dma_wait3A = tpu.memref_slice %arg2[%add3A_49] : memref<320000xi32, #tpu.memory_space<hbm>> -> memref<80xi32, #tpu.memory_space<hbm>>
        %dma_wait3A_51 = tpu.memref_slice %arg2[%add3A_49] : memref<320000xi32, #tpu.memory_space<hbm>> -> memref<80xi32, #tpu.memory_space<hbm>>
        tpu.wait_dma2 semaphore(%run_scoped3A : memref<!tpu.dma_semaphore, #tpu.memory_space<semaphore_mem>>) src(%dma_wait3A_51 : memref<80xi32, #tpu.memory_space<hbm>>) dst(%arg5 : memref<80xi32, #tpu.memory_space<vmem>>)
        tpu.yield
      }) : () -> ()
      "tpu.region"() ({
        %run_scoped3A = tpu.sem_alloc : memref<!tpu.dma_semaphore, #tpu.memory_space<semaphore_mem>>
        %dma_start3A = arith.constant 0 : i32
        %dma_start3A_50 = tpu.memref_slice %arg3[%add3A_7, %add3A_49, %dma_start3A] : memref<4x320000x128xf32, #tpu.memory_space<hbm>> -> memref<1x80x128xf32, #tpu.memory_space<hbm>>
        %dma_start3A_51 = tpu.memref_squeeze %dma_start3A_50 : memref<1x80x128xf32, #tpu.memory_space<hbm>> -> memref<80x128xf32, #tpu.memory_space<hbm>>
        %dma_start3A_52 = arith.constant 0 : i32
        %dma_start3A_53 = tpu.memref_slice %arg3[%add3A_7, %add3A_49, %dma_start3A_52] : memref<4x320000x128xf32, #tpu.memory_space<hbm>> -> memref<1x80x128xf32, #tpu.memory_space<hbm>>
        %dma_start3A_54 = tpu.memref_squeeze %dma_start3A_53 : memref<1x80x128xf32, #tpu.memory_space<hbm>> -> memref<80x128xf32, #tpu.memory_space<hbm>>
        tpu.enqueue_dma source(%dma_start3A_54 : memref<80x128xf32, #tpu.memory_space<hbm>>) target(%arg6 : memref<80x128xf32, #tpu.memory_space<vmem>>) target_semaphore(%run_scoped3A : memref<!tpu.dma_semaphore, #tpu.memory_space<semaphore_mem>>)
        %dma_wait3A = arith.constant 0 : i32
        %dma_wait3A_55 = tpu.memref_slice %arg3[%add3A_7, %add3A_49, %dma_wait3A] : memref<4x320000x128xf32, #tpu.memory_space<hbm>> -> memref<1x80x128xf32, #tpu.memory_space<hbm>>
        %dma_wait3A_56 = tpu.memref_squeeze %dma_wait3A_55 : memref<1x80x128xf32, #tpu.memory_space<hbm>> -> memref<80x128xf32, #tpu.memory_space<hbm>>
        %dma_wait3A_57 = arith.constant 0 : i32
        %dma_wait3A_58 = tpu.memref_slice %arg3[%add3A_7, %add3A_49, %dma_wait3A_57] : memref<4x320000x128xf32, #tpu.memory_space<hbm>> -> memref<1x80x128xf32, #tpu.memory_space<hbm>>
        %dma_wait3A_59 = tpu.memref_squeeze %dma_wait3A_58 : memref<1x80x128xf32, #tpu.memory_space<hbm>> -> memref<80x128xf32, #tpu.memory_space<hbm>>
        tpu.wait_dma2 semaphore(%run_scoped3A : memref<!tpu.dma_semaphore, #tpu.memory_space<semaphore_mem>>) src(%dma_wait3A_59 : memref<80x128xf32, #tpu.memory_space<hbm>>) dst(%arg6 : memref<80x128xf32, #tpu.memory_space<vmem>>)
        tpu.yield
      }) : () -> ()
      "tpu.region"() ({
        %run_scoped3A = tpu.sem_alloc : memref<!tpu.dma_semaphore, #tpu.memory_space<semaphore_mem>>
        %dma_start3A = arith.constant 0 : i32
        %dma_start3A_50 = arith.constant 0 : i32
        %dma_start3A_51 = tpu.memref_slice %arg8[%dma_start3A, %dma_start3A_50] : memref<10000x128xf32, #tpu.memory_space<vmem_shared>> -> memref<10000x128xf32, #tpu.memory_space<vmem_shared>>
        tpu.enqueue_indirect_dma source(%arg6 : memref<80x128xf32, #tpu.memory_space<vmem>>) target(%dma_start3A_51 : memref<10000x128xf32, #tpu.memory_space<vmem_shared>>) offsets(%arg5 : memref<80xi32, #tpu.memory_space<vmem>>) semaphore(%run_scoped3A : memref<!tpu.dma_semaphore, #tpu.memory_space<semaphore_mem>>) {add = true}
        %dma_wait3A = arith.constant 0 : i32
        %dma_wait3A_52 = arith.constant 0 : i32
        %dma_wait3A_53 = tpu.memref_slice %arg8[%dma_wait3A, %dma_wait3A_52] : memref<10000x128xf32, #tpu.memory_space<vmem_shared>> -> memref<10000x128xf32, #tpu.memory_space<vmem_shared>>
        tpu.wait_indirect_dma semaphore(%run_scoped3A : memref<!tpu.dma_semaphore, #tpu.memory_space<semaphore_mem>>) src(%arg6 : memref<80x128xf32, #tpu.memory_space<vmem>>) dst(%dma_wait3A_53 : memref<10000x128xf32, #tpu.memory_space<vmem_shared>>)
        tpu.yield
      }) : () -> ()
    }
    %scan3A_14 = arith.constant 250 : i32
    %barrier3A_15 = arith.constant 0 : index
    tpu.barrier barrier_id(%barrier3A_15)
    %lt3A_16 = arith.constant 10 : i32
    %lt3A_17 = arith.cmpi slt, %arg1, %lt3A_16 : i32
    %convert_element_type3A_18 = arith.extui %lt3A_17 : i1 to i32
    %cond3A_19 = arith.constant 0 : i32
    %cond3A_20 = arith.cmpi ne, %convert_element_type3A_18, %cond3A_19 : i32
    scf.if %cond3A_20 {
      %mul3A_44 = arith.constant 1000 : i32
      %mul3A_45 = arith.muli %arg1, %mul3A_44 : i32
      "tpu.region"() ({
        %run_scoped3A = tpu.sem_alloc : memref<!tpu.dma_semaphore, #tpu.memory_space<semaphore_mem>>
        %dma_start3A = arith.constant 0 : i32
        %dma_start3A_46 = tpu.memref_slice %arg4[%add3A_7, %mul3A_45, %dma_start3A] : memref<4x10000x128xf32, #tpu.memory_space<hbm>> -> memref<1x1000x128xf32, #tpu.memory_space<hbm>>
        %dma_start3A_47 = tpu.memref_squeeze %dma_start3A_46 : memref<1x1000x128xf32, #tpu.memory_space<hbm>> -> memref<1000x128xf32, #tpu.memory_space<hbm>>
        %dma_start3A_48 = arith.constant 0 : i32
        %dma_start3A_49 = tpu.memref_slice %arg8[%mul3A_45, %dma_start3A_48] : memref<10000x128xf32, #tpu.memory_space<vmem_shared>> -> memref<1000x128xf32, #tpu.memory_space<vmem_shared>>
        tpu.enqueue_dma source(%dma_start3A_49 : memref<1000x128xf32, #tpu.memory_space<vmem_shared>>) target(%dma_start3A_47 : memref<1000x128xf32, #tpu.memory_space<hbm>>) target_semaphore(%run_scoped3A : memref<!tpu.dma_semaphore, #tpu.memory_space<semaphore_mem>>)
        %dma_wait3A = arith.constant 0 : i32
        %dma_wait3A_50 = tpu.memref_slice %arg4[%add3A_7, %mul3A_45, %dma_wait3A] : memref<4x10000x128xf32, #tpu.memory_space<hbm>> -> memref<1x1000x128xf32, #tpu.memory_space<hbm>>
        %dma_wait3A_51 = tpu.memref_squeeze %dma_wait3A_50 : memref<1x1000x128xf32, #tpu.memory_space<hbm>> -> memref<1000x128xf32, #tpu.memory_space<hbm>>
        %dma_wait3A_52 = arith.constant 0 : i32
        %dma_wait3A_53 = tpu.memref_slice %arg8[%mul3A_45, %dma_wait3A_52] : memref<10000x128xf32, #tpu.memory_space<vmem_shared>> -> memref<1000x128xf32, #tpu.memory_space<vmem_shared>>
        tpu.wait_dma2 semaphore(%run_scoped3A : memref<!tpu.dma_semaphore, #tpu.memory_space<semaphore_mem>>) src(%dma_wait3A_53 : memref<1000x128xf32, #tpu.memory_space<vmem_shared>>) dst(%dma_wait3A_51 : memref<1000x128xf32, #tpu.memory_space<hbm>>)
        tpu.yield
      }) : () -> ()
    } else {
    }
    %barrier3A_21 = arith.constant 0 : index
    tpu.barrier barrier_id(%barrier3A_21)
    %mul3A_22 = arith.constant 2 : i32
    %mul3A_23 = arith.muli %mul3A_22, %arg0 : i32
    %add3A_24 = arith.constant 1 : i32
    %add3A_25 = arith.addi %mul3A_23, %add3A_24 : i32
    %lt3A_26 = arith.constant 10 : i32
    %lt3A_27 = arith.cmpi slt, %arg1, %lt3A_26 : i32
    %convert_element_type3A_28 = arith.extui %lt3A_27 : i1 to i32
    %cond3A_29 = arith.constant 0 : i32
    %cond3A_30 = arith.cmpi ne, %convert_element_type3A_28, %cond3A_29 : i32
    scf.if %cond3A_30 {
      %scan3A_44 = arith.constant 0 : i32
      %scan3A_45 = arith.constant 5 : i32
      %scan3A_46 = arith.addi %scan3A_44, %scan3A_45 : i32
      %scan3A_47 = arith.constant 1 : i32
      scf.for %scan3A_49 = %scan3A_44 to %scan3A_46 step %scan3A_47  : i32 {
        %mul3A_50 = arith.constant 200 : i32
        %mul3A_51 = arith.muli %scan3A_49, %mul3A_50 : i32
        %add3A_52 = arith.constant 0 : i32
        %add3A_53 = arith.addi %add3A_52, %mul3A_51 : i32
        %mul3A_54 = arith.constant 1000 : i32
        %mul3A_55 = arith.muli %arg1, %mul3A_54 : i32
        %add3A_56 = arith.addi %mul3A_55, %add3A_53 : i32
        "tpu.region"() ({
          %run_scoped3A = tpu.sem_alloc : memref<!tpu.dma_semaphore, #tpu.memory_space<semaphore_mem>>
          %dma_start3A = arith.constant 0 : i32
          %dma_start3A_57 = tpu.memref_slice %arg8[%add3A_56, %dma_start3A] : memref<10000x128xf32, #tpu.memory_space<vmem_shared>> -> memref<200x128xf32, #tpu.memory_space<vmem_shared>>
          %dma_start3A_58 = arith.constant 0 : i32
          %dma_start3A_59 = tpu.memref_slice %arg8[%add3A_56, %dma_start3A_58] : memref<10000x128xf32, #tpu.memory_space<vmem_shared>> -> memref<200x128xf32, #tpu.memory_space<vmem_shared>>
          tpu.enqueue_dma source(%arg7 : memref<200x128xf32, #tpu.memory_space<vmem>>) target(%dma_start3A_59 : memref<200x128xf32, #tpu.memory_space<vmem_shared>>) target_semaphore(%run_scoped3A : memref<!tpu.dma_semaphore, #tpu.memory_space<semaphore_mem>>)
          %dma_wait3A = arith.constant 0 : i32
          %dma_wait3A_60 = tpu.memref_slice %arg8[%add3A_56, %dma_wait3A] : memref<10000x128xf32, #tpu.memory_space<vmem_shared>> -> memref<200x128xf32, #tpu.memory_space<vmem_shared>>
          %dma_wait3A_61 = arith.constant 0 : i32
          %dma_wait3A_62 = tpu.memref_slice %arg8[%add3A_56, %dma_wait3A_61] : memref<10000x128xf32, #tpu.memory_space<vmem_shared>> -> memref<200x128xf32, #tpu.memory_space<vmem_shared>>
          tpu.wait_dma2 semaphore(%run_scoped3A : memref<!tpu.dma_semaphore, #tpu.memory_space<semaphore_mem>>) src(%arg7 : memref<200x128xf32, #tpu.memory_space<vmem>>) dst(%dma_wait3A_62 : memref<200x128xf32, #tpu.memory_space<vmem_shared>>)
          tpu.yield
        }) : () -> ()
      }
      %scan3A_48 = arith.constant 5 : i32
    } else {
    }
    %barrier3A_31 = arith.constant 0 : index
    tpu.barrier barrier_id(%barrier3A_31)
    %scan3A_32 = arith.constant 0 : i32
    %scan3A_33 = arith.constant 250 : i32
    %scan3A_34 = arith.addi %scan3A_32, %scan3A_33 : i32
    %scan3A_35 = arith.constant 1 : i32
    scf.for %scan3A_44 = %scan3A_32 to %scan3A_34 step %scan3A_35  : i32 {
      %mul3A_45 = arith.constant 80 : i32
      %mul3A_46 = arith.muli %scan3A_44, %mul3A_45 : i32
      %add3A_47 = arith.constant 0 : i32
      %add3A_48 = arith.addi %add3A_47, %mul3A_46 : i32
      %add3A_49 = arith.addi %mul3A_4, %add3A_48 : i32
      "tpu.region"() ({
        %run_scoped3A = tpu.sem_alloc : memref<!tpu.dma_semaphore, #tpu.memory_space<semaphore_mem>>
        %dma_start3A = tpu.memref_slice %arg2[%add3A_49] : memref<320000xi32, #tpu.memory_space<hbm>> -> memref<80xi32, #tpu.memory_space<hbm>>
        %dma_start3A_50 = tpu.memref_slice %arg2[%add3A_49] : memref<320000xi32, #tpu.memory_space<hbm>> -> memref<80xi32, #tpu.memory_space<hbm>>
        tpu.enqueue_dma source(%dma_start3A_50 : memref<80xi32, #tpu.memory_space<hbm>>) target(%arg5 : memref<80xi32, #tpu.memory_space<vmem>>) target_semaphore(%run_scoped3A : memref<!tpu.dma_semaphore, #tpu.memory_space<semaphore_mem>>)
        %dma_wait3A = tpu.memref_slice %arg2[%add3A_49] : memref<320000xi32, #tpu.memory_space<hbm>> -> memref<80xi32, #tpu.memory_space<hbm>>
        %dma_wait3A_51 = tpu.memref_slice %arg2[%add3A_49] : memref<320000xi32, #tpu.memory_space<hbm>> -> memref<80xi32, #tpu.memory_space<hbm>>
        tpu.wait_dma2 semaphore(%run_scoped3A : memref<!tpu.dma_semaphore, #tpu.memory_space<semaphore_mem>>) src(%dma_wait3A_51 : memref<80xi32, #tpu.memory_space<hbm>>) dst(%arg5 : memref<80xi32, #tpu.memory_space<vmem>>)
        tpu.yield
      }) : () -> ()
      "tpu.region"() ({
        %run_scoped3A = tpu.sem_alloc : memref<!tpu.dma_semaphore, #tpu.memory_space<semaphore_mem>>
        %dma_start3A = arith.constant 0 : i32
        %dma_start3A_50 = tpu.memref_slice %arg3[%add3A_25, %add3A_49, %dma_start3A] : memref<4x320000x128xf32, #tpu.memory_space<hbm>> -> memref<1x80x128xf32, #tpu.memory_space<hbm>>
        %dma_start3A_51 = tpu.memref_squeeze %dma_start3A_50 : memref<1x80x128xf32, #tpu.memory_space<hbm>> -> memref<80x128xf32, #tpu.memory_space<hbm>>
        %dma_start3A_52 = arith.constant 0 : i32
        %dma_start3A_53 = tpu.memref_slice %arg3[%add3A_25, %add3A_49, %dma_start3A_52] : memref<4x320000x128xf32, #tpu.memory_space<hbm>> -> memref<1x80x128xf32, #tpu.memory_space<hbm>>
        %dma_start3A_54 = tpu.memref_squeeze %dma_start3A_53 : memref<1x80x128xf32, #tpu.memory_space<hbm>> -> memref<80x128xf32, #tpu.memory_space<hbm>>
        tpu.enqueue_dma source(%dma_start3A_54 : memref<80x128xf32, #tpu.memory_space<hbm>>) target(%arg6 : memref<80x128xf32, #tpu.memory_space<vmem>>) target_semaphore(%run_scoped3A : memref<!tpu.dma_semaphore, #tpu.memory_space<semaphore_mem>>)
        %dma_wait3A = arith.constant 0 : i32
        %dma_wait3A_55 = tpu.memref_slice %arg3[%add3A_25, %add3A_49, %dma_wait3A] : memref<4x320000x128xf32, #tpu.memory_space<hbm>> -> memref<1x80x128xf32, #tpu.memory_space<hbm>>
        %dma_wait3A_56 = tpu.memref_squeeze %dma_wait3A_55 : memref<1x80x128xf32, #tpu.memory_space<hbm>> -> memref<80x128xf32, #tpu.memory_space<hbm>>
        %dma_wait3A_57 = arith.constant 0 : i32
        %dma_wait3A_58 = tpu.memref_slice %arg3[%add3A_25, %add3A_49, %dma_wait3A_57] : memref<4x320000x128xf32, #tpu.memory_space<hbm>> -> memref<1x80x128xf32, #tpu.memory_space<hbm>>
        %dma_wait3A_59 = tpu.memref_squeeze %dma_wait3A_58 : memref<1x80x128xf32, #tpu.memory_space<hbm>> -> memref<80x128xf32, #tpu.memory_space<hbm>>
        tpu.wait_dma2 semaphore(%run_scoped3A : memref<!tpu.dma_semaphore, #tpu.memory_space<semaphore_mem>>) src(%dma_wait3A_59 : memref<80x128xf32, #tpu.memory_space<hbm>>) dst(%arg6 : memref<80x128xf32, #tpu.memory_space<vmem>>)
        tpu.yield
      }) : () -> ()
      "tpu.region"() ({
        %run_scoped3A = tpu.sem_alloc : memref<!tpu.dma_semaphore, #tpu.memory_space<semaphore_mem>>
        %dma_start3A = arith.constant 0 : i32
        %dma_start3A_50 = arith.constant 0 : i32
        %dma_start3A_51 = tpu.memref_slice %arg8[%dma_start3A, %dma_start3A_50] : memref<10000x128xf32, #tpu.memory_space<vmem_shared>> -> memref<10000x128xf32, #tpu.memory_space<vmem_shared>>
        tpu.enqueue_indirect_dma source(%arg6 : memref<80x128xf32, #tpu.memory_space<vmem>>) target(%dma_start3A_51 : memref<10000x128xf32, #tpu.memory_space<vmem_shared>>) offsets(%arg5 : memref<80xi32, #tpu.memory_space<vmem>>) semaphore(%run_scoped3A : memref<!tpu.dma_semaphore, #tpu.memory_space<semaphore_mem>>) {add = true}
        %dma_wait3A = arith.constant 0 : i32
        %dma_wait3A_52 = arith.constant 0 : i32
        %dma_wait3A_53 = tpu.memref_slice %arg8[%dma_wait3A, %dma_wait3A_52] : memref<10000x128xf32, #tpu.memory_space<vmem_shared>> -> memref<10000x128xf32, #tpu.memory_space<vmem_shared>>
        tpu.wait_indirect_dma semaphore(%run_scoped3A : memref<!tpu.dma_semaphore, #tpu.memory_space<semaphore_mem>>) src(%arg6 : memref<80x128xf32, #tpu.memory_space<vmem>>) dst(%dma_wait3A_53 : memref<10000x128xf32, #tpu.memory_space<vmem_shared>>)
        tpu.yield
      }) : () -> ()
    }
    %scan3A_36 = arith.constant 250 : i32
    %barrier3A_37 = arith.constant 0 : index
    tpu.barrier barrier_id(%barrier3A_37)
    %lt3A_38 = arith.constant 10 : i32
    %lt3A_39 = arith.cmpi slt, %arg1, %lt3A_38 : i32
    %convert_element_type3A_40 = arith.extui %lt3A_39 : i1 to i32
    %cond3A_41 = arith.constant 0 : i32
    %cond3A_42 = arith.cmpi ne, %convert_element_type3A_40, %cond3A_41 : i32
    scf.if %cond3A_42 {
      %mul3A_44 = arith.constant 1000 : i32
      %mul3A_45 = arith.muli %arg1, %mul3A_44 : i32
      "tpu.region"() ({
        %run_scoped3A = tpu.sem_alloc : memref<!tpu.dma_semaphore, #tpu.memory_space<semaphore_mem>>
        %dma_start3A = arith.constant 0 : i32
        %dma_start3A_46 = tpu.memref_slice %arg4[%add3A_25, %mul3A_45, %dma_start3A] : memref<4x10000x128xf32, #tpu.memory_space<hbm>> -> memref<1x1000x128xf32, #tpu.memory_space<hbm>>
        %dma_start3A_47 = tpu.memref_squeeze %dma_start3A_46 : memref<1x1000x128xf32, #tpu.memory_space<hbm>> -> memref<1000x128xf32, #tpu.memory_space<hbm>>
        %dma_start3A_48 = arith.constant 0 : i32
        %dma_start3A_49 = tpu.memref_slice %arg8[%mul3A_45, %dma_start3A_48] : memref<10000x128xf32, #tpu.memory_space<vmem_shared>> -> memref<1000x128xf32, #tpu.memory_space<vmem_shared>>
        tpu.enqueue_dma source(%dma_start3A_49 : memref<1000x128xf32, #tpu.memory_space<vmem_shared>>) target(%dma_start3A_47 : memref<1000x128xf32, #tpu.memory_space<hbm>>) target_semaphore(%run_scoped3A : memref<!tpu.dma_semaphore, #tpu.memory_space<semaphore_mem>>)
        %dma_wait3A = arith.constant 0 : i32
        %dma_wait3A_50 = tpu.memref_slice %arg4[%add3A_25, %mul3A_45, %dma_wait3A] : memref<4x10000x128xf32, #tpu.memory_space<hbm>> -> memref<1x1000x128xf32, #tpu.memory_space<hbm>>
        %dma_wait3A_51 = tpu.memref_squeeze %dma_wait3A_50 : memref<1x1000x128xf32, #tpu.memory_space<hbm>> -> memref<1000x128xf32, #tpu.memory_space<hbm>>
        %dma_wait3A_52 = arith.constant 0 : i32
        %dma_wait3A_53 = tpu.memref_slice %arg8[%mul3A_45, %dma_wait3A_52] : memref<10000x128xf32, #tpu.memory_space<vmem_shared>> -> memref<1000x128xf32, #tpu.memory_space<vmem_shared>>
        tpu.wait_dma2 semaphore(%run_scoped3A : memref<!tpu.dma_semaphore, #tpu.memory_space<semaphore_mem>>) src(%dma_wait3A_53 : memref<1000x128xf32, #tpu.memory_space<vmem_shared>>) dst(%dma_wait3A_51 : memref<1000x128xf32, #tpu.memory_space<hbm>>)
        tpu.yield
      }) : () -> ()
    } else {
    }
    %barrier3A_43 = arith.constant 0 : index
    tpu.barrier barrier_id(%barrier3A_43)
    return
  }
}

#map = affine_map<(d0, d1) -> (0, 0)>
#map1 = affine_map<(d0, d1) -> (0)>
module attributes {stable_mosaic.version = 14 : i64} {
  func.func @k(%arg0: i32, %arg1: i32, %arg2: memref<10000x256xf32, #tpu.memory_space<hbm>>, %arg3: memref<10000x256xf32, #tpu.memory_space<hbm>>, %arg4: memref<10000x256xf32, #tpu.memory_space<hbm>>, %arg5: memref<320000xi32, #tpu.memory_space<hbm>>, %arg6: memref<320000xi32, #tpu.memory_space<hbm>>, %arg7: memref<320000x256xf32, #tpu.memory_space<hbm>>, %arg8: memref<320000x256xf32, #tpu.memory_space<hbm>>, %arg9: memref<320000x256xf32, #tpu.memory_space<hbm>>, %arg10: memref<80xi32, #tpu.memory_space<vmem>>, %arg11: memref<80xi32, #tpu.memory_space<vmem>>, %arg12: memref<80x256xf32, #tpu.memory_space<vmem>>, %arg13: memref<!tpu.dma_semaphore, #tpu.memory_space<semaphore_mem>>) attributes {dimension_semantics = [#tpu.dimension_semantics<core_parallel>, #tpu.dimension_semantics<subcore_parallel>], iteration_bounds = array<i64: 2, 16>, scalar_prefetch = 0 : i64, scratch_operands = 4 : i64, tpu.core_type = #tpu.core_type<sc_vector_subcore>, window_params = [{transform_indices = #map}, {transform_indices = #map}, {transform_indices = #map}, {transform_indices = #map1}, {transform_indices = #map1}, {transform_indices = #map}, {transform_indices = #map}, {transform_indices = #map}]} {
    %mul3A = arith.constant 2 : i32
    %mul3A_0 = arith.muli %arg1, %mul3A : i32
    %add3A = arith.addi %mul3A_0, %arg0 : i32
    %mul3A_1 = arith.constant 10000 : i32
    %mul3A_2 = arith.muli %add3A, %mul3A_1 : i32
    %scan3A = arith.constant 0 : i32
    %scan3A_3 = arith.constant 125 : i32
    %scan3A_4 = arith.addi %scan3A, %scan3A_3 : i32
    %scan3A_5 = arith.constant 1 : i32
    scf.for %scan3A_7 = %scan3A to %scan3A_4 step %scan3A_5  : i32 {
      %mul3A_8 = arith.constant 80 : i32
      %mul3A_9 = arith.muli %scan3A_7, %mul3A_8 : i32
      %add3A_10 = arith.constant 0 : i32
      %add3A_11 = arith.addi %add3A_10, %mul3A_9 : i32
      %add3A_12 = arith.addi %mul3A_2, %add3A_11 : i32
      "tpu.region"() ({
        %run_scoped3A = tpu.sem_alloc : memref<!tpu.dma_semaphore, #tpu.memory_space<semaphore_mem>>
        %dma_start3A_29 = tpu.memref_slice %arg5[%add3A_12] : memref<320000xi32, #tpu.memory_space<hbm>> -> memref<80xi32, #tpu.memory_space<hbm>>
        %dma_start3A_30 = tpu.memref_slice %arg5[%add3A_12] : memref<320000xi32, #tpu.memory_space<hbm>> -> memref<80xi32, #tpu.memory_space<hbm>>
        tpu.enqueue_dma source(%dma_start3A_30 : memref<80xi32, #tpu.memory_space<hbm>>) target(%arg10 : memref<80xi32, #tpu.memory_space<vmem>>) target_semaphore(%run_scoped3A : memref<!tpu.dma_semaphore, #tpu.memory_space<semaphore_mem>>)
        %dma_wait3A_31 = tpu.memref_slice %arg5[%add3A_12] : memref<320000xi32, #tpu.memory_space<hbm>> -> memref<80xi32, #tpu.memory_space<hbm>>
        %dma_wait3A_32 = tpu.memref_slice %arg5[%add3A_12] : memref<320000xi32, #tpu.memory_space<hbm>> -> memref<80xi32, #tpu.memory_space<hbm>>
        tpu.wait_dma2 semaphore(%run_scoped3A : memref<!tpu.dma_semaphore, #tpu.memory_space<semaphore_mem>>) src(%dma_wait3A_32 : memref<80xi32, #tpu.memory_space<hbm>>) dst(%arg10 : memref<80xi32, #tpu.memory_space<vmem>>)
        tpu.yield
      }) : () -> ()
      "tpu.region"() ({
        %run_scoped3A = tpu.sem_alloc : memref<!tpu.dma_semaphore, #tpu.memory_space<semaphore_mem>>
        %dma_start3A_29 = tpu.memref_slice %arg6[%add3A_12] : memref<320000xi32, #tpu.memory_space<hbm>> -> memref<80xi32, #tpu.memory_space<hbm>>
        %dma_start3A_30 = tpu.memref_slice %arg6[%add3A_12] : memref<320000xi32, #tpu.memory_space<hbm>> -> memref<80xi32, #tpu.memory_space<hbm>>
        tpu.enqueue_dma source(%dma_start3A_30 : memref<80xi32, #tpu.memory_space<hbm>>) target(%arg11 : memref<80xi32, #tpu.memory_space<vmem>>) target_semaphore(%run_scoped3A : memref<!tpu.dma_semaphore, #tpu.memory_space<semaphore_mem>>)
        %dma_wait3A_31 = tpu.memref_slice %arg6[%add3A_12] : memref<320000xi32, #tpu.memory_space<hbm>> -> memref<80xi32, #tpu.memory_space<hbm>>
        %dma_wait3A_32 = tpu.memref_slice %arg6[%add3A_12] : memref<320000xi32, #tpu.memory_space<hbm>> -> memref<80xi32, #tpu.memory_space<hbm>>
        tpu.wait_dma2 semaphore(%run_scoped3A : memref<!tpu.dma_semaphore, #tpu.memory_space<semaphore_mem>>) src(%dma_wait3A_32 : memref<80xi32, #tpu.memory_space<hbm>>) dst(%arg11 : memref<80xi32, #tpu.memory_space<vmem>>)
        tpu.yield
      }) : () -> ()
      %dma_start3A = arith.constant 0 : i32
      %dma_start3A_13 = arith.constant 0 : i32
      %dma_start3A_14 = tpu.memref_slice %arg2[%dma_start3A, %dma_start3A_13] : memref<10000x256xf32, #tpu.memory_space<hbm>> -> memref<10000x256xf32, #tpu.memory_space<hbm>>
      tpu.enqueue_indirect_dma source(%dma_start3A_14 : memref<10000x256xf32, #tpu.memory_space<hbm>>) target(%arg12 : memref<80x256xf32, #tpu.memory_space<vmem>>) offsets(%arg10 : memref<80xi32, #tpu.memory_space<vmem>>) semaphore(%arg13 : memref<!tpu.dma_semaphore, #tpu.memory_space<semaphore_mem>>)
      %dma_wait3A = arith.constant 0 : i32
      %dma_wait3A_15 = arith.constant 0 : i32
      %dma_wait3A_16 = tpu.memref_slice %arg2[%dma_wait3A, %dma_wait3A_15] : memref<10000x256xf32, #tpu.memory_space<hbm>> -> memref<10000x256xf32, #tpu.memory_space<hbm>>
      tpu.wait_indirect_dma semaphore(%arg13 : memref<!tpu.dma_semaphore, #tpu.memory_space<semaphore_mem>>) src(%dma_wait3A_16 : memref<10000x256xf32, #tpu.memory_space<hbm>>) dst(%arg12 : memref<80x256xf32, #tpu.memory_space<vmem>>)
      "tpu.region"() ({
        %run_scoped3A = tpu.sem_alloc : memref<!tpu.dma_semaphore, #tpu.memory_space<semaphore_mem>>
        %dma_start3A_29 = arith.constant 0 : i32
        %dma_start3A_30 = tpu.memref_slice %arg7[%add3A_12, %dma_start3A_29] : memref<320000x256xf32, #tpu.memory_space<hbm>> -> memref<80x256xf32, #tpu.memory_space<hbm>>
        %dma_start3A_31 = arith.constant 0 : i32
        %dma_start3A_32 = tpu.memref_slice %arg7[%add3A_12, %dma_start3A_31] : memref<320000x256xf32, #tpu.memory_space<hbm>> -> memref<80x256xf32, #tpu.memory_space<hbm>>
        tpu.enqueue_dma source(%arg12 : memref<80x256xf32, #tpu.memory_space<vmem>>) target(%dma_start3A_32 : memref<80x256xf32, #tpu.memory_space<hbm>>) target_semaphore(%run_scoped3A : memref<!tpu.dma_semaphore, #tpu.memory_space<semaphore_mem>>)
        %dma_wait3A_33 = arith.constant 0 : i32
        %dma_wait3A_34 = tpu.memref_slice %arg7[%add3A_12, %dma_wait3A_33] : memref<320000x256xf32, #tpu.memory_space<hbm>> -> memref<80x256xf32, #tpu.memory_space<hbm>>
        %dma_wait3A_35 = arith.constant 0 : i32
        %dma_wait3A_36 = tpu.memref_slice %arg7[%add3A_12, %dma_wait3A_35] : memref<320000x256xf32, #tpu.memory_space<hbm>> -> memref<80x256xf32, #tpu.memory_space<hbm>>
        tpu.wait_dma2 semaphore(%run_scoped3A : memref<!tpu.dma_semaphore, #tpu.memory_space<semaphore_mem>>) src(%arg12 : memref<80x256xf32, #tpu.memory_space<vmem>>) dst(%dma_wait3A_36 : memref<80x256xf32, #tpu.memory_space<hbm>>)
        tpu.yield
      }) : () -> ()
      %dma_start3A_17 = arith.constant 0 : i32
      %dma_start3A_18 = arith.constant 0 : i32
      %dma_start3A_19 = tpu.memref_slice %arg3[%dma_start3A_17, %dma_start3A_18] : memref<10000x256xf32, #tpu.memory_space<hbm>> -> memref<10000x256xf32, #tpu.memory_space<hbm>>
      tpu.enqueue_indirect_dma source(%dma_start3A_19 : memref<10000x256xf32, #tpu.memory_space<hbm>>) target(%arg12 : memref<80x256xf32, #tpu.memory_space<vmem>>) offsets(%arg11 : memref<80xi32, #tpu.memory_space<vmem>>) semaphore(%arg13 : memref<!tpu.dma_semaphore, #tpu.memory_space<semaphore_mem>>)
      %dma_wait3A_20 = arith.constant 0 : i32
      %dma_wait3A_21 = arith.constant 0 : i32
      %dma_wait3A_22 = tpu.memref_slice %arg3[%dma_wait3A_20, %dma_wait3A_21] : memref<10000x256xf32, #tpu.memory_space<hbm>> -> memref<10000x256xf32, #tpu.memory_space<hbm>>
      tpu.wait_indirect_dma semaphore(%arg13 : memref<!tpu.dma_semaphore, #tpu.memory_space<semaphore_mem>>) src(%dma_wait3A_22 : memref<10000x256xf32, #tpu.memory_space<hbm>>) dst(%arg12 : memref<80x256xf32, #tpu.memory_space<vmem>>)
      "tpu.region"() ({
        %run_scoped3A = tpu.sem_alloc : memref<!tpu.dma_semaphore, #tpu.memory_space<semaphore_mem>>
        %dma_start3A_29 = arith.constant 0 : i32
        %dma_start3A_30 = tpu.memref_slice %arg8[%add3A_12, %dma_start3A_29] : memref<320000x256xf32, #tpu.memory_space<hbm>> -> memref<80x256xf32, #tpu.memory_space<hbm>>
        %dma_start3A_31 = arith.constant 0 : i32
        %dma_start3A_32 = tpu.memref_slice %arg8[%add3A_12, %dma_start3A_31] : memref<320000x256xf32, #tpu.memory_space<hbm>> -> memref<80x256xf32, #tpu.memory_space<hbm>>
        tpu.enqueue_dma source(%arg12 : memref<80x256xf32, #tpu.memory_space<vmem>>) target(%dma_start3A_32 : memref<80x256xf32, #tpu.memory_space<hbm>>) target_semaphore(%run_scoped3A : memref<!tpu.dma_semaphore, #tpu.memory_space<semaphore_mem>>)
        %dma_wait3A_33 = arith.constant 0 : i32
        %dma_wait3A_34 = tpu.memref_slice %arg8[%add3A_12, %dma_wait3A_33] : memref<320000x256xf32, #tpu.memory_space<hbm>> -> memref<80x256xf32, #tpu.memory_space<hbm>>
        %dma_wait3A_35 = arith.constant 0 : i32
        %dma_wait3A_36 = tpu.memref_slice %arg8[%add3A_12, %dma_wait3A_35] : memref<320000x256xf32, #tpu.memory_space<hbm>> -> memref<80x256xf32, #tpu.memory_space<hbm>>
        tpu.wait_dma2 semaphore(%run_scoped3A : memref<!tpu.dma_semaphore, #tpu.memory_space<semaphore_mem>>) src(%arg12 : memref<80x256xf32, #tpu.memory_space<vmem>>) dst(%dma_wait3A_36 : memref<80x256xf32, #tpu.memory_space<hbm>>)
        tpu.yield
      }) : () -> ()
      %dma_start3A_23 = arith.constant 0 : i32
      %dma_start3A_24 = arith.constant 0 : i32
      %dma_start3A_25 = tpu.memref_slice %arg4[%dma_start3A_23, %dma_start3A_24] : memref<10000x256xf32, #tpu.memory_space<hbm>> -> memref<10000x256xf32, #tpu.memory_space<hbm>>
      tpu.enqueue_indirect_dma source(%dma_start3A_25 : memref<10000x256xf32, #tpu.memory_space<hbm>>) target(%arg12 : memref<80x256xf32, #tpu.memory_space<vmem>>) offsets(%arg11 : memref<80xi32, #tpu.memory_space<vmem>>) semaphore(%arg13 : memref<!tpu.dma_semaphore, #tpu.memory_space<semaphore_mem>>)
      %dma_wait3A_26 = arith.constant 0 : i32
      %dma_wait3A_27 = arith.constant 0 : i32
      %dma_wait3A_28 = tpu.memref_slice %arg4[%dma_wait3A_26, %dma_wait3A_27] : memref<10000x256xf32, #tpu.memory_space<hbm>> -> memref<10000x256xf32, #tpu.memory_space<hbm>>
      tpu.wait_indirect_dma semaphore(%arg13 : memref<!tpu.dma_semaphore, #tpu.memory_space<semaphore_mem>>) src(%dma_wait3A_28 : memref<10000x256xf32, #tpu.memory_space<hbm>>) dst(%arg12 : memref<80x256xf32, #tpu.memory_space<vmem>>)
      "tpu.region"() ({
        %run_scoped3A = tpu.sem_alloc : memref<!tpu.dma_semaphore, #tpu.memory_space<semaphore_mem>>
        %dma_start3A_29 = arith.constant 0 : i32
        %dma_start3A_30 = tpu.memref_slice %arg9[%add3A_12, %dma_start3A_29] : memref<320000x256xf32, #tpu.memory_space<hbm>> -> memref<80x256xf32, #tpu.memory_space<hbm>>
        %dma_start3A_31 = arith.constant 0 : i32
        %dma_start3A_32 = tpu.memref_slice %arg9[%add3A_12, %dma_start3A_31] : memref<320000x256xf32, #tpu.memory_space<hbm>> -> memref<80x256xf32, #tpu.memory_space<hbm>>
        tpu.enqueue_dma source(%arg12 : memref<80x256xf32, #tpu.memory_space<vmem>>) target(%dma_start3A_32 : memref<80x256xf32, #tpu.memory_space<hbm>>) target_semaphore(%run_scoped3A : memref<!tpu.dma_semaphore, #tpu.memory_space<semaphore_mem>>)
        %dma_wait3A_33 = arith.constant 0 : i32
        %dma_wait3A_34 = tpu.memref_slice %arg9[%add3A_12, %dma_wait3A_33] : memref<320000x256xf32, #tpu.memory_space<hbm>> -> memref<80x256xf32, #tpu.memory_space<hbm>>
        %dma_wait3A_35 = arith.constant 0 : i32
        %dma_wait3A_36 = tpu.memref_slice %arg9[%add3A_12, %dma_wait3A_35] : memref<320000x256xf32, #tpu.memory_space<hbm>> -> memref<80x256xf32, #tpu.memory_space<hbm>>
        tpu.wait_dma2 semaphore(%run_scoped3A : memref<!tpu.dma_semaphore, #tpu.memory_space<semaphore_mem>>) src(%arg12 : memref<80x256xf32, #tpu.memory_space<vmem>>) dst(%dma_wait3A_36 : memref<80x256xf32, #tpu.memory_space<hbm>>)
        tpu.yield
      }) : () -> ()
    }
    %scan3A_6 = arith.constant 125 : i32
    return
  }
}

#map = affine_map<(d0, d1) -> (0)>
#map1 = affine_map<(d0, d1) -> (0, 0, 0)>
module attributes {stable_mosaic.version = 14 : i64} {
  func.func @k(%arg0: i32, %arg1: i32, %arg2: memref<320000xi32, #tpu.memory_space<hbm>>, %arg3: memref<4x320000x128xf32, #tpu.memory_space<hbm>>, %arg4: memref<4x10000x128xf32, #tpu.memory_space<hbm>>, %arg5: memref<80xi32, #tpu.memory_space<vmem>>, %arg6: memref<80x128xf32, #tpu.memory_space<vmem>>, %arg7: memref<200x128xf32, #tpu.memory_space<vmem>>, %arg8: memref<10000x128xf32, #tpu.memory_space<vmem_shared>>, %arg9: memref<!tpu.dma_semaphore, #tpu.memory_space<semaphore_mem>>) attributes {dimension_semantics = [#tpu.dimension_semantics<core_parallel>, #tpu.dimension_semantics<subcore_parallel>], iteration_bounds = array<i64: 2, 16>, scalar_prefetch = 0 : i64, scratch_operands = 5 : i64, tpu.core_type = #tpu.core_type<sc_vector_subcore>, window_params = [{transform_indices = #map}, {transform_indices = #map1}, {transform_indices = #map1}]} {
    %scan3A = arith.constant 0 : i32
    %scan3A_0 = arith.constant 200 : i32
    %scan3A_1 = arith.addi %scan3A, %scan3A_0 : i32
    %scan3A_2 = arith.constant 1 : i32
    scf.for %scan3A_44 = %scan3A to %scan3A_1 step %scan3A_2  : i32 {
      %mul3A_45 = arith.constant 1 : i32
      %mul3A_46 = arith.muli %scan3A_44, %mul3A_45 : i32
      %add3A_47 = arith.constant 0 : i32
      %add3A_48 = arith.addi %add3A_47, %mul3A_46 : i32
      %broadcast_in_dim3A = arith.constant 0.000000e+00 : f32
      %broadcast_in_dim3A_49 = vector.broadcast %broadcast_in_dim3A : f32 to vector<16xf32>
      %swap3A = arith.index_cast %add3A_48 : i32 to index
      %swap3A_50 = arith.constant 0 : index
      %swap3A_51 = tpu.vector_load %arg7[%swap3A, %swap3A_50] {strides = array<i32>} : memref<200x128xf32, #tpu.memory_space<vmem>>, vector<1x16xf32>,
      %swap3A_52 = vector.shape_cast %swap3A_51 : vector<1x16xf32> to vector<16xf32>
      %swap3A_53 = vector.shape_cast %broadcast_in_dim3A_49 : vector<16xf32> to vector<1x16xf32>
      tpu.vector_store %arg7[%swap3A, %swap3A_50], %swap3A_53 {strides = array<i32>} : memref<200x128xf32, #tpu.memory_space<vmem>>, vector<1x16xf32>,
      %broadcast_in_dim3A_54 = arith.constant 0.000000e+00 : f32
      %broadcast_in_dim3A_55 = vector.broadcast %broadcast_in_dim3A_54 : f32 to vector<16xf32>
      %swap3A_56 = arith.index_cast %add3A_48 : i32 to index
      %swap3A_57 = arith.constant 16 : index
      %swap3A_58 = tpu.vector_load %arg7[%swap3A_56, %swap3A_57] {strides = array<i32>} : memref<200x128xf32, #tpu.memory_space<vmem>>, vector<1x16xf32>,
      %swap3A_59 = vector.shape_cast %swap3A_58 : vector<1x16xf32> to vector<16xf32>
      %swap3A_60 = vector.shape_cast %broadcast_in_dim3A_55 : vector<16xf32> to vector<1x16xf32>
      tpu.vector_store %arg7[%swap3A_56, %swap3A_57], %swap3A_60 {strides = array<i32>} : memref<200x128xf32, #tpu.memory_space<vmem>>, vector<1x16xf32>,
      %broadcast_in_dim3A_61 = arith.constant 0.000000e+00 : f32
      %broadcast_in_dim3A_62 = vector.broadcast %broadcast_in_dim3A_61 : f32 to vector<16xf32>
      %swap3A_63 = arith.index_cast %add3A_48 : i32 to index
      %swap3A_64 = arith.constant 32 : index
      %swap3A_65 = tpu.vector_load %arg7[%swap3A_63, %swap3A_64] {strides = array<i32>} : memref<200x128xf32, #tpu.memory_space<vmem>>, vector<1x16xf32>,
      %swap3A_66 = vector.shape_cast %swap3A_65 : vector<1x16xf32> to vector<16xf32>
      %swap3A_67 = vector.shape_cast %broadcast_in_dim3A_62 : vector<16xf32> to vector<1x16xf32>
      tpu.vector_store %arg7[%swap3A_63, %swap3A_64], %swap3A_67 {strides = array<i32>} : memref<200x128xf32, #tpu.memory_space<vmem>>, vector<1x16xf32>,
      %broadcast_in_dim3A_68 = arith.constant 0.000000e+00 : f32
      %broadcast_in_dim3A_69 = vector.broadcast %broadcast_in_dim3A_68 : f32 to vector<16xf32>
      %swap3A_70 = arith.index_cast %add3A_48 : i32 to index
      %swap3A_71 = arith.constant 48 : index
      %swap3A_72 = tpu.vector_load %arg7[%swap3A_70, %swap3A_71] {strides = array<i32>} : memref<200x128xf32, #tpu.memory_space<vmem>>, vector<1x16xf32>,
      %swap3A_73 = vector.shape_cast %swap3A_72 : vector<1x16xf32> to vector<16xf32>
      %swap3A_74 = vector.shape_cast %broadcast_in_dim3A_69 : vector<16xf32> to vector<1x16xf32>
      tpu.vector_store %arg7[%swap3A_70, %swap3A_71], %swap3A_74 {strides = array<i32>} : memref<200x128xf32, #tpu.memory_space<vmem>>, vector<1x16xf32>,
      %broadcast_in_dim3A_75 = arith.constant 0.000000e+00 : f32
      %broadcast_in_dim3A_76 = vector.broadcast %broadcast_in_dim3A_75 : f32 to vector<16xf32>
      %swap3A_77 = arith.index_cast %add3A_48 : i32 to index
      %swap3A_78 = arith.constant 64 : index
      %swap3A_79 = tpu.vector_load %arg7[%swap3A_77, %swap3A_78] {strides = array<i32>} : memref<200x128xf32, #tpu.memory_space<vmem>>, vector<1x16xf32>,
      %swap3A_80 = vector.shape_cast %swap3A_79 : vector<1x16xf32> to vector<16xf32>
      %swap3A_81 = vector.shape_cast %broadcast_in_dim3A_76 : vector<16xf32> to vector<1x16xf32>
      tpu.vector_store %arg7[%swap3A_77, %swap3A_78], %swap3A_81 {strides = array<i32>} : memref<200x128xf32, #tpu.memory_space<vmem>>, vector<1x16xf32>,
      %broadcast_in_dim3A_82 = arith.constant 0.000000e+00 : f32
      %broadcast_in_dim3A_83 = vector.broadcast %broadcast_in_dim3A_82 : f32 to vector<16xf32>
      %swap3A_84 = arith.index_cast %add3A_48 : i32 to index
      %swap3A_85 = arith.constant 80 : index
      %swap3A_86 = tpu.vector_load %arg7[%swap3A_84, %swap3A_85] {strides = array<i32>} : memref<200x128xf32, #tpu.memory_space<vmem>>, vector<1x16xf32>,
      %swap3A_87 = vector.shape_cast %swap3A_86 : vector<1x16xf32> to vector<16xf32>
      %swap3A_88 = vector.shape_cast %broadcast_in_dim3A_83 : vector<16xf32> to vector<1x16xf32>
      tpu.vector_store %arg7[%swap3A_84, %swap3A_85], %swap3A_88 {strides = array<i32>} : memref<200x128xf32, #tpu.memory_space<vmem>>, vector<1x16xf32>,
      %broadcast_in_dim3A_89 = arith.constant 0.000000e+00 : f32
      %broadcast_in_dim3A_90 = vector.broadcast %broadcast_in_dim3A_89 : f32 to vector<16xf32>
      %swap3A_91 = arith.index_cast %add3A_48 : i32 to index
      %swap3A_92 = arith.constant 96 : index
      %swap3A_93 = tpu.vector_load %arg7[%swap3A_91, %swap3A_92] {strides = array<i32>} : memref<200x128xf32, #tpu.memory_space<vmem>>, vector<1x16xf32>,
      %swap3A_94 = vector.shape_cast %swap3A_93 : vector<1x16xf32> to vector<16xf32>
      %swap3A_95 = vector.shape_cast %broadcast_in_dim3A_90 : vector<16xf32> to vector<1x16xf32>
      tpu.vector_store %arg7[%swap3A_91, %swap3A_92], %swap3A_95 {strides = array<i32>} : memref<200x128xf32, #tpu.memory_space<vmem>>, vector<1x16xf32>,
      %broadcast_in_dim3A_96 = arith.constant 0.000000e+00 : f32
      %broadcast_in_dim3A_97 = vector.broadcast %broadcast_in_dim3A_96 : f32 to vector<16xf32>
      %swap3A_98 = arith.index_cast %add3A_48 : i32 to index
      %swap3A_99 = arith.constant 112 : index
      %swap3A_100 = tpu.vector_load %arg7[%swap3A_98, %swap3A_99] {strides = array<i32>} : memref<200x128xf32, #tpu.memory_space<vmem>>, vector<1x16xf32>,
      %swap3A_101 = vector.shape_cast %swap3A_100 : vector<1x16xf32> to vector<16xf32>
      %swap3A_102 = vector.shape_cast %broadcast_in_dim3A_97 : vector<16xf32> to vector<1x16xf32>
      tpu.vector_store %arg7[%swap3A_98, %swap3A_99], %swap3A_102 {strides = array<i32>} : memref<200x128xf32, #tpu.memory_space<vmem>>, vector<1x16xf32>,
    }
    %scan3A_3 = arith.constant 200 : i32
    %mul3A = arith.constant 20000 : i32
    %mul3A_4 = arith.muli %arg1, %mul3A : i32
    %mul3A_5 = arith.constant 2 : i32
    %mul3A_6 = arith.muli %mul3A_5, %arg0 : i32
    %add3A = arith.constant 0 : i32
    %add3A_7 = arith.addi %mul3A_6, %add3A : i32
    %lt3A = arith.constant 10 : i32
    %lt3A_8 = arith.cmpi slt, %arg1, %lt3A : i32
    %convert_element_type3A = arith.extui %lt3A_8 : i1 to i32
    %cond3A = arith.constant 0 : i32
    %cond3A_9 = arith.cmpi ne, %convert_element_type3A, %cond3A : i32
    scf.if %cond3A_9 {
      %scan3A_44 = arith.constant 0 : i32
      %scan3A_45 = arith.constant 5 : i32
      %scan3A_46 = arith.addi %scan3A_44, %scan3A_45 : i32
      %scan3A_47 = arith.constant 1 : i32
      scf.for %scan3A_49 = %scan3A_44 to %scan3A_46 step %scan3A_47  : i32 {
        %mul3A_50 = arith.constant 200 : i32
        %mul3A_51 = arith.muli %scan3A_49, %mul3A_50 : i32
        %add3A_52 = arith.constant 0 : i32
        %add3A_53 = arith.addi %add3A_52, %mul3A_51 : i32
        %mul3A_54 = arith.constant 1000 : i32
        %mul3A_55 = arith.muli %arg1, %mul3A_54 : i32
        %add3A_56 = arith.addi %mul3A_55, %add3A_53 : i32
        "tpu.region"() ({
          %run_scoped3A = tpu.sem_alloc : memref<!tpu.dma_semaphore, #tpu.memory_space<semaphore_mem>>
          %dma_start3A = arith.constant 0 : i32
          %dma_start3A_57 = tpu.memref_slice %arg8[%add3A_56, %dma_start3A] : memref<10000x128xf32, #tpu.memory_space<vmem_shared>> -> memref<200x128xf32, #tpu.memory_space<vmem_shared>>
          %dma_start3A_58 = arith.constant 0 : i32
          %dma_start3A_59 = tpu.memref_slice %arg8[%add3A_56, %dma_start3A_58] : memref<10000x128xf32, #tpu.memory_space<vmem_shared>> -> memref<200x128xf32, #tpu.memory_space<vmem_shared>>
          tpu.enqueue_dma source(%arg7 : memref<200x128xf32, #tpu.memory_space<vmem>>) target(%dma_start3A_59 : memref<200x128xf32, #tpu.memory_space<vmem_shared>>) target_semaphore(%run_scoped3A : memref<!tpu.dma_semaphore, #tpu.memory_space<semaphore_mem>>)
          %dma_wait3A = arith.constant 0 : i32
          %dma_wait3A_60 = tpu.memref_slice %arg8[%add3A_56, %dma_wait3A] : memref<10000x128xf32, #tpu.memory_space<vmem_shared>> -> memref<200x128xf32, #tpu.memory_space<vmem_shared>>
          %dma_wait3A_61 = arith.constant 0 : i32
          %dma_wait3A_62 = tpu.memref_slice %arg8[%add3A_56, %dma_wait3A_61] : memref<10000x128xf32, #tpu.memory_space<vmem_shared>> -> memref<200x128xf32, #tpu.memory_space<vmem_shared>>
          tpu.wait_dma2 semaphore(%run_scoped3A : memref<!tpu.dma_semaphore, #tpu.memory_space<semaphore_mem>>) src(%arg7 : memref<200x128xf32, #tpu.memory_space<vmem>>) dst(%dma_wait3A_62 : memref<200x128xf32, #tpu.memory_space<vmem_shared>>)
          tpu.yield
        }) : () -> ()
      }
      %scan3A_48 = arith.constant 5 : i32
    } else {
    }
    %barrier3A = arith.constant 0 : index
    tpu.barrier barrier_id(%barrier3A)
    %scan3A_10 = arith.constant 0 : i32
    %scan3A_11 = arith.constant 250 : i32
    %scan3A_12 = arith.addi %scan3A_10, %scan3A_11 : i32
    %scan3A_13 = arith.constant 1 : i32
    scf.for %scan3A_44 = %scan3A_10 to %scan3A_12 step %scan3A_13  : i32 {
      %mul3A_45 = arith.constant 80 : i32
      %mul3A_46 = arith.muli %scan3A_44, %mul3A_45 : i32
      %add3A_47 = arith.constant 0 : i32
      %add3A_48 = arith.addi %add3A_47, %mul3A_46 : i32
      %add3A_49 = arith.addi %mul3A_4, %add3A_48 : i32
      "tpu.region"() ({
        %run_scoped3A = tpu.sem_alloc : memref<!tpu.dma_semaphore, #tpu.memory_space<semaphore_mem>>
        %dma_start3A = tpu.memref_slice %arg2[%add3A_49] : memref<320000xi32, #tpu.memory_space<hbm>> -> memref<80xi32, #tpu.memory_space<hbm>>
        %dma_start3A_50 = tpu.memref_slice %arg2[%add3A_49] : memref<320000xi32, #tpu.memory_space<hbm>> -> memref<80xi32, #tpu.memory_space<hbm>>
        tpu.enqueue_dma source(%dma_start3A_50 : memref<80xi32, #tpu.memory_space<hbm>>) target(%arg5 : memref<80xi32, #tpu.memory_space<vmem>>) target_semaphore(%run_scoped3A : memref<!tpu.dma_semaphore, #tpu.memory_space<semaphore_mem>>)
        %dma_wait3A = tpu.memref_slice %arg2[%add3A_49] : memref<320000xi32, #tpu.memory_space<hbm>> -> memref<80xi32, #tpu.memory_space<hbm>>
        %dma_wait3A_51 = tpu.memref_slice %arg2[%add3A_49] : memref<320000xi32, #tpu.memory_space<hbm>> -> memref<80xi32, #tpu.memory_space<hbm>>
        tpu.wait_dma2 semaphore(%run_scoped3A : memref<!tpu.dma_semaphore, #tpu.memory_space<semaphore_mem>>) src(%dma_wait3A_51 : memref<80xi32, #tpu.memory_space<hbm>>) dst(%arg5 : memref<80xi32, #tpu.memory_space<vmem>>)
        tpu.yield
      }) : () -> ()
      "tpu.region"() ({
        %run_scoped3A = tpu.sem_alloc : memref<!tpu.dma_semaphore, #tpu.memory_space<semaphore_mem>>
        %dma_start3A = arith.constant 0 : i32
        %dma_start3A_50 = tpu.memref_slice %arg3[%add3A_7, %add3A_49, %dma_start3A] : memref<4x320000x128xf32, #tpu.memory_space<hbm>> -> memref<1x80x128xf32, #tpu.memory_space<hbm>>
        %dma_start3A_51 = tpu.memref_squeeze %dma_start3A_50 : memref<1x80x128xf32, #tpu.memory_space<hbm>> -> memref<80x128xf32, #tpu.memory_space<hbm>>
        %dma_start3A_52 = arith.constant 0 : i32
        %dma_start3A_53 = tpu.memref_slice %arg3[%add3A_7, %add3A_49, %dma_start3A_52] : memref<4x320000x128xf32, #tpu.memory_space<hbm>> -> memref<1x80x128xf32, #tpu.memory_space<hbm>>
        %dma_start3A_54 = tpu.memref_squeeze %dma_start3A_53 : memref<1x80x128xf32, #tpu.memory_space<hbm>> -> memref<80x128xf32, #tpu.memory_space<hbm>>
        tpu.enqueue_dma source(%dma_start3A_54 : memref<80x128xf32, #tpu.memory_space<hbm>>) target(%arg6 : memref<80x128xf32, #tpu.memory_space<vmem>>) target_semaphore(%run_scoped3A : memref<!tpu.dma_semaphore, #tpu.memory_space<semaphore_mem>>)
        %dma_wait3A = arith.constant 0 : i32
        %dma_wait3A_55 = tpu.memref_slice %arg3[%add3A_7, %add3A_49, %dma_wait3A] : memref<4x320000x128xf32, #tpu.memory_space<hbm>> -> memref<1x80x128xf32, #tpu.memory_space<hbm>>
        %dma_wait3A_56 = tpu.memref_squeeze %dma_wait3A_55 : memref<1x80x128xf32, #tpu.memory_space<hbm>> -> memref<80x128xf32, #tpu.memory_space<hbm>>
        %dma_wait3A_57 = arith.constant 0 : i32
        %dma_wait3A_58 = tpu.memref_slice %arg3[%add3A_7, %add3A_49, %dma_wait3A_57] : memref<4x320000x128xf32, #tpu.memory_space<hbm>> -> memref<1x80x128xf32, #tpu.memory_space<hbm>>
        %dma_wait3A_59 = tpu.memref_squeeze %dma_wait3A_58 : memref<1x80x128xf32, #tpu.memory_space<hbm>> -> memref<80x128xf32, #tpu.memory_space<hbm>>
        tpu.wait_dma2 semaphore(%run_scoped3A : memref<!tpu.dma_semaphore, #tpu.memory_space<semaphore_mem>>) src(%dma_wait3A_59 : memref<80x128xf32, #tpu.memory_space<hbm>>) dst(%arg6 : memref<80x128xf32, #tpu.memory_space<vmem>>)
        tpu.yield
      }) : () -> ()
      "tpu.region"() ({
        %run_scoped3A = tpu.sem_alloc : memref<!tpu.dma_semaphore, #tpu.memory_space<semaphore_mem>>
        %dma_start3A = arith.constant 0 : i32
        %dma_start3A_50 = arith.constant 0 : i32
        %dma_start3A_51 = tpu.memref_slice %arg8[%dma_start3A, %dma_start3A_50] : memref<10000x128xf32, #tpu.memory_space<vmem_shared>> -> memref<10000x128xf32, #tpu.memory_space<vmem_shared>>
        tpu.enqueue_indirect_dma source(%arg6 : memref<80x128xf32, #tpu.memory_space<vmem>>) target(%dma_start3A_51 : memref<10000x128xf32, #tpu.memory_space<vmem_shared>>) offsets(%arg5 : memref<80xi32, #tpu.memory_space<vmem>>) semaphore(%run_scoped3A : memref<!tpu.dma_semaphore, #tpu.memory_space<semaphore_mem>>) {add = true}
        %dma_wait3A = arith.constant 0 : i32
        %dma_wait3A_52 = arith.constant 0 : i32
        %dma_wait3A_53 = tpu.memref_slice %arg8[%dma_wait3A, %dma_wait3A_52] : memref<10000x128xf32, #tpu.memory_space<vmem_shared>> -> memref<10000x128xf32, #tpu.memory_space<vmem_shared>>
        tpu.wait_indirect_dma semaphore(%run_scoped3A : memref<!tpu.dma_semaphore, #tpu.memory_space<semaphore_mem>>) src(%arg6 : memref<80x128xf32, #tpu.memory_space<vmem>>) dst(%dma_wait3A_53 : memref<10000x128xf32, #tpu.memory_space<vmem_shared>>)
        tpu.yield
      }) : () -> ()
    }
    %scan3A_14 = arith.constant 250 : i32
    %barrier3A_15 = arith.constant 0 : index
    tpu.barrier barrier_id(%barrier3A_15)
    %lt3A_16 = arith.constant 10 : i32
    %lt3A_17 = arith.cmpi slt, %arg1, %lt3A_16 : i32
    %convert_element_type3A_18 = arith.extui %lt3A_17 : i1 to i32
    %cond3A_19 = arith.constant 0 : i32
    %cond3A_20 = arith.cmpi ne, %convert_element_type3A_18, %cond3A_19 : i32
    scf.if %cond3A_20 {
      %mul3A_44 = arith.constant 1000 : i32
      %mul3A_45 = arith.muli %arg1, %mul3A_44 : i32
      "tpu.region"() ({
        %run_scoped3A = tpu.sem_alloc : memref<!tpu.dma_semaphore, #tpu.memory_space<semaphore_mem>>
        %dma_start3A = arith.constant 0 : i32
        %dma_start3A_46 = tpu.memref_slice %arg4[%add3A_7, %mul3A_45, %dma_start3A] : memref<4x10000x128xf32, #tpu.memory_space<hbm>> -> memref<1x1000x128xf32, #tpu.memory_space<hbm>>
        %dma_start3A_47 = tpu.memref_squeeze %dma_start3A_46 : memref<1x1000x128xf32, #tpu.memory_space<hbm>> -> memref<1000x128xf32, #tpu.memory_space<hbm>>
        %dma_start3A_48 = arith.constant 0 : i32
        %dma_start3A_49 = tpu.memref_slice %arg8[%mul3A_45, %dma_start3A_48] : memref<10000x128xf32, #tpu.memory_space<vmem_shared>> -> memref<1000x128xf32, #tpu.memory_space<vmem_shared>>
        tpu.enqueue_dma source(%dma_start3A_49 : memref<1000x128xf32, #tpu.memory_space<vmem_shared>>) target(%dma_start3A_47 : memref<1000x128xf32, #tpu.memory_space<hbm>>) target_semaphore(%run_scoped3A : memref<!tpu.dma_semaphore, #tpu.memory_space<semaphore_mem>>)
        %dma_wait3A = arith.constant 0 : i32
        %dma_wait3A_50 = tpu.memref_slice %arg4[%add3A_7, %mul3A_45, %dma_wait3A] : memref<4x10000x128xf32, #tpu.memory_space<hbm>> -> memref<1x1000x128xf32, #tpu.memory_space<hbm>>
        %dma_wait3A_51 = tpu.memref_squeeze %dma_wait3A_50 : memref<1x1000x128xf32, #tpu.memory_space<hbm>> -> memref<1000x128xf32, #tpu.memory_space<hbm>>
        %dma_wait3A_52 = arith.constant 0 : i32
        %dma_wait3A_53 = tpu.memref_slice %arg8[%mul3A_45, %dma_wait3A_52] : memref<10000x128xf32, #tpu.memory_space<vmem_shared>> -> memref<1000x128xf32, #tpu.memory_space<vmem_shared>>
        tpu.wait_dma2 semaphore(%run_scoped3A : memref<!tpu.dma_semaphore, #tpu.memory_space<semaphore_mem>>) src(%dma_wait3A_53 : memref<1000x128xf32, #tpu.memory_space<vmem_shared>>) dst(%dma_wait3A_51 : memref<1000x128xf32, #tpu.memory_space<hbm>>)
        tpu.yield
      }) : () -> ()
    } else {
    }
    %barrier3A_21 = arith.constant 0 : index
    tpu.barrier barrier_id(%barrier3A_21)
    %mul3A_22 = arith.constant 2 : i32
    %mul3A_23 = arith.muli %mul3A_22, %arg0 : i32
    %add3A_24 = arith.constant 1 : i32
    %add3A_25 = arith.addi %mul3A_23, %add3A_24 : i32
    %lt3A_26 = arith.constant 10 : i32
    %lt3A_27 = arith.cmpi slt, %arg1, %lt3A_26 : i32
    %convert_element_type3A_28 = arith.extui %lt3A_27 : i1 to i32
    %cond3A_29 = arith.constant 0 : i32
    %cond3A_30 = arith.cmpi ne, %convert_element_type3A_28, %cond3A_29 : i32
    scf.if %cond3A_30 {
      %scan3A_44 = arith.constant 0 : i32
      %scan3A_45 = arith.constant 5 : i32
      %scan3A_46 = arith.addi %scan3A_44, %scan3A_45 : i32
      %scan3A_47 = arith.constant 1 : i32
      scf.for %scan3A_49 = %scan3A_44 to %scan3A_46 step %scan3A_47  : i32 {
        %mul3A_50 = arith.constant 200 : i32
        %mul3A_51 = arith.muli %scan3A_49, %mul3A_50 : i32
        %add3A_52 = arith.constant 0 : i32
        %add3A_53 = arith.addi %add3A_52, %mul3A_51 : i32
        %mul3A_54 = arith.constant 1000 : i32
        %mul3A_55 = arith.muli %arg1, %mul3A_54 : i32
        %add3A_56 = arith.addi %mul3A_55, %add3A_53 : i32
        "tpu.region"() ({
          %run_scoped3A = tpu.sem_alloc : memref<!tpu.dma_semaphore, #tpu.memory_space<semaphore_mem>>
          %dma_start3A = arith.constant 0 : i32
          %dma_start3A_57 = tpu.memref_slice %arg8[%add3A_56, %dma_start3A] : memref<10000x128xf32, #tpu.memory_space<vmem_shared>> -> memref<200x128xf32, #tpu.memory_space<vmem_shared>>
          %dma_start3A_58 = arith.constant 0 : i32
          %dma_start3A_59 = tpu.memref_slice %arg8[%add3A_56, %dma_start3A_58] : memref<10000x128xf32, #tpu.memory_space<vmem_shared>> -> memref<200x128xf32, #tpu.memory_space<vmem_shared>>
          tpu.enqueue_dma source(%arg7 : memref<200x128xf32, #tpu.memory_space<vmem>>) target(%dma_start3A_59 : memref<200x128xf32, #tpu.memory_space<vmem_shared>>) target_semaphore(%run_scoped3A : memref<!tpu.dma_semaphore, #tpu.memory_space<semaphore_mem>>)
          %dma_wait3A = arith.constant 0 : i32
          %dma_wait3A_60 = tpu.memref_slice %arg8[%add3A_56, %dma_wait3A] : memref<10000x128xf32, #tpu.memory_space<vmem_shared>> -> memref<200x128xf32, #tpu.memory_space<vmem_shared>>
          %dma_wait3A_61 = arith.constant 0 : i32
          %dma_wait3A_62 = tpu.memref_slice %arg8[%add3A_56, %dma_wait3A_61] : memref<10000x128xf32, #tpu.memory_space<vmem_shared>> -> memref<200x128xf32, #tpu.memory_space<vmem_shared>>
          tpu.wait_dma2 semaphore(%run_scoped3A : memref<!tpu.dma_semaphore, #tpu.memory_space<semaphore_mem>>) src(%arg7 : memref<200x128xf32, #tpu.memory_space<vmem>>) dst(%dma_wait3A_62 : memref<200x128xf32, #tpu.memory_space<vmem_shared>>)
          tpu.yield
        }) : () -> ()
      }
      %scan3A_48 = arith.constant 5 : i32
    } else {
    }
    %barrier3A_31 = arith.constant 0 : index
    tpu.barrier barrier_id(%barrier3A_31)
    %scan3A_32 = arith.constant 0 : i32
    %scan3A_33 = arith.constant 250 : i32
    %scan3A_34 = arith.addi %scan3A_32, %scan3A_33 : i32
    %scan3A_35 = arith.constant 1 : i32
    scf.for %scan3A_44 = %scan3A_32 to %scan3A_34 step %scan3A_35  : i32 {
      %mul3A_45 = arith.constant 80 : i32
      %mul3A_46 = arith.muli %scan3A_44, %mul3A_45 : i32
      %add3A_47 = arith.constant 0 : i32
      %add3A_48 = arith.addi %add3A_47, %mul3A_46 : i32
      %add3A_49 = arith.addi %mul3A_4, %add3A_48 : i32
      "tpu.region"() ({
        %run_scoped3A = tpu.sem_alloc : memref<!tpu.dma_semaphore, #tpu.memory_space<semaphore_mem>>
        %dma_start3A = tpu.memref_slice %arg2[%add3A_49] : memref<320000xi32, #tpu.memory_space<hbm>> -> memref<80xi32, #tpu.memory_space<hbm>>
        %dma_start3A_50 = tpu.memref_slice %arg2[%add3A_49] : memref<320000xi32, #tpu.memory_space<hbm>> -> memref<80xi32, #tpu.memory_space<hbm>>
        tpu.enqueue_dma source(%dma_start3A_50 : memref<80xi32, #tpu.memory_space<hbm>>) target(%arg5 : memref<80xi32, #tpu.memory_space<vmem>>) target_semaphore(%run_scoped3A : memref<!tpu.dma_semaphore, #tpu.memory_space<semaphore_mem>>)
        %dma_wait3A = tpu.memref_slice %arg2[%add3A_49] : memref<320000xi32, #tpu.memory_space<hbm>> -> memref<80xi32, #tpu.memory_space<hbm>>
        %dma_wait3A_51 = tpu.memref_slice %arg2[%add3A_49] : memref<320000xi32, #tpu.memory_space<hbm>> -> memref<80xi32, #tpu.memory_space<hbm>>
        tpu.wait_dma2 semaphore(%run_scoped3A : memref<!tpu.dma_semaphore, #tpu.memory_space<semaphore_mem>>) src(%dma_wait3A_51 : memref<80xi32, #tpu.memory_space<hbm>>) dst(%arg5 : memref<80xi32, #tpu.memory_space<vmem>>)
        tpu.yield
      }) : () -> ()
      "tpu.region"() ({
        %run_scoped3A = tpu.sem_alloc : memref<!tpu.dma_semaphore, #tpu.memory_space<semaphore_mem>>
        %dma_start3A = arith.constant 0 : i32
        %dma_start3A_50 = tpu.memref_slice %arg3[%add3A_25, %add3A_49, %dma_start3A] : memref<4x320000x128xf32, #tpu.memory_space<hbm>> -> memref<1x80x128xf32, #tpu.memory_space<hbm>>
        %dma_start3A_51 = tpu.memref_squeeze %dma_start3A_50 : memref<1x80x128xf32, #tpu.memory_space<hbm>> -> memref<80x128xf32, #tpu.memory_space<hbm>>
        %dma_start3A_52 = arith.constant 0 : i32
        %dma_start3A_53 = tpu.memref_slice %arg3[%add3A_25, %add3A_49, %dma_start3A_52] : memref<4x320000x128xf32, #tpu.memory_space<hbm>> -> memref<1x80x128xf32, #tpu.memory_space<hbm>>
        %dma_start3A_54 = tpu.memref_squeeze %dma_start3A_53 : memref<1x80x128xf32, #tpu.memory_space<hbm>> -> memref<80x128xf32, #tpu.memory_space<hbm>>
        tpu.enqueue_dma source(%dma_start3A_54 : memref<80x128xf32, #tpu.memory_space<hbm>>) target(%arg6 : memref<80x128xf32, #tpu.memory_space<vmem>>) target_semaphore(%run_scoped3A : memref<!tpu.dma_semaphore, #tpu.memory_space<semaphore_mem>>)
        %dma_wait3A = arith.constant 0 : i32
        %dma_wait3A_55 = tpu.memref_slice %arg3[%add3A_25, %add3A_49, %dma_wait3A] : memref<4x320000x128xf32, #tpu.memory_space<hbm>> -> memref<1x80x128xf32, #tpu.memory_space<hbm>>
        %dma_wait3A_56 = tpu.memref_squeeze %dma_wait3A_55 : memref<1x80x128xf32, #tpu.memory_space<hbm>> -> memref<80x128xf32, #tpu.memory_space<hbm>>
        %dma_wait3A_57 = arith.constant 0 : i32
        %dma_wait3A_58 = tpu.memref_slice %arg3[%add3A_25, %add3A_49, %dma_wait3A_57] : memref<4x320000x128xf32, #tpu.memory_space<hbm>> -> memref<1x80x128xf32, #tpu.memory_space<hbm>>
        %dma_wait3A_59 = tpu.memref_squeeze %dma_wait3A_58 : memref<1x80x128xf32, #tpu.memory_space<hbm>> -> memref<80x128xf32, #tpu.memory_space<hbm>>
        tpu.wait_dma2 semaphore(%run_scoped3A : memref<!tpu.dma_semaphore, #tpu.memory_space<semaphore_mem>>) src(%dma_wait3A_59 : memref<80x128xf32, #tpu.memory_space<hbm>>) dst(%arg6 : memref<80x128xf32, #tpu.memory_space<vmem>>)
        tpu.yield
      }) : () -> ()
      "tpu.region"() ({
        %run_scoped3A = tpu.sem_alloc : memref<!tpu.dma_semaphore, #tpu.memory_space<semaphore_mem>>
        %dma_start3A = arith.constant 0 : i32
        %dma_start3A_50 = arith.constant 0 : i32
        %dma_start3A_51 = tpu.memref_slice %arg8[%dma_start3A, %dma_start3A_50] : memref<10000x128xf32, #tpu.memory_space<vmem_shared>> -> memref<10000x128xf32, #tpu.memory_space<vmem_shared>>
        tpu.enqueue_indirect_dma source(%arg6 : memref<80x128xf32, #tpu.memory_space<vmem>>) target(%dma_start3A_51 : memref<10000x128xf32, #tpu.memory_space<vmem_shared>>) offsets(%arg5 : memref<80xi32, #tpu.memory_space<vmem>>) semaphore(%run_scoped3A : memref<!tpu.dma_semaphore, #tpu.memory_space<semaphore_mem>>) {add = true}
        %dma_wait3A = arith.constant 0 : i32
        %dma_wait3A_52 = arith.constant 0 : i32
        %dma_wait3A_53 = tpu.memref_slice %arg8[%dma_wait3A, %dma_wait3A_52] : memref<10000x128xf32, #tpu.memory_space<vmem_shared>> -> memref<10000x128xf32, #tpu.memory_space<vmem_shared>>
        tpu.wait_indirect_dma semaphore(%run_scoped3A : memref<!tpu.dma_semaphore, #tpu.memory_space<semaphore_mem>>) src(%arg6 : memref<80x128xf32, #tpu.memory_space<vmem>>) dst(%dma_wait3A_53 : memref<10000x128xf32, #tpu.memory_space<vmem_shared>>)
        tpu.yield
      }) : () -> ()
    }
    %scan3A_36 = arith.constant 250 : i32
    %barrier3A_37 = arith.constant 0 : index
    tpu.barrier barrier_id(%barrier3A_37)
    %lt3A_38 = arith.constant 10 : i32
    %lt3A_39 = arith.cmpi slt, %arg1, %lt3A_38 : i32
    %convert_element_type3A_40 = arith.extui %lt3A_39 : i1 to i32
    %cond3A_41 = arith.constant 0 : i32
    %cond3A_42 = arith.cmpi ne, %convert_element_type3A_40, %cond3A_41 : i32
    scf.if %cond3A_42 {
      %mul3A_44 = arith.constant 1000 : i32
      %mul3A_45 = arith.muli %arg1, %mul3A_44 : i32
      "tpu.region"() ({
        %run_scoped3A = tpu.sem_alloc : memref<!tpu.dma_semaphore, #tpu.memory_space<semaphore_mem>>
        %dma_start3A = arith.constant 0 : i32
        %dma_start3A_46 = tpu.memref_slice %arg4[%add3A_25, %mul3A_45, %dma_start3A] : memref<4x10000x128xf32, #tpu.memory_space<hbm>> -> memref<1x1000x128xf32, #tpu.memory_space<hbm>>
        %dma_start3A_47 = tpu.memref_squeeze %dma_start3A_46 : memref<1x1000x128xf32, #tpu.memory_space<hbm>> -> memref<1000x128xf32, #tpu.memory_space<hbm>>
        %dma_start3A_48 = arith.constant 0 : i32
        %dma_start3A_49 = tpu.memref_slice %arg8[%mul3A_45, %dma_start3A_48] : memref<10000x128xf32, #tpu.memory_space<vmem_shared>> -> memref<1000x128xf32, #tpu.memory_space<vmem_shared>>
        tpu.enqueue_dma source(%dma_start3A_49 : memref<1000x128xf32, #tpu.memory_space<vmem_shared>>) target(%dma_start3A_47 : memref<1000x128xf32, #tpu.memory_space<hbm>>) target_semaphore(%run_scoped3A : memref<!tpu.dma_semaphore, #tpu.memory_space<semaphore_mem>>)
        %dma_wait3A = arith.constant 0 : i32
        %dma_wait3A_50 = tpu.memref_slice %arg4[%add3A_25, %mul3A_45, %dma_wait3A] : memref<4x10000x128xf32, #tpu.memory_space<hbm>> -> memref<1x1000x128xf32, #tpu.memory_space<hbm>>
        %dma_wait3A_51 = tpu.memref_squeeze %dma_wait3A_50 : memref<1x1000x128xf32, #tpu.memory_space<hbm>> -> memref<1000x128xf32, #tpu.memory_space<hbm>>
        %dma_wait3A_52 = arith.constant 0 : i32
        %dma_wait3A_53 = tpu.memref_slice %arg8[%mul3A_45, %dma_wait3A_52] : memref<10000x128xf32, #tpu.memory_space<vmem_shared>> -> memref<1000x128xf32, #tpu.memory_space<vmem_shared>>
        tpu.wait_dma2 semaphore(%run_scoped3A : memref<!tpu.dma_semaphore, #tpu.memory_space<semaphore_mem>>) src(%dma_wait3A_53 : memref<1000x128xf32, #tpu.memory_space<vmem_shared>>) dst(%dma_wait3A_51 : memref<1000x128xf32, #tpu.memory_space<hbm>>)
        tpu.yield
      }) : () -> ()
    } else {
    }
    %barrier3A_43 = arith.constant 0 : index
    tpu.barrier barrier_id(%barrier3A_43)
    return
  }
}

module attributes {stable_mosaic.version = 14 : i64} {
  func.func @_mm_body(%arg0: i32, %arg1: memref<1000x256xf32, #tpu.memory_space<vmem>>, %arg2: memref<256x256xf32, #tpu.memory_space<vmem>>, %arg3: memref<1x256xf32, #tpu.memory_space<vmem>>, %arg4: memref<1000x256xf32, #tpu.memory_space<vmem>>) attributes {dimension_semantics = [#tpu.dimension_semantics<arbitrary>], iteration_bounds = array<i64: 10>, scalar_prefetch = 0 : i64, scratch_operands = 0 : i64, tpu.core_type = #tpu.core_type<tc>, window_params = [{transform_indices = @transform_0, window_bounds = array<i64: 1000, 256>}, {pipeline_mode = #tpu.pipeline_mode<synchronous>, transform_indices = @transform_1, window_bounds = array<i64: 256, 256>}, {pipeline_mode = #tpu.pipeline_mode<synchronous>, transform_indices = @transform_2, window_bounds = array<i64: 1, 256>}, {transform_indices = @transform_3, window_bounds = array<i64: 1000, 256>}]} {
    %get3A = arith.constant 0 : index
    %get3A_0 = arith.constant 0 : index
    %get3A_1 = vector.load %arg1[%get3A, %get3A_0] : memref<1000x256xf32, #tpu.memory_space<vmem>>, vector<1000x256xf32>
    %get3A_2 = arith.constant 0 : index
    %get3A_3 = arith.constant 0 : index
    %get3A_4 = vector.load %arg2[%get3A_2, %get3A_3] : memref<256x256xf32, #tpu.memory_space<vmem>>, vector<256x256xf32>
    %dot_general3A = arith.constant dense<0.000000e+00> : vector<1000x256xf32>
    %dot_general3A_5 = tpu.matmul %get3A_1, %get3A_4, %dot_general3A {dimension_numbers = #tpu.dot_dimension_numbers<[1], [0], [0], [1], [0, 0, 1, 1], [], []>, transpose_lhs_hint = false} : vector<1000x256xf32>, vector<256x256xf32>, vector<1000x256xf32> -> vector<1000x256xf32>
    %get3A_6 = arith.constant 0 : index
    %get3A_7 = arith.constant 0 : index
    %get3A_8 = vector.load %arg3[%get3A_6, %get3A_7] : memref<1x256xf32, #tpu.memory_space<vmem>>, vector<1x256xf32>
    %add3A = vector.broadcast %get3A_8 : vector<1x256xf32> to vector<1000x256xf32>
    %add3A_9 = arith.addf %dot_general3A_5, %add3A : vector<1000x256xf32>
    %swap3A = arith.constant 0 : index
    %swap3A_10 = arith.constant 0 : index
    %swap3A_11 = vector.load %arg4[%swap3A, %swap3A_10] : memref<1000x256xf32, #tpu.memory_space<vmem>>, vector<1000x256xf32>
    tpu.vector_store %arg4[%swap3A, %swap3A_10], %add3A_9 {strides = array<i32>} : memref<1000x256xf32, #tpu.memory_space<vmem>>, vector<1000x256xf32>,
    return
  }
  func.func @transform_0(%arg0: i32) -> (i32, i32) {
    %c0_i32 = arith.constant 0 : i32
    %c0_i32_0 = arith.constant 0 : i32
    return %arg0, %c0_i32 : i32, i32
  }
  func.func @transform_1(%arg0: i32) -> (i32, i32) {
    %c0_i32 = arith.constant 0 : i32
    %c0_i32_0 = arith.constant 0 : i32
    %c0_i32_1 = arith.constant 0 : i32
    return %c0_i32, %c0_i32_0 : i32, i32
  }
  func.func @transform_2(%arg0: i32) -> (i32, i32) {
    %c0_i32 = arith.constant 0 : i32
    %c0_i32_0 = arith.constant 0 : i32
    %c0_i32_1 = arith.constant 0 : i32
    return %c0_i32, %c0_i32_0 : i32, i32
  }
  func.func @transform_3(%arg0: i32) -> (i32, i32) {
    %c0_i32 = arith.constant 0 : i32
    %c0_i32_0 = arith.constant 0 : i32
    return %arg0, %c0_i32 : i32, i32
  }
}

module attributes {stable_mosaic.version = 14 : i64} {
  func.func @_mm_body(%arg0: i32, %arg1: memref<1000x128xf32, #tpu.memory_space<vmem>>, %arg2: memref<128x256xf32, #tpu.memory_space<vmem>>, %arg3: memref<1x256xf32, #tpu.memory_space<vmem>>, %arg4: memref<1000x256xf32, #tpu.memory_space<vmem>>) attributes {dimension_semantics = [#tpu.dimension_semantics<arbitrary>], iteration_bounds = array<i64: 10>, scalar_prefetch = 0 : i64, scratch_operands = 0 : i64, tpu.core_type = #tpu.core_type<tc>, window_params = [{transform_indices = @transform_0, window_bounds = array<i64: 1000, 128>}, {pipeline_mode = #tpu.pipeline_mode<synchronous>, transform_indices = @transform_1, window_bounds = array<i64: 128, 256>}, {pipeline_mode = #tpu.pipeline_mode<synchronous>, transform_indices = @transform_2, window_bounds = array<i64: 1, 256>}, {transform_indices = @transform_3, window_bounds = array<i64: 1000, 256>}]} {
    %get3A = arith.constant 0 : index
    %get3A_0 = arith.constant 0 : index
    %get3A_1 = vector.load %arg1[%get3A, %get3A_0] : memref<1000x128xf32, #tpu.memory_space<vmem>>, vector<1000x128xf32>
    %get3A_2 = arith.constant 0 : index
    %get3A_3 = arith.constant 0 : index
    %get3A_4 = vector.load %arg2[%get3A_2, %get3A_3] : memref<128x256xf32, #tpu.memory_space<vmem>>, vector<128x256xf32>
    %dot_general3A = arith.constant dense<0.000000e+00> : vector<1000x256xf32>
    %dot_general3A_5 = tpu.matmul %get3A_1, %get3A_4, %dot_general3A {dimension_numbers = #tpu.dot_dimension_numbers<[1], [0], [0], [1], [0, 0, 1, 1], [], []>, transpose_lhs_hint = false} : vector<1000x128xf32>, vector<128x256xf32>, vector<1000x256xf32> -> vector<1000x256xf32>
    %get3A_6 = arith.constant 0 : index
    %get3A_7 = arith.constant 0 : index
    %get3A_8 = vector.load %arg3[%get3A_6, %get3A_7] : memref<1x256xf32, #tpu.memory_space<vmem>>, vector<1x256xf32>
    %add3A = vector.broadcast %get3A_8 : vector<1x256xf32> to vector<1000x256xf32>
    %add3A_9 = arith.addf %dot_general3A_5, %add3A : vector<1000x256xf32>
    %swap3A = arith.constant 0 : index
    %swap3A_10 = arith.constant 0 : index
    %swap3A_11 = vector.load %arg4[%swap3A, %swap3A_10] : memref<1000x256xf32, #tpu.memory_space<vmem>>, vector<1000x256xf32>
    tpu.vector_store %arg4[%swap3A, %swap3A_10], %add3A_9 {strides = array<i32>} : memref<1000x256xf32, #tpu.memory_space<vmem>>, vector<1000x256xf32>,
    return
  }
  func.func @transform_0(%arg0: i32) -> (i32, i32) {
    %c0_i32 = arith.constant 0 : i32
    %c0_i32_0 = arith.constant 0 : i32
    return %arg0, %c0_i32 : i32, i32
  }
  func.func @transform_1(%arg0: i32) -> (i32, i32) {
    %c0_i32 = arith.constant 0 : i32
    %c0_i32_0 = arith.constant 0 : i32
    %c0_i32_1 = arith.constant 0 : i32
    return %c0_i32, %c0_i32_0 : i32, i32
  }
  func.func @transform_2(%arg0: i32) -> (i32, i32) {
    %c0_i32 = arith.constant 0 : i32
    %c0_i32_0 = arith.constant 0 : i32
    %c0_i32_1 = arith.constant 0 : i32
    return %c0_i32, %c0_i32_0 : i32, i32
  }
  func.func @transform_3(%arg0: i32) -> (i32, i32) {
    %c0_i32 = arith.constant 0 : i32
    %c0_i32_0 = arith.constant 0 : i32
    return %arg0, %c0_i32 : i32, i32
  }
}

module attributes {stable_mosaic.version = 14 : i64} {
  func.func @_scores_body(%arg0: i32, %arg1: memref<1000x256xf32, #tpu.memory_space<vmem>>, %arg2: memref<1000x256xf32, #tpu.memory_space<vmem>>, %arg3: memref<1000x1xf32, #tpu.memory_space<vmem>>, %arg4: memref<256x8xf32, #tpu.memory_space<vmem>>, %arg5: memref<2x8xf32, #tpu.memory_space<vmem>>, %arg6: memref<1000x8xf32, #tpu.memory_space<vmem>>, %arg7: memref<1x128xf32, #tpu.memory_space<vmem>>) attributes {dimension_semantics = [#tpu.dimension_semantics<arbitrary>], iteration_bounds = array<i64: 320>, scalar_prefetch = 0 : i64, scratch_operands = 0 : i64, tpu.core_type = #tpu.core_type<tc>, window_params = [{transform_indices = @transform_0, window_bounds = array<i64: 1000, 256>}, {transform_indices = @transform_1, window_bounds = array<i64: 1000, 256>}, {transform_indices = @transform_2, window_bounds = array<i64: 1000, 1>}, {pipeline_mode = #tpu.pipeline_mode<synchronous>, transform_indices = @transform_3, window_bounds = array<i64: 256, 8>}, {pipeline_mode = #tpu.pipeline_mode<synchronous>, transform_indices = @transform_4, window_bounds = array<i64: 2, 8>}, {transform_indices = @transform_5, window_bounds = array<i64: 1000, 8>}, {pipeline_mode = #tpu.pipeline_mode<synchronous>, transform_indices = @transform_6, window_bounds = array<i64: 1, 128>}]} {
    %get3A = arith.constant 0 : index
    %get3A_0 = arith.constant 0 : index
    %get3A_1 = vector.load %arg1[%get3A, %get3A_0] : memref<1000x256xf32, #tpu.memory_space<vmem>>, vector<1000x256xf32>
    %get3A_2 = arith.constant 0 : index
    %get3A_3 = arith.constant 0 : index
    %get3A_4 = vector.load %arg2[%get3A_2, %get3A_3] : memref<1000x256xf32, #tpu.memory_space<vmem>>, vector<1000x256xf32>
    %mul3A = arith.mulf %get3A_1, %get3A_4 : vector<1000x256xf32>
    %get3A_5 = arith.constant 0 : index
    %get3A_6 = arith.constant 0 : index
    %get3A_7 = vector.load %arg4[%get3A_5, %get3A_6] : memref<256x8xf32, #tpu.memory_space<vmem>>, vector<256x8xf32>
    %dot_general3A = arith.constant dense<0.000000e+00> : vector<1000x8xf32>
    %dot_general3A_8 = tpu.matmul %mul3A, %get3A_7, %dot_general3A {dimension_numbers = #tpu.dot_dimension_numbers<[1], [0], [0], [1], [0, 0, 1, 1], [], []>, transpose_lhs_hint = false} : vector<1000x256xf32>, vector<256x8xf32>, vector<1000x8xf32> -> vector<1000x8xf32>
    %mul3A_9 = arith.constant 0.176776692 : f32
    %mul3A_10 = vector.broadcast %mul3A_9 : f32 to vector<1000x8xf32>
    %mul3A_11 = arith.mulf %dot_general3A_8, %mul3A_10 : vector<1000x8xf32>
    %get3A_12 = arith.constant 0 : index
    %get3A_13 = arith.constant 0 : index
    %get3A_14 = vector.load %arg3[%get3A_12, %get3A_13] : memref<1000x1xf32, #tpu.memory_space<vmem>>, vector<1000x1xf32>
    %get3A_15 = arith.constant 0 : index
    %get3A_16 = arith.constant 0 : index
    %get3A_17 = vector.load %arg5[%get3A_15, %get3A_16] : memref<2x8xf32, #tpu.memory_space<vmem>>, vector<1x8xf32>
    %mul3A_18 = vector.broadcast %get3A_14 : vector<1000x1xf32> to vector<1000x8xf32>
    %mul3A_19 = vector.broadcast %get3A_17 : vector<1x8xf32> to vector<1000x8xf32>
    %mul3A_20 = arith.mulf %mul3A_18, %mul3A_19 : vector<1000x8xf32>
    %add3A = arith.addf %mul3A_11, %mul3A_20 : vector<1000x8xf32>
    %get3A_21 = arith.constant 1 : index
    %get3A_22 = arith.constant 0 : index
    %get3A_23 = vector.load %arg5[%get3A_21, %get3A_22] : memref<2x8xf32, #tpu.memory_space<vmem>>, vector<1x8xf32>
    %add3A_24 = vector.broadcast %get3A_23 : vector<1x8xf32> to vector<1000x8xf32>
    %add3A_25 = arith.addf %add3A, %add3A_24 : vector<1000x8xf32>
    %swap3A = arith.constant 0 : index
    %swap3A_26 = arith.constant 0 : index
    %swap3A_27 = vector.load %arg6[%swap3A, %swap3A_26] : memref<1000x8xf32, #tpu.memory_space<vmem>>, vector<1000x8xf32>
    tpu.vector_store %arg6[%swap3A, %swap3A_26], %add3A_25 {strides = array<i32>} : memref<1000x8xf32, #tpu.memory_space<vmem>>, vector<1000x8xf32>,
    %eq3A = arith.constant 0 : i32
    %eq3A_28 = arith.cmpi eq, %arg0, %eq3A : i32
    %convert_element_type3A = arith.extui %eq3A_28 : i1 to i32
    %cond3A = arith.constant 0 : i32
    %cond3A_29 = arith.cmpi ne, %convert_element_type3A, %cond3A : i32
    scf.if %cond3A_29 {
      %broadcast_in_dim3A = arith.constant 0xFF800000 : f32
      %broadcast_in_dim3A_41 = vector.broadcast %broadcast_in_dim3A : f32 to vector<1x128xf32>
      %swap3A_42 = arith.constant 0 : index
      %swap3A_43 = arith.constant 0 : index
      %swap3A_44 = vector.load %arg7[%swap3A_42, %swap3A_43] : memref<1x128xf32, #tpu.memory_space<vmem>>, vector<1x128xf32>
      tpu.vector_store %arg7[%swap3A_42, %swap3A_43], %broadcast_in_dim3A_41 {strides = array<i32>} : memref<1x128xf32, #tpu.memory_space<vmem>>, vector<1x128xf32>,
    } else {
    }
    %get3A_30 = arith.constant 0 : index
    %get3A_31 = arith.constant 0 : index
    %get3A_32 = vector.load %arg7[%get3A_30, %get3A_31] : memref<1x128xf32, #tpu.memory_space<vmem>>, vector<1x128xf32>
    %reduce_max3A = vector.shape_cast %add3A_25 : vector<1000x8xf32> to vector<1x1000x8xf32>
    %reduce_max3A_33 = arith.constant dense<0xFF800000> : vector<1xf32>
    %reduce_max3A_34 = vector.multi_reduction <maximumf>, %reduce_max3A, %reduce_max3A_33 [1, 2] : vector<1x1000x8xf32> to vector<1xf32>
    %reduce_max3A_35 = vector.shape_cast %reduce_max3A_34 : vector<1xf32> to vector<1x1x1xf32>
    %reduce_max3A_36 = vector.extract %reduce_max3A_35[0, 0, 0] : f32 from vector<1x1x1xf32>
    %max3A = vector.broadcast %reduce_max3A_36 : f32 to vector<1x128xf32>
    %max3A_37 = arith.maximumf %get3A_32, %max3A : vector<1x128xf32>
    %swap3A_38 = arith.constant 0 : index
    %swap3A_39 = arith.constant 0 : index
    %swap3A_40 = vector.load %arg7[%swap3A_38, %swap3A_39] : memref<1x128xf32, #tpu.memory_space<vmem>>, vector<1x128xf32>
    tpu.vector_store %arg7[%swap3A_38, %swap3A_39], %max3A_37 {strides = array<i32>} : memref<1x128xf32, #tpu.memory_space<vmem>>, vector<1x128xf32>,
    return
  }
  func.func @transform_0(%arg0: i32) -> (i32, i32) {
    %c0_i32 = arith.constant 0 : i32
    %c0_i32_0 = arith.constant 0 : i32
    return %arg0, %c0_i32 : i32, i32
  }
  func.func @transform_1(%arg0: i32) -> (i32, i32) {
    %c0_i32 = arith.constant 0 : i32
    %c0_i32_0 = arith.constant 0 : i32
    return %arg0, %c0_i32 : i32, i32
  }
  func.func @transform_2(%arg0: i32) -> (i32, i32) {
    %c0_i32 = arith.constant 0 : i32
    %c0_i32_0 = arith.constant 0 : i32
    return %arg0, %c0_i32 : i32, i32
  }
  func.func @transform_3(%arg0: i32) -> (i32, i32) {
    %c0_i32 = arith.constant 0 : i32
    %c0_i32_0 = arith.constant 0 : i32
    %c0_i32_1 = arith.constant 0 : i32
    return %c0_i32, %c0_i32_0 : i32, i32
  }
  func.func @transform_4(%arg0: i32) -> (i32, i32) {
    %c0_i32 = arith.constant 0 : i32
    %c0_i32_0 = arith.constant 0 : i32
    %c0_i32_1 = arith.constant 0 : i32
    return %c0_i32, %c0_i32_0 : i32, i32
  }
  func.func @transform_5(%arg0: i32) -> (i32, i32) {
    %c0_i32 = arith.constant 0 : i32
    %c0_i32_0 = arith.constant 0 : i32
    return %arg0, %c0_i32 : i32, i32
  }
  func.func @transform_6(%arg0: i32) -> (i32, i32) {
    %c0_i32 = arith.constant 0 : i32
    %c0_i32_0 = arith.constant 0 : i32
    %c0_i32_1 = arith.constant 0 : i32
    return %c0_i32, %c0_i32_0 : i32, i32
  }
}

module attributes {stable_mosaic.version = 14 : i64} {
  func.func @_weight_body(%arg0: i32, %arg1: memref<1000x8xf32, #tpu.memory_space<vmem>>, %arg2: memref<1x128xf32, #tpu.memory_space<vmem>>, %arg3: memref<1000x256xf32, #tpu.memory_space<vmem>>, %arg4: memref<8x256xf32, #tpu.memory_space<vmem>>, %arg5: memref<4x1000x128xf32, #tpu.memory_space<vmem>>) attributes {dimension_semantics = [#tpu.dimension_semantics<arbitrary>], iteration_bounds = array<i64: 320>, scalar_prefetch = 0 : i64, scratch_operands = 0 : i64, tpu.core_type = #tpu.core_type<tc>, window_params = [{transform_indices = @transform_0, window_bounds = array<i64: 1000, 8>}, {pipeline_mode = #tpu.pipeline_mode<synchronous>, transform_indices = @transform_1, window_bounds = array<i64: 1, 128>}, {transform_indices = @transform_2, window_bounds = array<i64: 1000, 256>}, {pipeline_mode = #tpu.pipeline_mode<synchronous>, transform_indices = @transform_3, window_bounds = array<i64: 8, 256>}, {transform_indices = @transform_4, window_bounds = array<i64: 4, 1000, 128>}]} {
    %get3A = arith.constant 0 : index
    %get3A_0 = arith.constant 0 : index
    %get3A_1 = vector.load %arg1[%get3A, %get3A_0] : memref<1000x8xf32, #tpu.memory_space<vmem>>, vector<1000x8xf32>
    %get3A_2 = arith.constant 0 : index
    %get3A_3 = arith.constant 0 : index
    %get3A_4 = vector.load %arg2[%get3A_2, %get3A_3] : memref<1x128xf32, #tpu.memory_space<vmem>>, vector<1x1xf32>
    %sub3A = vector.broadcast %get3A_4 : vector<1x1xf32> to vector<1000x8xf32>
    %sub3A_5 = arith.subf %get3A_1, %sub3A : vector<1000x8xf32>
    %exp3A = math.exp %sub3A_5 : vector<1000x8xf32>
    %get3A_6 = arith.constant 0 : index
    %get3A_7 = arith.constant 0 : index
    %get3A_8 = vector.load %arg4[%get3A_6, %get3A_7] : memref<8x256xf32, #tpu.memory_space<vmem>>, vector<8x256xf32>
    %dot_general3A = arith.constant dense<0.000000e+00> : vector<1000x256xf32>
    %dot_general3A_9 = tpu.matmul %exp3A, %get3A_8, %dot_general3A {dimension_numbers = #tpu.dot_dimension_numbers<[1], [0], [0], [1], [0, 0, 1, 1], [], []>, transpose_lhs_hint = false} : vector<1000x8xf32>, vector<8x256xf32>, vector<1000x256xf32> -> vector<1000x256xf32>
    %get3A_10 = arith.constant 0 : index
    %get3A_11 = arith.constant 0 : index
    %get3A_12 = vector.load %arg3[%get3A_10, %get3A_11] : memref<1000x256xf32, #tpu.memory_space<vmem>>, vector<1000x256xf32>
    %mul3A = arith.mulf %dot_general3A_9, %get3A_12 : vector<1000x256xf32>
    %broadcast_in_dim3A = arith.constant 0.000000e+00 : f32
    %broadcast_in_dim3A_13 = vector.broadcast %broadcast_in_dim3A : f32 to vector<1000x62xf32>
    %slice3A = vector.extract_strided_slice %mul3A {offsets = [0, 0], sizes = [1000, 64], strides = [1, 1]} : vector<1000x256xf32> to vector<1000x64xf32>
    %slice3A_14 = vector.extract_strided_slice %exp3A {offsets = [0, 0], sizes = [1000, 2], strides = [1, 1]} : vector<1000x8xf32> to vector<1000x2xf32>
    %concatenate3A = tpu.concatenate %slice3A, %slice3A_14, %broadcast_in_dim3A_13 in 1 : vector<1000x64xf32>, vector<1000x2xf32>, vector<1000x62xf32> -> vector<1000x128xf32>
    %swap3A = arith.constant 0 : index
    %swap3A_15 = arith.constant 0 : index
    %swap3A_16 = arith.constant 0 : index
    %swap3A_17 = vector.load %arg5[%swap3A, %swap3A_15, %swap3A_16] : memref<4x1000x128xf32, #tpu.memory_space<vmem>>, vector<1x1000x128xf32>
    %swap3A_18 = vector.shape_cast %swap3A_17 : vector<1x1000x128xf32> to vector<1000x128xf32>
    %swap3A_19 = vector.shape_cast %concatenate3A : vector<1000x128xf32> to vector<1x1000x128xf32>
    tpu.vector_store %arg5[%swap3A, %swap3A_15, %swap3A_16], %swap3A_19 {strides = array<i32>} : memref<4x1000x128xf32, #tpu.memory_space<vmem>>, vector<1x1000x128xf32>,
    %slice3A_20 = vector.extract_strided_slice %mul3A {offsets = [0, 64], sizes = [1000, 64], strides = [1, 1]} : vector<1000x256xf32> to vector<1000x64xf32>
    %slice3A_21 = vector.extract_strided_slice %exp3A {offsets = [0, 2], sizes = [1000, 2], strides = [1, 1]} : vector<1000x8xf32> to vector<1000x2xf32>
    %concatenate3A_22 = tpu.concatenate %slice3A_20, %slice3A_21, %broadcast_in_dim3A_13 in 1 : vector<1000x64xf32>, vector<1000x2xf32>, vector<1000x62xf32> -> vector<1000x128xf32>
    %swap3A_23 = arith.constant 1 : index
    %swap3A_24 = arith.constant 0 : index
    %swap3A_25 = arith.constant 0 : index
    %swap3A_26 = vector.load %arg5[%swap3A_23, %swap3A_24, %swap3A_25] : memref<4x1000x128xf32, #tpu.memory_space<vmem>>, vector<1x1000x128xf32>
    %swap3A_27 = vector.shape_cast %swap3A_26 : vector<1x1000x128xf32> to vector<1000x128xf32>
    %swap3A_28 = vector.shape_cast %concatenate3A_22 : vector<1000x128xf32> to vector<1x1000x128xf32>
    tpu.vector_store %arg5[%swap3A_23, %swap3A_24, %swap3A_25], %swap3A_28 {strides = array<i32>} : memref<4x1000x128xf32, #tpu.memory_space<vmem>>, vector<1x1000x128xf32>,
    %slice3A_29 = vector.extract_strided_slice %mul3A {offsets = [0, 128], sizes = [1000, 64], strides = [1, 1]} : vector<1000x256xf32> to vector<1000x64xf32>
    %slice3A_30 = vector.extract_strided_slice %exp3A {offsets = [0, 4], sizes = [1000, 2], strides = [1, 1]} : vector<1000x8xf32> to vector<1000x2xf32>
    %concatenate3A_31 = tpu.concatenate %slice3A_29, %slice3A_30, %broadcast_in_dim3A_13 in 1 : vector<1000x64xf32>, vector<1000x2xf32>, vector<1000x62xf32> -> vector<1000x128xf32>
    %swap3A_32 = arith.constant 2 : index
    %swap3A_33 = arith.constant 0 : index
    %swap3A_34 = arith.constant 0 : index
    %swap3A_35 = vector.load %arg5[%swap3A_32, %swap3A_33, %swap3A_34] : memref<4x1000x128xf32, #tpu.memory_space<vmem>>, vector<1x1000x128xf32>
    %swap3A_36 = vector.shape_cast %swap3A_35 : vector<1x1000x128xf32> to vector<1000x128xf32>
    %swap3A_37 = vector.shape_cast %concatenate3A_31 : vector<1000x128xf32> to vector<1x1000x128xf32>
    tpu.vector_store %arg5[%swap3A_32, %swap3A_33, %swap3A_34], %swap3A_37 {strides = array<i32>} : memref<4x1000x128xf32, #tpu.memory_space<vmem>>, vector<1x1000x128xf32>,
    %slice3A_38 = vector.extract_strided_slice %mul3A {offsets = [0, 192], sizes = [1000, 64], strides = [1, 1]} : vector<1000x256xf32> to vector<1000x64xf32>
    %slice3A_39 = vector.extract_strided_slice %exp3A {offsets = [0, 6], sizes = [1000, 2], strides = [1, 1]} : vector<1000x8xf32> to vector<1000x2xf32>
    %concatenate3A_40 = tpu.concatenate %slice3A_38, %slice3A_39, %broadcast_in_dim3A_13 in 1 : vector<1000x64xf32>, vector<1000x2xf32>, vector<1000x62xf32> -> vector<1000x128xf32>
    %swap3A_41 = arith.constant 3 : index
    %swap3A_42 = arith.constant 0 : index
    %swap3A_43 = arith.constant 0 : index
    %swap3A_44 = vector.load %arg5[%swap3A_41, %swap3A_42, %swap3A_43] : memref<4x1000x128xf32, #tpu.memory_space<vmem>>, vector<1x1000x128xf32>
    %swap3A_45 = vector.shape_cast %swap3A_44 : vector<1x1000x128xf32> to vector<1000x128xf32>
    %swap3A_46 = vector.shape_cast %concatenate3A_40 : vector<1000x128xf32> to vector<1x1000x128xf32>
    tpu.vector_store %arg5[%swap3A_41, %swap3A_42, %swap3A_43], %swap3A_46 {strides = array<i32>} : memref<4x1000x128xf32, #tpu.memory_space<vmem>>, vector<1x1000x128xf32>,
    return
  }
  func.func @transform_0(%arg0: i32) -> (i32, i32) {
    %c0_i32 = arith.constant 0 : i32
    %c0_i32_0 = arith.constant 0 : i32
    return %arg0, %c0_i32 : i32, i32
  }
  func.func @transform_1(%arg0: i32) -> (i32, i32) {
    %c0_i32 = arith.constant 0 : i32
    %c0_i32_0 = arith.constant 0 : i32
    %c0_i32_1 = arith.constant 0 : i32
    return %c0_i32, %c0_i32_0 : i32, i32
  }
  func.func @transform_2(%arg0: i32) -> (i32, i32) {
    %c0_i32 = arith.constant 0 : i32
    %c0_i32_0 = arith.constant 0 : i32
    return %arg0, %c0_i32 : i32, i32
  }
  func.func @transform_3(%arg0: i32) -> (i32, i32) {
    %c0_i32 = arith.constant 0 : i32
    %c0_i32_0 = arith.constant 0 : i32
    %c0_i32_1 = arith.constant 0 : i32
    return %c0_i32, %c0_i32_0 : i32, i32
  }
  func.func @transform_4(%arg0: i32) -> (i32, i32, i32) {
    %c0_i32 = arith.constant 0 : i32
    %c0_i32_0 = arith.constant 0 : i32
    %c0_i32_1 = arith.constant 0 : i32
    return %c0_i32, %arg0, %c0_i32_0 : i32, i32, i32
  }
}

module attributes {stable_mosaic.version = 14 : i64} {
  func.func @_post_body(%arg0: i32, %arg1: memref<4x1000x128xf32, #tpu.memory_space<vmem>>, %arg2: memref<1000x256xf32, #tpu.memory_space<vmem>>, %arg3: memref<256x256xf32, #tpu.memory_space<vmem>>, %arg4: memref<1x256xf32, #tpu.memory_space<vmem>>, %arg5: memref<1x256xf32, #tpu.memory_space<vmem>>, %arg6: memref<1x256xf32, #tpu.memory_space<vmem>>, %arg7: memref<2x64xf32, #tpu.memory_space<vmem>>, %arg8: memref<1000x256xf32, #tpu.memory_space<vmem>>) attributes {dimension_semantics = [#tpu.dimension_semantics<arbitrary>], iteration_bounds = array<i64: 10>, scalar_prefetch = 0 : i64, scratch_operands = 0 : i64, tpu.core_type = #tpu.core_type<tc>, window_params = [{transform_indices = @transform_0, window_bounds = array<i64: 4, 1000, 128>}, {transform_indices = @transform_1, window_bounds = array<i64: 1000, 256>}, {pipeline_mode = #tpu.pipeline_mode<synchronous>, transform_indices = @transform_2, window_bounds = array<i64: 256, 256>}, {pipeline_mode = #tpu.pipeline_mode<synchronous>, transform_indices = @transform_3, window_bounds = array<i64: 1, 256>}, {pipeline_mode = #tpu.pipeline_mode<synchronous>, transform_indices = @transform_4, window_bounds = array<i64: 1, 256>}, {pipeline_mode = #tpu.pipeline_mode<synchronous>, transform_indices = @transform_5, window_bounds = array<i64: 1, 256>}, {pipeline_mode = #tpu.pipeline_mode<synchronous>, transform_indices = @transform_6, window_bounds = array<i64: 2, 64>}, {transform_indices = @transform_7, window_bounds = array<i64: 1000, 256>}]} {
    %get3A = arith.constant 0 : index
    %get3A_0 = arith.constant 0 : index
    %get3A_1 = arith.constant 64 : index
    %get3A_2 = vector.load %arg1[%get3A, %get3A_0, %get3A_1] : memref<4x1000x128xf32, #tpu.memory_space<vmem>>, vector<1x1000x2xf32>
    %get3A_3 = vector.shape_cast %get3A_2 : vector<1x1000x2xf32> to vector<1000x2xf32>
    %get3A_4 = arith.constant 0 : index
    %get3A_5 = arith.constant 0 : index
    %get3A_6 = vector.load %arg7[%get3A_4, %get3A_5] : memref<2x64xf32, #tpu.memory_space<vmem>>, vector<2x64xf32>
    %dot_general3A = arith.constant dense<0.000000e+00> : vector<1000x64xf32>
    %dot_general3A_7 = tpu.matmul %get3A_3, %get3A_6, %dot_general3A {dimension_numbers = #tpu.dot_dimension_numbers<[1], [0], [0], [1], [0, 0, 1, 1], [], []>, transpose_lhs_hint = false} : vector<1000x2xf32>, vector<2x64xf32>, vector<1000x64xf32> -> vector<1000x64xf32>
    %add3A = arith.constant 9.99999993E-9 : f32
    %add3A_8 = vector.broadcast %add3A : f32 to vector<1000x64xf32>
    %add3A_9 = arith.addf %dot_general3A_7, %add3A_8 : vector<1000x64xf32>
    %get3A_10 = arith.constant 0 : index
    %get3A_11 = arith.constant 0 : index
    %get3A_12 = arith.constant 0 : index
    %get3A_13 = vector.load %arg1[%get3A_10, %get3A_11, %get3A_12] : memref<4x1000x128xf32, #tpu.memory_space<vmem>>, vector<1x1000x64xf32>
    %get3A_14 = vector.shape_cast %get3A_13 : vector<1x1000x64xf32> to vector<1000x64xf32>
    %div3A = arith.divf %get3A_14, %add3A_9 : vector<1000x64xf32>
    %get3A_15 = arith.constant 1 : index
    %get3A_16 = arith.constant 0 : index
    %get3A_17 = arith.constant 64 : index
    %get3A_18 = vector.load %arg1[%get3A_15, %get3A_16, %get3A_17] : memref<4x1000x128xf32, #tpu.memory_space<vmem>>, vector<1x1000x2xf32>
    %get3A_19 = vector.shape_cast %get3A_18 : vector<1x1000x2xf32> to vector<1000x2xf32>
    %get3A_20 = arith.constant 0 : index
    %get3A_21 = arith.constant 0 : index
    %get3A_22 = vector.load %arg7[%get3A_20, %get3A_21] : memref<2x64xf32, #tpu.memory_space<vmem>>, vector<2x64xf32>
    %dot_general3A_23 = arith.constant dense<0.000000e+00> : vector<1000x64xf32>
    %dot_general3A_24 = tpu.matmul %get3A_19, %get3A_22, %dot_general3A_23 {dimension_numbers = #tpu.dot_dimension_numbers<[1], [0], [0], [1], [0, 0, 1, 1], [], []>, transpose_lhs_hint = false} : vector<1000x2xf32>, vector<2x64xf32>, vector<1000x64xf32> -> vector<1000x64xf32>
    %add3A_25 = arith.constant 9.99999993E-9 : f32
    %add3A_26 = vector.broadcast %add3A_25 : f32 to vector<1000x64xf32>
    %add3A_27 = arith.addf %dot_general3A_24, %add3A_26 : vector<1000x64xf32>
    %get3A_28 = arith.constant 1 : index
    %get3A_29 = arith.constant 0 : index
    %get3A_30 = arith.constant 0 : index
    %get3A_31 = vector.load %arg1[%get3A_28, %get3A_29, %get3A_30] : memref<4x1000x128xf32, #tpu.memory_space<vmem>>, vector<1x1000x64xf32>
    %get3A_32 = vector.shape_cast %get3A_31 : vector<1x1000x64xf32> to vector<1000x64xf32>
    %div3A_33 = arith.divf %get3A_32, %add3A_27 : vector<1000x64xf32>
    %get3A_34 = arith.constant 2 : index
    %get3A_35 = arith.constant 0 : index
    %get3A_36 = arith.constant 64 : index
    %get3A_37 = vector.load %arg1[%get3A_34, %get3A_35, %get3A_36] : memref<4x1000x128xf32, #tpu.memory_space<vmem>>, vector<1x1000x2xf32>
    %get3A_38 = vector.shape_cast %get3A_37 : vector<1x1000x2xf32> to vector<1000x2xf32>
    %get3A_39 = arith.constant 0 : index
    %get3A_40 = arith.constant 0 : index
    %get3A_41 = vector.load %arg7[%get3A_39, %get3A_40] : memref<2x64xf32, #tpu.memory_space<vmem>>, vector<2x64xf32>
    %dot_general3A_42 = arith.constant dense<0.000000e+00> : vector<1000x64xf32>
    %dot_general3A_43 = tpu.matmul %get3A_38, %get3A_41, %dot_general3A_42 {dimension_numbers = #tpu.dot_dimension_numbers<[1], [0], [0], [1], [0, 0, 1, 1], [], []>, transpose_lhs_hint = false} : vector<1000x2xf32>, vector<2x64xf32>, vector<1000x64xf32> -> vector<1000x64xf32>
    %add3A_44 = arith.constant 9.99999993E-9 : f32
    %add3A_45 = vector.broadcast %add3A_44 : f32 to vector<1000x64xf32>
    %add3A_46 = arith.addf %dot_general3A_43, %add3A_45 : vector<1000x64xf32>
    %get3A_47 = arith.constant 2 : index
    %get3A_48 = arith.constant 0 : index
    %get3A_49 = arith.constant 0 : index
    %get3A_50 = vector.load %arg1[%get3A_47, %get3A_48, %get3A_49] : memref<4x1000x128xf32, #tpu.memory_space<vmem>>, vector<1x1000x64xf32>
    %get3A_51 = vector.shape_cast %get3A_50 : vector<1x1000x64xf32> to vector<1000x64xf32>
    %div3A_52 = arith.divf %get3A_51, %add3A_46 : vector<1000x64xf32>
    %get3A_53 = arith.constant 3 : index
    %get3A_54 = arith.constant 0 : index
    %get3A_55 = arith.constant 64 : index
    %get3A_56 = vector.load %arg1[%get3A_53, %get3A_54, %get3A_55] : memref<4x1000x128xf32, #tpu.memory_space<vmem>>, vector<1x1000x2xf32>
    %get3A_57 = vector.shape_cast %get3A_56 : vector<1x1000x2xf32> to vector<1000x2xf32>
    %get3A_58 = arith.constant 0 : index
    %get3A_59 = arith.constant 0 : index
    %get3A_60 = vector.load %arg7[%get3A_58, %get3A_59] : memref<2x64xf32, #tpu.memory_space<vmem>>, vector<2x64xf32>
    %dot_general3A_61 = arith.constant dense<0.000000e+00> : vector<1000x64xf32>
    %dot_general3A_62 = tpu.matmul %get3A_57, %get3A_60, %dot_general3A_61 {dimension_numbers = #tpu.dot_dimension_numbers<[1], [0], [0], [1], [0, 0, 1, 1], [], []>, transpose_lhs_hint = false} : vector<1000x2xf32>, vector<2x64xf32>, vector<1000x64xf32> -> vector<1000x64xf32>
    %add3A_63 = arith.constant 9.99999993E-9 : f32
    %add3A_64 = vector.broadcast %add3A_63 : f32 to vector<1000x64xf32>
    %add3A_65 = arith.addf %dot_general3A_62, %add3A_64 : vector<1000x64xf32>
    %get3A_66 = arith.constant 3 : index
    %get3A_67 = arith.constant 0 : index
    %get3A_68 = arith.constant 0 : index
    %get3A_69 = vector.load %arg1[%get3A_66, %get3A_67, %get3A_68] : memref<4x1000x128xf32, #tpu.memory_space<vmem>>, vector<1x1000x64xf32>
    %get3A_70 = vector.shape_cast %get3A_69 : vector<1x1000x64xf32> to vector<1000x64xf32>
    %div3A_71 = arith.divf %get3A_70, %add3A_65 : vector<1000x64xf32>
    %concatenate3A = tpu.concatenate %div3A, %div3A_33, %div3A_52, %div3A_71 in 1 : vector<1000x64xf32>, vector<1000x64xf32>, vector<1000x64xf32>, vector<1000x64xf32> -> vector<1000x256xf32>
    %get3A_72 = arith.constant 0 : index
    %get3A_73 = arith.constant 0 : index
    %get3A_74 = vector.load %arg3[%get3A_72, %get3A_73] : memref<256x256xf32, #tpu.memory_space<vmem>>, vector<256x256xf32>
    %dot_general3A_75 = arith.constant dense<0.000000e+00> : vector<1000x256xf32>
    %dot_general3A_76 = tpu.matmul %concatenate3A, %get3A_74, %dot_general3A_75 {dimension_numbers = #tpu.dot_dimension_numbers<[1], [0], [0], [1], [0, 0, 1, 1], [], []>, transpose_lhs_hint = false} : vector<1000x256xf32>, vector<256x256xf32>, vector<1000x256xf32> -> vector<1000x256xf32>
    %get3A_77 = arith.constant 0 : index
    %get3A_78 = arith.constant 0 : index
    %get3A_79 = vector.load %arg4[%get3A_77, %get3A_78] : memref<1x256xf32, #tpu.memory_space<vmem>>, vector<1x256xf32>
    %add3A_80 = vector.broadcast %get3A_79 : vector<1x256xf32> to vector<1000x256xf32>
    %add3A_81 = arith.addf %dot_general3A_76, %add3A_80 : vector<1000x256xf32>
    %get3A_82 = arith.constant 0 : index
    %get3A_83 = arith.constant 0 : index
    %get3A_84 = vector.load %arg2[%get3A_82, %get3A_83] : memref<1000x256xf32, #tpu.memory_space<vmem>>, vector<1000x256xf32>
    %add3A_85 = arith.addf %add3A_81, %get3A_84 : vector<1000x256xf32>
    %reduce_sum3A = arith.constant dense<0.000000e+00> : vector<1000xf32>
    %reduce_sum3A_86 = vector.multi_reduction <add>, %add3A_85, %reduce_sum3A [1] : vector<1000x256xf32> to vector<1000xf32>
    %broadcast_in_dim3A = vector.shape_cast %reduce_sum3A_86 : vector<1000xf32> to vector<1000x1xf32>
    %div3A_87 = arith.constant 2.560000e+02 : f32
    %div3A_88 = vector.broadcast %div3A_87 : f32 to vector<1000x1xf32>
    %div3A_89 = arith.divf %broadcast_in_dim3A, %div3A_88 : vector<1000x1xf32>
    %sub3A = vector.broadcast %div3A_89 : vector<1000x1xf32> to vector<1000x256xf32>
    %sub3A_90 = arith.subf %add3A_85, %sub3A : vector<1000x256xf32>
    %integer_pow3A = arith.mulf %sub3A_90, %sub3A_90 : vector<1000x256xf32>
    %reduce_sum3A_91 = arith.constant dense<0.000000e+00> : vector<1000xf32>
    %reduce_sum3A_92 = vector.multi_reduction <add>, %integer_pow3A, %reduce_sum3A_91 [1] : vector<1000x256xf32> to vector<1000xf32>
    %broadcast_in_dim3A_93 = vector.shape_cast %reduce_sum3A_92 : vector<1000xf32> to vector<1000x1xf32>
    %div3A_94 = arith.constant 2.560000e+02 : f32
    %div3A_95 = vector.broadcast %div3A_94 : f32 to vector<1000x1xf32>
    %div3A_96 = arith.divf %broadcast_in_dim3A_93, %div3A_95 : vector<1000x1xf32>
    %sub3A_97 = vector.broadcast %div3A_89 : vector<1000x1xf32> to vector<1000x256xf32>
    %sub3A_98 = arith.subf %add3A_85, %sub3A_97 : vector<1000x256xf32>
    %add3A_99 = arith.constant 9.99999974E-6 : f32
    %add3A_100 = vector.broadcast %add3A_99 : f32 to vector<1000x1xf32>
    %add3A_101 = arith.addf %div3A_96, %add3A_100 : vector<1000x1xf32>
    %rsqrt3A = math.rsqrt %add3A_101 : vector<1000x1xf32>
    %mul3A = vector.broadcast %rsqrt3A : vector<1000x1xf32> to vector<1000x256xf32>
    %mul3A_102 = arith.mulf %sub3A_98, %mul3A : vector<1000x256xf32>
    %get3A_103 = arith.constant 0 : index
    %get3A_104 = arith.constant 0 : index
    %get3A_105 = vector.load %arg5[%get3A_103, %get3A_104] : memref<1x256xf32, #tpu.memory_space<vmem>>, vector<1x256xf32>
    %mul3A_106 = vector.broadcast %get3A_105 : vector<1x256xf32> to vector<1000x256xf32>
    %mul3A_107 = arith.mulf %mul3A_102, %mul3A_106 : vector<1000x256xf32>
    %get3A_108 = arith.constant 0 : index
    %get3A_109 = arith.constant 0 : index
    %get3A_110 = vector.load %arg6[%get3A_108, %get3A_109] : memref<1x256xf32, #tpu.memory_space<vmem>>, vector<1x256xf32>
    %add3A_111 = vector.broadcast %get3A_110 : vector<1x256xf32> to vector<1000x256xf32>
    %add3A_112 = arith.addf %mul3A_107, %add3A_111 : vector<1000x256xf32>
    %swap3A = arith.constant 0 : index
    %swap3A_113 = arith.constant 0 : index
    %swap3A_114 = vector.load %arg8[%swap3A, %swap3A_113] : memref<1000x256xf32, #tpu.memory_space<vmem>>, vector<1000x256xf32>
    tpu.vector_store %arg8[%swap3A, %swap3A_113], %add3A_112 {strides = array<i32>} : memref<1000x256xf32, #tpu.memory_space<vmem>>, vector<1000x256xf32>,
    return
  }
  func.func @transform_0(%arg0: i32) -> (i32, i32, i32) {
    %c0_i32 = arith.constant 0 : i32
    %c0_i32_0 = arith.constant 0 : i32
    %c0_i32_1 = arith.constant 0 : i32
    return %c0_i32, %arg0, %c0_i32_0 : i32, i32, i32
  }
  func.func @transform_1(%arg0: i32) -> (i32, i32) {
    %c0_i32 = arith.constant 0 : i32
    %c0_i32_0 = arith.constant 0 : i32
    return %arg0, %c0_i32 : i32, i32
  }
  func.func @transform_2(%arg0: i32) -> (i32, i32) {
    %c0_i32 = arith.constant 0 : i32
    %c0_i32_0 = arith.constant 0 : i32
    %c0_i32_1 = arith.constant 0 : i32
    return %c0_i32, %c0_i32_0 : i32, i32
  }
  func.func @transform_3(%arg0: i32) -> (i32, i32) {
    %c0_i32 = arith.constant 0 : i32
    %c0_i32_0 = arith.constant 0 : i32
    %c0_i32_1 = arith.constant 0 : i32
    return %c0_i32, %c0_i32_0 : i32, i32
  }
  func.func @transform_4(%arg0: i32) -> (i32, i32) {
    %c0_i32 = arith.constant 0 : i32
    %c0_i32_0 = arith.constant 0 : i32
    %c0_i32_1 = arith.constant 0 : i32
    return %c0_i32, %c0_i32_0 : i32, i32
  }
  func.func @transform_5(%arg0: i32) -> (i32, i32) {
    %c0_i32 = arith.constant 0 : i32
    %c0_i32_0 = arith.constant 0 : i32
    %c0_i32_1 = arith.constant 0 : i32
    return %c0_i32, %c0_i32_0 : i32, i32
  }
  func.func @transform_6(%arg0: i32) -> (i32, i32) {
    %c0_i32 = arith.constant 0 : i32
    %c0_i32_0 = arith.constant 0 : i32
    %c0_i32_1 = arith.constant 0 : i32
    return %c0_i32, %c0_i32_0 : i32, i32
  }
  func.func @transform_7(%arg0: i32) -> (i32, i32) {
    %c0_i32 = arith.constant 0 : i32
    %c0_i32_0 = arith.constant 0 : i32
    return %arg0, %c0_i32 : i32, i32
  }
}

module attributes {stable_mosaic.version = 14 : i64} {
  func.func @_crossprep_body(%arg0: i32, %arg1: memref<80x768xf32, #tpu.memory_space<vmem>>, %arg2: memref<768x256xf32, #tpu.memory_space<vmem>>, %arg3: memref<1x256xf32, #tpu.memory_space<vmem>>, %arg4: memref<256x256xf32, #tpu.memory_space<vmem>>, %arg5: memref<1x256xf32, #tpu.memory_space<vmem>>, %arg6: memref<256x256xf32, #tpu.memory_space<vmem>>, %arg7: memref<1x256xf32, #tpu.memory_space<vmem>>, %arg8: memref<80x256xf32, #tpu.memory_space<vmem>>, %arg9: memref<80x256xf32, #tpu.memory_space<vmem>>) attributes {dimension_semantics = [#tpu.dimension_semantics<arbitrary>], iteration_bounds = array<i64: 1>, scalar_prefetch = 0 : i64, scratch_operands = 0 : i64, tpu.core_type = #tpu.core_type<tc>, window_params = [{pipeline_mode = #tpu.pipeline_mode<synchronous>, transform_indices = @transform_0, window_bounds = array<i64: 80, 768>}, {pipeline_mode = #tpu.pipeline_mode<synchronous>, transform_indices = @transform_1, window_bounds = array<i64: 768, 256>}, {pipeline_mode = #tpu.pipeline_mode<synchronous>, transform_indices = @transform_2, window_bounds = array<i64: 1, 256>}, {pipeline_mode = #tpu.pipeline_mode<synchronous>, transform_indices = @transform_3, window_bounds = array<i64: 256, 256>}, {pipeline_mode = #tpu.pipeline_mode<synchronous>, transform_indices = @transform_4, window_bounds = array<i64: 1, 256>}, {pipeline_mode = #tpu.pipeline_mode<synchronous>, transform_indices = @transform_5, window_bounds = array<i64: 256, 256>}, {pipeline_mode = #tpu.pipeline_mode<synchronous>, transform_indices = @transform_6, window_bounds = array<i64: 1, 256>}, {pipeline_mode = #tpu.pipeline_mode<synchronous>, transform_indices = @transform_7, window_bounds = array<i64: 80, 256>}, {pipeline_mode = #tpu.pipeline_mode<synchronous>, transform_indices = @transform_8, window_bounds = array<i64: 80, 256>}]} {
    %get3A = arith.constant 0 : index
    %get3A_0 = arith.constant 0 : index
    %get3A_1 = vector.load %arg1[%get3A, %get3A_0] : memref<80x768xf32, #tpu.memory_space<vmem>>, vector<80x768xf32>
    %get3A_2 = arith.constant 0 : index
    %get3A_3 = arith.constant 0 : index
    %get3A_4 = vector.load %arg2[%get3A_2, %get3A_3] : memref<768x256xf32, #tpu.memory_space<vmem>>, vector<768x256xf32>
    %dot_general3A = arith.constant dense<0.000000e+00> : vector<80x256xf32>
    %dot_general3A_5 = tpu.matmul %get3A_1, %get3A_4, %dot_general3A {dimension_numbers = #tpu.dot_dimension_numbers<[1], [0], [0], [1], [0, 0, 1, 1], [], []>, transpose_lhs_hint = false} : vector<80x768xf32>, vector<768x256xf32>, vector<80x256xf32> -> vector<80x256xf32>
    %get3A_6 = arith.constant 0 : index
    %get3A_7 = arith.constant 0 : index
    %get3A_8 = vector.load %arg3[%get3A_6, %get3A_7] : memref<1x256xf32, #tpu.memory_space<vmem>>, vector<1x256xf32>
    %add3A = vector.broadcast %get3A_8 : vector<1x256xf32> to vector<80x256xf32>
    %add3A_9 = arith.addf %dot_general3A_5, %add3A : vector<80x256xf32>
    %get3A_10 = arith.constant 0 : index
    %get3A_11 = arith.constant 0 : index
    %get3A_12 = vector.load %arg4[%get3A_10, %get3A_11] : memref<256x256xf32, #tpu.memory_space<vmem>>, vector<256x256xf32>
    %dot_general3A_13 = arith.constant dense<0.000000e+00> : vector<80x256xf32>
    %dot_general3A_14 = tpu.matmul %add3A_9, %get3A_12, %dot_general3A_13 {dimension_numbers = #tpu.dot_dimension_numbers<[1], [0], [0], [1], [0, 0, 1, 1], [], []>, transpose_lhs_hint = false} : vector<80x256xf32>, vector<256x256xf32>, vector<80x256xf32> -> vector<80x256xf32>
    %get3A_15 = arith.constant 0 : index
    %get3A_16 = arith.constant 0 : index
    %get3A_17 = vector.load %arg5[%get3A_15, %get3A_16] : memref<1x256xf32, #tpu.memory_space<vmem>>, vector<1x256xf32>
    %add3A_18 = vector.broadcast %get3A_17 : vector<1x256xf32> to vector<80x256xf32>
    %add3A_19 = arith.addf %dot_general3A_14, %add3A_18 : vector<80x256xf32>
    %swap3A = arith.constant 0 : index
    %swap3A_20 = arith.constant 0 : index
    %swap3A_21 = vector.load %arg8[%swap3A, %swap3A_20] : memref<80x256xf32, #tpu.memory_space<vmem>>, vector<80x256xf32>
    tpu.vector_store %arg8[%swap3A, %swap3A_20], %add3A_19 {strides = array<i32>} : memref<80x256xf32, #tpu.memory_space<vmem>>, vector<80x256xf32>,
    %get3A_22 = arith.constant 0 : index
    %get3A_23 = arith.constant 0 : index
    %get3A_24 = vector.load %arg6[%get3A_22, %get3A_23] : memref<256x256xf32, #tpu.memory_space<vmem>>, vector<256x256xf32>
    %dot_general3A_25 = arith.constant dense<0.000000e+00> : vector<80x256xf32>
    %dot_general3A_26 = tpu.matmul %add3A_9, %get3A_24, %dot_general3A_25 {dimension_numbers = #tpu.dot_dimension_numbers<[1], [0], [0], [1], [0, 0, 1, 1], [], []>, transpose_lhs_hint = false} : vector<80x256xf32>, vector<256x256xf32>, vector<80x256xf32> -> vector<80x256xf32>
    %get3A_27 = arith.constant 0 : index
    %get3A_28 = arith.constant 0 : index
    %get3A_29 = vector.load %arg7[%get3A_27, %get3A_28] : memref<1x256xf32, #tpu.memory_space<vmem>>, vector<1x256xf32>
    %add3A_30 = vector.broadcast %get3A_29 : vector<1x256xf32> to vector<80x256xf32>
    %add3A_31 = arith.addf %dot_general3A_26, %add3A_30 : vector<80x256xf32>
    %swap3A_32 = arith.constant 0 : index
    %swap3A_33 = arith.constant 0 : index
    %swap3A_34 = vector.load %arg9[%swap3A_32, %swap3A_33] : memref<80x256xf32, #tpu.memory_space<vmem>>, vector<80x256xf32>
    tpu.vector_store %arg9[%swap3A_32, %swap3A_33], %add3A_31 {strides = array<i32>} : memref<80x256xf32, #tpu.memory_space<vmem>>, vector<80x256xf32>,
    return
  }
  func.func @transform_0(%arg0: i32) -> (i32, i32) {
    %c0_i32 = arith.constant 0 : i32
    %c0_i32_0 = arith.constant 0 : i32
    %c0_i32_1 = arith.constant 0 : i32
    return %c0_i32, %c0_i32_0 : i32, i32
  }
  func.func @transform_1(%arg0: i32) -> (i32, i32) {
    %c0_i32 = arith.constant 0 : i32
    %c0_i32_0 = arith.constant 0 : i32
    %c0_i32_1 = arith.constant 0 : i32
    return %c0_i32, %c0_i32_0 : i32, i32
  }
  func.func @transform_2(%arg0: i32) -> (i32, i32) {
    %c0_i32 = arith.constant 0 : i32
    %c0_i32_0 = arith.constant 0 : i32
    %c0_i32_1 = arith.constant 0 : i32
    return %c0_i32, %c0_i32_0 : i32, i32
  }
  func.func @transform_3(%arg0: i32) -> (i32, i32) {
    %c0_i32 = arith.constant 0 : i32
    %c0_i32_0 = arith.constant 0 : i32
    %c0_i32_1 = arith.constant 0 : i32
    return %c0_i32, %c0_i32_0 : i32, i32
  }
  func.func @transform_4(%arg0: i32) -> (i32, i32) {
    %c0_i32 = arith.constant 0 : i32
    %c0_i32_0 = arith.constant 0 : i32
    %c0_i32_1 = arith.constant 0 : i32
    return %c0_i32, %c0_i32_0 : i32, i32
  }
  func.func @transform_5(%arg0: i32) -> (i32, i32) {
    %c0_i32 = arith.constant 0 : i32
    %c0_i32_0 = arith.constant 0 : i32
    %c0_i32_1 = arith.constant 0 : i32
    return %c0_i32, %c0_i32_0 : i32, i32
  }
  func.func @transform_6(%arg0: i32) -> (i32, i32) {
    %c0_i32 = arith.constant 0 : i32
    %c0_i32_0 = arith.constant 0 : i32
    %c0_i32_1 = arith.constant 0 : i32
    return %c0_i32, %c0_i32_0 : i32, i32
  }
  func.func @transform_7(%arg0: i32) -> (i32, i32) {
    %c0_i32 = arith.constant 0 : i32
    %c0_i32_0 = arith.constant 0 : i32
    %c0_i32_1 = arith.constant 0 : i32
    return %c0_i32, %c0_i32_0 : i32, i32
  }
  func.func @transform_8(%arg0: i32) -> (i32, i32) {
    %c0_i32 = arith.constant 0 : i32
    %c0_i32_0 = arith.constant 0 : i32
    %c0_i32_1 = arith.constant 0 : i32
    return %c0_i32, %c0_i32_0 : i32, i32
  }
}

module attributes {stable_mosaic.version = 14 : i64} {
  func.func @_crossmain_body(%arg0: i32, %arg1: memref<1000x256xf32, #tpu.memory_space<vmem>>, %arg2: memref<80x256xf32, #tpu.memory_space<vmem>>, %arg3: memref<80x256xf32, #tpu.memory_space<vmem>>, %arg4: memref<256x256xf32, #tpu.memory_space<vmem>>, %arg5: memref<1x256xf32, #tpu.memory_space<vmem>>, %arg6: memref<256x256xf32, #tpu.memory_space<vmem>>, %arg7: memref<1x256xf32, #tpu.memory_space<vmem>>, %arg8: memref<256x256xf32, #tpu.memory_space<vmem>>, %arg9: memref<1x256xf32, #tpu.memory_space<vmem>>, %arg10: memref<1x256xf32, #tpu.memory_space<vmem>>, %arg11: memref<1x256xf32, #tpu.memory_space<vmem>>, %arg12: memref<1000x256xf32, #tpu.memory_space<vmem>>) attributes {dimension_semantics = [#tpu.dimension_semantics<arbitrary>], iteration_bounds = array<i64: 10>, scalar_prefetch = 0 : i64, scratch_operands = 0 : i64, tpu.core_type = #tpu.core_type<tc>, window_params = [{transform_indices = @transform_0, window_bounds = array<i64: 1000, 256>}, {pipeline_mode = #tpu.pipeline_mode<synchronous>, transform_indices = @transform_1, window_bounds = array<i64: 80, 256>}, {pipeline_mode = #tpu.pipeline_mode<synchronous>, transform_indices = @transform_2, window_bounds = array<i64: 80, 256>}, {pipeline_mode = #tpu.pipeline_mode<synchronous>, transform_indices = @transform_3, window_bounds = array<i64: 256, 256>}, {pipeline_mode = #tpu.pipeline_mode<synchronous>, transform_indices = @transform_4, window_bounds = array<i64: 1, 256>}, {pipeline_mode = #tpu.pipeline_mode<synchronous>, transform_indices = @transform_5, window_bounds = array<i64: 256, 256>}, {pipeline_mode = #tpu.pipeline_mode<synchronous>, transform_indices = @transform_6, window_bounds = array<i64: 1, 256>}, {pipeline_mode = #tpu.pipeline_mode<synchronous>, transform_indices = @transform_7, window_bounds = array<i64: 256, 256>}, {pipeline_mode = #tpu.pipeline_mode<synchronous>, transform_indices = @transform_8, window_bounds = array<i64: 1, 256>}, {pipeline_mode = #tpu.pipeline_mode<synchronous>, transform_indices = @transform_9, window_bounds = array<i64: 1, 256>}, {pipeline_mode = #tpu.pipeline_mode<synchronous>, transform_indices = @transform_10, window_bounds = array<i64: 1, 256>}, {transform_indices = @transform_11, window_bounds = array<i64: 1000, 256>}]} {
    %get3A = arith.constant 0 : index
    %get3A_0 = arith.constant 0 : index
    %get3A_1 = vector.load %arg1[%get3A, %get3A_0] : memref<1000x256xf32, #tpu.memory_space<vmem>>, vector<1000x256xf32>
    %get3A_2 = arith.constant 0 : index
    %get3A_3 = arith.constant 0 : index
    %get3A_4 = vector.load %arg4[%get3A_2, %get3A_3] : memref<256x256xf32, #tpu.memory_space<vmem>>, vector<256x256xf32>
    %dot_general3A = arith.constant dense<0.000000e+00> : vector<1000x256xf32>
    %dot_general3A_5 = tpu.matmul %get3A_1, %get3A_4, %dot_general3A {dimension_numbers = #tpu.dot_dimension_numbers<[1], [0], [0], [1], [0, 0, 1, 1], [], []>, transpose_lhs_hint = false} : vector<1000x256xf32>, vector<256x256xf32>, vector<1000x256xf32> -> vector<1000x256xf32>
    %get3A_6 = arith.constant 0 : index
    %get3A_7 = arith.constant 0 : index
    %get3A_8 = vector.load %arg5[%get3A_6, %get3A_7] : memref<1x256xf32, #tpu.memory_space<vmem>>, vector<1x256xf32>
    %add3A = vector.broadcast %get3A_8 : vector<1x256xf32> to vector<1000x256xf32>
    %add3A_9 = arith.addf %dot_general3A_5, %add3A : vector<1000x256xf32>
    %get3A_10 = arith.constant 0 : index
    %get3A_11 = arith.constant 0 : index
    %get3A_12 = vector.load %arg6[%get3A_10, %get3A_11] : memref<256x256xf32, #tpu.memory_space<vmem>>, vector<256x256xf32>
    %dot_general3A_13 = arith.constant dense<0.000000e+00> : vector<1000x256xf32>
    %dot_general3A_14 = tpu.matmul %add3A_9, %get3A_12, %dot_general3A_13 {dimension_numbers = #tpu.dot_dimension_numbers<[1], [0], [0], [1], [0, 0, 1, 1], [], []>, transpose_lhs_hint = false} : vector<1000x256xf32>, vector<256x256xf32>, vector<1000x256xf32> -> vector<1000x256xf32>
    %get3A_15 = arith.constant 0 : index
    %get3A_16 = arith.constant 0 : index
    %get3A_17 = vector.load %arg7[%get3A_15, %get3A_16] : memref<1x256xf32, #tpu.memory_space<vmem>>, vector<1x256xf32>
    %add3A_18 = vector.broadcast %get3A_17 : vector<1x256xf32> to vector<1000x256xf32>
    %add3A_19 = arith.addf %dot_general3A_14, %add3A_18 : vector<1000x256xf32>
    %get3A_20 = arith.constant 0 : index
    %get3A_21 = arith.constant 0 : index
    %get3A_22 = vector.load %arg2[%get3A_20, %get3A_21] : memref<80x256xf32, #tpu.memory_space<vmem>>, vector<80x256xf32>
    %get3A_23 = arith.constant 0 : index
    %get3A_24 = arith.constant 0 : index
    %get3A_25 = vector.load %arg3[%get3A_23, %get3A_24] : memref<80x256xf32, #tpu.memory_space<vmem>>, vector<80x256xf32>
    %iota3A = tpu.iota {dimensions = array<i32: 1>} : vector<1x80xi32>
    %lt3A = arith.constant 77 : i32
    %lt3A_26 = vector.broadcast %lt3A : i32 to vector<1x80xi32>
    %lt3A_27 = arith.cmpi slt, %iota3A, %lt3A_26 : vector<1x80xi32>
    %slice3A = vector.extract_strided_slice %add3A_19 {offsets = [0, 0], sizes = [1000, 32], strides = [1, 1]} : vector<1000x256xf32> to vector<1000x32xf32>
    %slice3A_28 = vector.extract_strided_slice %get3A_22 {offsets = [0, 0], sizes = [80, 32], strides = [1, 1]} : vector<80x256xf32> to vector<80x32xf32>
    %slice3A_29 = vector.extract_strided_slice %get3A_25 {offsets = [0, 0], sizes = [80, 32], strides = [1, 1]} : vector<80x256xf32> to vector<80x32xf32>
    %dot_general3A_30 = arith.constant dense<0.000000e+00> : vector<1000x80xf32>
    %dot_general3A_31 = tpu.matmul %slice3A, %slice3A_28, %dot_general3A_30 {dimension_numbers = #tpu.dot_dimension_numbers<[1], [1], [0], [0], [0, 0, 1, 0], [], []>, transpose_lhs_hint = false} : vector<1000x32xf32>, vector<80x32xf32>, vector<1000x80xf32> -> vector<1000x80xf32>
    %mul3A = arith.constant 0.176776692 : f32
    %mul3A_32 = vector.broadcast %mul3A : f32 to vector<1000x80xf32>
    %mul3A_33 = arith.mulf %dot_general3A_31, %mul3A_32 : vector<1000x80xf32>
    %jit3A = arith.constant -1.000000e+30 : f32
    %broadcast_in_dim3A = vector.shape_cast %lt3A_27 : vector<1x80xi1> to vector<1x80xi1>
    %broadcast_in_dim3A_34 = vector.broadcast %broadcast_in_dim3A : vector<1x80xi1> to vector<1000x80xi1>
    %broadcast_in_dim3A_35 = vector.broadcast %jit3A : f32 to vector<1000x80xf32>
    %select_n3A = arith.select %broadcast_in_dim3A_34, %mul3A_33, %broadcast_in_dim3A_35 : vector<1000x80xi1>, vector<1000x80xf32>
    %reduce_max3A = arith.constant dense<0xFF800000> : vector<1000xf32>
    %reduce_max3A_36 = vector.multi_reduction <maximumf>, %select_n3A, %reduce_max3A [1] : vector<1000x80xf32> to vector<1000xf32>
    %broadcast_in_dim3A_37 = vector.shape_cast %reduce_max3A_36 : vector<1000xf32> to vector<1000x1xf32>
    %sub3A = vector.broadcast %broadcast_in_dim3A_37 : vector<1000x1xf32> to vector<1000x80xf32>
    %sub3A_38 = arith.subf %select_n3A, %sub3A : vector<1000x80xf32>
    %exp3A = math.exp %sub3A_38 : vector<1000x80xf32>
    %reduce_sum3A = arith.constant dense<0.000000e+00> : vector<1000xf32>
    %reduce_sum3A_39 = vector.multi_reduction <add>, %exp3A, %reduce_sum3A [1] : vector<1000x80xf32> to vector<1000xf32>
    %broadcast_in_dim3A_40 = vector.shape_cast %reduce_sum3A_39 : vector<1000xf32> to vector<1000x1xf32>
    %div3A = vector.broadcast %broadcast_in_dim3A_40 : vector<1000x1xf32> to vector<1000x80xf32>
    %div3A_41 = arith.divf %exp3A, %div3A : vector<1000x80xf32>
    %dot_general3A_42 = arith.constant dense<0.000000e+00> : vector<1000x32xf32>
    %dot_general3A_43 = tpu.matmul %div3A_41, %slice3A_29, %dot_general3A_42 {dimension_numbers = #tpu.dot_dimension_numbers<[1], [0], [0], [1], [0, 0, 1, 1], [], []>, transpose_lhs_hint = false} : vector<1000x80xf32>, vector<80x32xf32>, vector<1000x32xf32> -> vector<1000x32xf32>
    %slice3A_44 = vector.extract_strided_slice %add3A_19 {offsets = [0, 32], sizes = [1000, 32], strides = [1, 1]} : vector<1000x256xf32> to vector<1000x32xf32>
    %slice3A_45 = vector.extract_strided_slice %get3A_22 {offsets = [0, 32], sizes = [80, 32], strides = [1, 1]} : vector<80x256xf32> to vector<80x32xf32>
    %slice3A_46 = vector.extract_strided_slice %get3A_25 {offsets = [0, 32], sizes = [80, 32], strides = [1, 1]} : vector<80x256xf32> to vector<80x32xf32>
    %dot_general3A_47 = arith.constant dense<0.000000e+00> : vector<1000x80xf32>
    %dot_general3A_48 = tpu.matmul %slice3A_44, %slice3A_45, %dot_general3A_47 {dimension_numbers = #tpu.dot_dimension_numbers<[1], [1], [0], [0], [0, 0, 1, 0], [], []>, transpose_lhs_hint = false} : vector<1000x32xf32>, vector<80x32xf32>, vector<1000x80xf32> -> vector<1000x80xf32>
    %mul3A_49 = arith.constant 0.176776692 : f32
    %mul3A_50 = vector.broadcast %mul3A_49 : f32 to vector<1000x80xf32>
    %mul3A_51 = arith.mulf %dot_general3A_48, %mul3A_50 : vector<1000x80xf32>
    %jit3A_52 = arith.constant -1.000000e+30 : f32
    %broadcast_in_dim3A_53 = vector.shape_cast %lt3A_27 : vector<1x80xi1> to vector<1x80xi1>
    %broadcast_in_dim3A_54 = vector.broadcast %broadcast_in_dim3A_53 : vector<1x80xi1> to vector<1000x80xi1>
    %broadcast_in_dim3A_55 = vector.broadcast %jit3A_52 : f32 to vector<1000x80xf32>
    %select_n3A_56 = arith.select %broadcast_in_dim3A_54, %mul3A_51, %broadcast_in_dim3A_55 : vector<1000x80xi1>, vector<1000x80xf32>
    %reduce_max3A_57 = arith.constant dense<0xFF800000> : vector<1000xf32>
    %reduce_max3A_58 = vector.multi_reduction <maximumf>, %select_n3A_56, %reduce_max3A_57 [1] : vector<1000x80xf32> to vector<1000xf32>
    %broadcast_in_dim3A_59 = vector.shape_cast %reduce_max3A_58 : vector<1000xf32> to vector<1000x1xf32>
    %sub3A_60 = vector.broadcast %broadcast_in_dim3A_59 : vector<1000x1xf32> to vector<1000x80xf32>
    %sub3A_61 = arith.subf %select_n3A_56, %sub3A_60 : vector<1000x80xf32>
    %exp3A_62 = math.exp %sub3A_61 : vector<1000x80xf32>
    %reduce_sum3A_63 = arith.constant dense<0.000000e+00> : vector<1000xf32>
    %reduce_sum3A_64 = vector.multi_reduction <add>, %exp3A_62, %reduce_sum3A_63 [1] : vector<1000x80xf32> to vector<1000xf32>
    %broadcast_in_dim3A_65 = vector.shape_cast %reduce_sum3A_64 : vector<1000xf32> to vector<1000x1xf32>
    %div3A_66 = vector.broadcast %broadcast_in_dim3A_65 : vector<1000x1xf32> to vector<1000x80xf32>
    %div3A_67 = arith.divf %exp3A_62, %div3A_66 : vector<1000x80xf32>
    %dot_general3A_68 = arith.constant dense<0.000000e+00> : vector<1000x32xf32>
    %dot_general3A_69 = tpu.matmul %div3A_67, %slice3A_46, %dot_general3A_68 {dimension_numbers = #tpu.dot_dimension_numbers<[1], [0], [0], [1], [0, 0, 1, 1], [], []>, transpose_lhs_hint = false} : vector<1000x80xf32>, vector<80x32xf32>, vector<1000x32xf32> -> vector<1000x32xf32>
    %slice3A_70 = vector.extract_strided_slice %add3A_19 {offsets = [0, 64], sizes = [1000, 32], strides = [1, 1]} : vector<1000x256xf32> to vector<1000x32xf32>
    %slice3A_71 = vector.extract_strided_slice %get3A_22 {offsets = [0, 64], sizes = [80, 32], strides = [1, 1]} : vector<80x256xf32> to vector<80x32xf32>
    %slice3A_72 = vector.extract_strided_slice %get3A_25 {offsets = [0, 64], sizes = [80, 32], strides = [1, 1]} : vector<80x256xf32> to vector<80x32xf32>
    %dot_general3A_73 = arith.constant dense<0.000000e+00> : vector<1000x80xf32>
    %dot_general3A_74 = tpu.matmul %slice3A_70, %slice3A_71, %dot_general3A_73 {dimension_numbers = #tpu.dot_dimension_numbers<[1], [1], [0], [0], [0, 0, 1, 0], [], []>, transpose_lhs_hint = false} : vector<1000x32xf32>, vector<80x32xf32>, vector<1000x80xf32> -> vector<1000x80xf32>
    %mul3A_75 = arith.constant 0.176776692 : f32
    %mul3A_76 = vector.broadcast %mul3A_75 : f32 to vector<1000x80xf32>
    %mul3A_77 = arith.mulf %dot_general3A_74, %mul3A_76 : vector<1000x80xf32>
    %jit3A_78 = arith.constant -1.000000e+30 : f32
    %broadcast_in_dim3A_79 = vector.shape_cast %lt3A_27 : vector<1x80xi1> to vector<1x80xi1>
    %broadcast_in_dim3A_80 = vector.broadcast %broadcast_in_dim3A_79 : vector<1x80xi1> to vector<1000x80xi1>
    %broadcast_in_dim3A_81 = vector.broadcast %jit3A_78 : f32 to vector<1000x80xf32>
    %select_n3A_82 = arith.select %broadcast_in_dim3A_80, %mul3A_77, %broadcast_in_dim3A_81 : vector<1000x80xi1>, vector<1000x80xf32>
    %reduce_max3A_83 = arith.constant dense<0xFF800000> : vector<1000xf32>
    %reduce_max3A_84 = vector.multi_reduction <maximumf>, %select_n3A_82, %reduce_max3A_83 [1] : vector<1000x80xf32> to vector<1000xf32>
    %broadcast_in_dim3A_85 = vector.shape_cast %reduce_max3A_84 : vector<1000xf32> to vector<1000x1xf32>
    %sub3A_86 = vector.broadcast %broadcast_in_dim3A_85 : vector<1000x1xf32> to vector<1000x80xf32>
    %sub3A_87 = arith.subf %select_n3A_82, %sub3A_86 : vector<1000x80xf32>
    %exp3A_88 = math.exp %sub3A_87 : vector<1000x80xf32>
    %reduce_sum3A_89 = arith.constant dense<0.000000e+00> : vector<1000xf32>
    %reduce_sum3A_90 = vector.multi_reduction <add>, %exp3A_88, %reduce_sum3A_89 [1] : vector<1000x80xf32> to vector<1000xf32>
    %broadcast_in_dim3A_91 = vector.shape_cast %reduce_sum3A_90 : vector<1000xf32> to vector<1000x1xf32>
    %div3A_92 = vector.broadcast %broadcast_in_dim3A_91 : vector<1000x1xf32> to vector<1000x80xf32>
    %div3A_93 = arith.divf %exp3A_88, %div3A_92 : vector<1000x80xf32>
    %dot_general3A_94 = arith.constant dense<0.000000e+00> : vector<1000x32xf32>
    %dot_general3A_95 = tpu.matmul %div3A_93, %slice3A_72, %dot_general3A_94 {dimension_numbers = #tpu.dot_dimension_numbers<[1], [0], [0], [1], [0, 0, 1, 1], [], []>, transpose_lhs_hint = false} : vector<1000x80xf32>, vector<80x32xf32>, vector<1000x32xf32> -> vector<1000x32xf32>
    %slice3A_96 = vector.extract_strided_slice %add3A_19 {offsets = [0, 96], sizes = [1000, 32], strides = [1, 1]} : vector<1000x256xf32> to vector<1000x32xf32>
    %slice3A_97 = vector.extract_strided_slice %get3A_22 {offsets = [0, 96], sizes = [80, 32], strides = [1, 1]} : vector<80x256xf32> to vector<80x32xf32>
    %slice3A_98 = vector.extract_strided_slice %get3A_25 {offsets = [0, 96], sizes = [80, 32], strides = [1, 1]} : vector<80x256xf32> to vector<80x32xf32>
    %dot_general3A_99 = arith.constant dense<0.000000e+00> : vector<1000x80xf32>
    %dot_general3A_100 = tpu.matmul %slice3A_96, %slice3A_97, %dot_general3A_99 {dimension_numbers = #tpu.dot_dimension_numbers<[1], [1], [0], [0], [0, 0, 1, 0], [], []>, transpose_lhs_hint = false} : vector<1000x32xf32>, vector<80x32xf32>, vector<1000x80xf32> -> vector<1000x80xf32>
    %mul3A_101 = arith.constant 0.176776692 : f32
    %mul3A_102 = vector.broadcast %mul3A_101 : f32 to vector<1000x80xf32>
    %mul3A_103 = arith.mulf %dot_general3A_100, %mul3A_102 : vector<1000x80xf32>
    %jit3A_104 = arith.constant -1.000000e+30 : f32
    %broadcast_in_dim3A_105 = vector.shape_cast %lt3A_27 : vector<1x80xi1> to vector<1x80xi1>
    %broadcast_in_dim3A_106 = vector.broadcast %broadcast_in_dim3A_105 : vector<1x80xi1> to vector<1000x80xi1>
    %broadcast_in_dim3A_107 = vector.broadcast %jit3A_104 : f32 to vector<1000x80xf32>
    %select_n3A_108 = arith.select %broadcast_in_dim3A_106, %mul3A_103, %broadcast_in_dim3A_107 : vector<1000x80xi1>, vector<1000x80xf32>
    %reduce_max3A_109 = arith.constant dense<0xFF800000> : vector<1000xf32>
    %reduce_max3A_110 = vector.multi_reduction <maximumf>, %select_n3A_108, %reduce_max3A_109 [1] : vector<1000x80xf32> to vector<1000xf32>
    %broadcast_in_dim3A_111 = vector.shape_cast %reduce_max3A_110 : vector<1000xf32> to vector<1000x1xf32>
    %sub3A_112 = vector.broadcast %broadcast_in_dim3A_111 : vector<1000x1xf32> to vector<1000x80xf32>
    %sub3A_113 = arith.subf %select_n3A_108, %sub3A_112 : vector<1000x80xf32>
    %exp3A_114 = math.exp %sub3A_113 : vector<1000x80xf32>
    %reduce_sum3A_115 = arith.constant dense<0.000000e+00> : vector<1000xf32>
    %reduce_sum3A_116 = vector.multi_reduction <add>, %exp3A_114, %reduce_sum3A_115 [1] : vector<1000x80xf32> to vector<1000xf32>
    %broadcast_in_dim3A_117 = vector.shape_cast %reduce_sum3A_116 : vector<1000xf32> to vector<1000x1xf32>
    %div3A_118 = vector.broadcast %broadcast_in_dim3A_117 : vector<1000x1xf32> to vector<1000x80xf32>
    %div3A_119 = arith.divf %exp3A_114, %div3A_118 : vector<1000x80xf32>
    %dot_general3A_120 = arith.constant dense<0.000000e+00> : vector<1000x32xf32>
    %dot_general3A_121 = tpu.matmul %div3A_119, %slice3A_98, %dot_general3A_120 {dimension_numbers = #tpu.dot_dimension_numbers<[1], [0], [0], [1], [0, 0, 1, 1], [], []>, transpose_lhs_hint = false} : vector<1000x80xf32>, vector<80x32xf32>, vector<1000x32xf32> -> vector<1000x32xf32>
    %slice3A_122 = vector.extract_strided_slice %add3A_19 {offsets = [0, 128], sizes = [1000, 32], strides = [1, 1]} : vector<1000x256xf32> to vector<1000x32xf32>
    %slice3A_123 = vector.extract_strided_slice %get3A_22 {offsets = [0, 128], sizes = [80, 32], strides = [1, 1]} : vector<80x256xf32> to vector<80x32xf32>
    %slice3A_124 = vector.extract_strided_slice %get3A_25 {offsets = [0, 128], sizes = [80, 32], strides = [1, 1]} : vector<80x256xf32> to vector<80x32xf32>
    %dot_general3A_125 = arith.constant dense<0.000000e+00> : vector<1000x80xf32>
    %dot_general3A_126 = tpu.matmul %slice3A_122, %slice3A_123, %dot_general3A_125 {dimension_numbers = #tpu.dot_dimension_numbers<[1], [1], [0], [0], [0, 0, 1, 0], [], []>, transpose_lhs_hint = false} : vector<1000x32xf32>, vector<80x32xf32>, vector<1000x80xf32> -> vector<1000x80xf32>
    %mul3A_127 = arith.constant 0.176776692 : f32
    %mul3A_128 = vector.broadcast %mul3A_127 : f32 to vector<1000x80xf32>
    %mul3A_129 = arith.mulf %dot_general3A_126, %mul3A_128 : vector<1000x80xf32>
    %jit3A_130 = arith.constant -1.000000e+30 : f32
    %broadcast_in_dim3A_131 = vector.shape_cast %lt3A_27 : vector<1x80xi1> to vector<1x80xi1>
    %broadcast_in_dim3A_132 = vector.broadcast %broadcast_in_dim3A_131 : vector<1x80xi1> to vector<1000x80xi1>
    %broadcast_in_dim3A_133 = vector.broadcast %jit3A_130 : f32 to vector<1000x80xf32>
    %select_n3A_134 = arith.select %broadcast_in_dim3A_132, %mul3A_129, %broadcast_in_dim3A_133 : vector<1000x80xi1>, vector<1000x80xf32>
    %reduce_max3A_135 = arith.constant dense<0xFF800000> : vector<1000xf32>
    %reduce_max3A_136 = vector.multi_reduction <maximumf>, %select_n3A_134, %reduce_max3A_135 [1] : vector<1000x80xf32> to vector<1000xf32>
    %broadcast_in_dim3A_137 = vector.shape_cast %reduce_max3A_136 : vector<1000xf32> to vector<1000x1xf32>
    %sub3A_138 = vector.broadcast %broadcast_in_dim3A_137 : vector<1000x1xf32> to vector<1000x80xf32>
    %sub3A_139 = arith.subf %select_n3A_134, %sub3A_138 : vector<1000x80xf32>
    %exp3A_140 = math.exp %sub3A_139 : vector<1000x80xf32>
    %reduce_sum3A_141 = arith.constant dense<0.000000e+00> : vector<1000xf32>
    %reduce_sum3A_142 = vector.multi_reduction <add>, %exp3A_140, %reduce_sum3A_141 [1] : vector<1000x80xf32> to vector<1000xf32>
    %broadcast_in_dim3A_143 = vector.shape_cast %reduce_sum3A_142 : vector<1000xf32> to vector<1000x1xf32>
    %div3A_144 = vector.broadcast %broadcast_in_dim3A_143 : vector<1000x1xf32> to vector<1000x80xf32>
    %div3A_145 = arith.divf %exp3A_140, %div3A_144 : vector<1000x80xf32>
    %dot_general3A_146 = arith.constant dense<0.000000e+00> : vector<1000x32xf32>
    %dot_general3A_147 = tpu.matmul %div3A_145, %slice3A_124, %dot_general3A_146 {dimension_numbers = #tpu.dot_dimension_numbers<[1], [0], [0], [1], [0, 0, 1, 1], [], []>, transpose_lhs_hint = false} : vector<1000x80xf32>, vector<80x32xf32>, vector<1000x32xf32> -> vector<1000x32xf32>
    %slice3A_148 = vector.extract_strided_slice %add3A_19 {offsets = [0, 160], sizes = [1000, 32], strides = [1, 1]} : vector<1000x256xf32> to vector<1000x32xf32>
    %slice3A_149 = vector.extract_strided_slice %get3A_22 {offsets = [0, 160], sizes = [80, 32], strides = [1, 1]} : vector<80x256xf32> to vector<80x32xf32>
    %slice3A_150 = vector.extract_strided_slice %get3A_25 {offsets = [0, 160], sizes = [80, 32], strides = [1, 1]} : vector<80x256xf32> to vector<80x32xf32>
    %dot_general3A_151 = arith.constant dense<0.000000e+00> : vector<1000x80xf32>
    %dot_general3A_152 = tpu.matmul %slice3A_148, %slice3A_149, %dot_general3A_151 {dimension_numbers = #tpu.dot_dimension_numbers<[1], [1], [0], [0], [0, 0, 1, 0], [], []>, transpose_lhs_hint = false} : vector<1000x32xf32>, vector<80x32xf32>, vector<1000x80xf32> -> vector<1000x80xf32>
    %mul3A_153 = arith.constant 0.176776692 : f32
    %mul3A_154 = vector.broadcast %mul3A_153 : f32 to vector<1000x80xf32>
    %mul3A_155 = arith.mulf %dot_general3A_152, %mul3A_154 : vector<1000x80xf32>
    %jit3A_156 = arith.constant -1.000000e+30 : f32
    %broadcast_in_dim3A_157 = vector.shape_cast %lt3A_27 : vector<1x80xi1> to vector<1x80xi1>
    %broadcast_in_dim3A_158 = vector.broadcast %broadcast_in_dim3A_157 : vector<1x80xi1> to vector<1000x80xi1>
    %broadcast_in_dim3A_159 = vector.broadcast %jit3A_156 : f32 to vector<1000x80xf32>
    %select_n3A_160 = arith.select %broadcast_in_dim3A_158, %mul3A_155, %broadcast_in_dim3A_159 : vector<1000x80xi1>, vector<1000x80xf32>
    %reduce_max3A_161 = arith.constant dense<0xFF800000> : vector<1000xf32>
    %reduce_max3A_162 = vector.multi_reduction <maximumf>, %select_n3A_160, %reduce_max3A_161 [1] : vector<1000x80xf32> to vector<1000xf32>
    %broadcast_in_dim3A_163 = vector.shape_cast %reduce_max3A_162 : vector<1000xf32> to vector<1000x1xf32>
    %sub3A_164 = vector.broadcast %broadcast_in_dim3A_163 : vector<1000x1xf32> to vector<1000x80xf32>
    %sub3A_165 = arith.subf %select_n3A_160, %sub3A_164 : vector<1000x80xf32>
    %exp3A_166 = math.exp %sub3A_165 : vector<1000x80xf32>
    %reduce_sum3A_167 = arith.constant dense<0.000000e+00> : vector<1000xf32>
    %reduce_sum3A_168 = vector.multi_reduction <add>, %exp3A_166, %reduce_sum3A_167 [1] : vector<1000x80xf32> to vector<1000xf32>
    %broadcast_in_dim3A_169 = vector.shape_cast %reduce_sum3A_168 : vector<1000xf32> to vector<1000x1xf32>
    %div3A_170 = vector.broadcast %broadcast_in_dim3A_169 : vector<1000x1xf32> to vector<1000x80xf32>
    %div3A_171 = arith.divf %exp3A_166, %div3A_170 : vector<1000x80xf32>
    %dot_general3A_172 = arith.constant dense<0.000000e+00> : vector<1000x32xf32>
    %dot_general3A_173 = tpu.matmul %div3A_171, %slice3A_150, %dot_general3A_172 {dimension_numbers = #tpu.dot_dimension_numbers<[1], [0], [0], [1], [0, 0, 1, 1], [], []>, transpose_lhs_hint = false} : vector<1000x80xf32>, vector<80x32xf32>, vector<1000x32xf32> -> vector<1000x32xf32>
    %slice3A_174 = vector.extract_strided_slice %add3A_19 {offsets = [0, 192], sizes = [1000, 32], strides = [1, 1]} : vector<1000x256xf32> to vector<1000x32xf32>
    %slice3A_175 = vector.extract_strided_slice %get3A_22 {offsets = [0, 192], sizes = [80, 32], strides = [1, 1]} : vector<80x256xf32> to vector<80x32xf32>
    %slice3A_176 = vector.extract_strided_slice %get3A_25 {offsets = [0, 192], sizes = [80, 32], strides = [1, 1]} : vector<80x256xf32> to vector<80x32xf32>
    %dot_general3A_177 = arith.constant dense<0.000000e+00> : vector<1000x80xf32>
    %dot_general3A_178 = tpu.matmul %slice3A_174, %slice3A_175, %dot_general3A_177 {dimension_numbers = #tpu.dot_dimension_numbers<[1], [1], [0], [0], [0, 0, 1, 0], [], []>, transpose_lhs_hint = false} : vector<1000x32xf32>, vector<80x32xf32>, vector<1000x80xf32> -> vector<1000x80xf32>
    %mul3A_179 = arith.constant 0.176776692 : f32
    %mul3A_180 = vector.broadcast %mul3A_179 : f32 to vector<1000x80xf32>
    %mul3A_181 = arith.mulf %dot_general3A_178, %mul3A_180 : vector<1000x80xf32>
    %jit3A_182 = arith.constant -1.000000e+30 : f32
    %broadcast_in_dim3A_183 = vector.shape_cast %lt3A_27 : vector<1x80xi1> to vector<1x80xi1>
    %broadcast_in_dim3A_184 = vector.broadcast %broadcast_in_dim3A_183 : vector<1x80xi1> to vector<1000x80xi1>
    %broadcast_in_dim3A_185 = vector.broadcast %jit3A_182 : f32 to vector<1000x80xf32>
    %select_n3A_186 = arith.select %broadcast_in_dim3A_184, %mul3A_181, %broadcast_in_dim3A_185 : vector<1000x80xi1>, vector<1000x80xf32>
    %reduce_max3A_187 = arith.constant dense<0xFF800000> : vector<1000xf32>
    %reduce_max3A_188 = vector.multi_reduction <maximumf>, %select_n3A_186, %reduce_max3A_187 [1] : vector<1000x80xf32> to vector<1000xf32>
    %broadcast_in_dim3A_189 = vector.shape_cast %reduce_max3A_188 : vector<1000xf32> to vector<1000x1xf32>
    %sub3A_190 = vector.broadcast %broadcast_in_dim3A_189 : vector<1000x1xf32> to vector<1000x80xf32>
    %sub3A_191 = arith.subf %select_n3A_186, %sub3A_190 : vector<1000x80xf32>
    %exp3A_192 = math.exp %sub3A_191 : vector<1000x80xf32>
    %reduce_sum3A_193 = arith.constant dense<0.000000e+00> : vector<1000xf32>
    %reduce_sum3A_194 = vector.multi_reduction <add>, %exp3A_192, %reduce_sum3A_193 [1] : vector<1000x80xf32> to vector<1000xf32>
    %broadcast_in_dim3A_195 = vector.shape_cast %reduce_sum3A_194 : vector<1000xf32> to vector<1000x1xf32>
    %div3A_196 = vector.broadcast %broadcast_in_dim3A_195 : vector<1000x1xf32> to vector<1000x80xf32>
    %div3A_197 = arith.divf %exp3A_192, %div3A_196 : vector<1000x80xf32>
    %dot_general3A_198 = arith.constant dense<0.000000e+00> : vector<1000x32xf32>
    %dot_general3A_199 = tpu.matmul %div3A_197, %slice3A_176, %dot_general3A_198 {dimension_numbers = #tpu.dot_dimension_numbers<[1], [0], [0], [1], [0, 0, 1, 1], [], []>, transpose_lhs_hint = false} : vector<1000x80xf32>, vector<80x32xf32>, vector<1000x32xf32> -> vector<1000x32xf32>
    %slice3A_200 = vector.extract_strided_slice %add3A_19 {offsets = [0, 224], sizes = [1000, 32], strides = [1, 1]} : vector<1000x256xf32> to vector<1000x32xf32>
    %slice3A_201 = vector.extract_strided_slice %get3A_22 {offsets = [0, 224], sizes = [80, 32], strides = [1, 1]} : vector<80x256xf32> to vector<80x32xf32>
    %slice3A_202 = vector.extract_strided_slice %get3A_25 {offsets = [0, 224], sizes = [80, 32], strides = [1, 1]} : vector<80x256xf32> to vector<80x32xf32>
    %dot_general3A_203 = arith.constant dense<0.000000e+00> : vector<1000x80xf32>
    %dot_general3A_204 = tpu.matmul %slice3A_200, %slice3A_201, %dot_general3A_203 {dimension_numbers = #tpu.dot_dimension_numbers<[1], [1], [0], [0], [0, 0, 1, 0], [], []>, transpose_lhs_hint = false} : vector<1000x32xf32>, vector<80x32xf32>, vector<1000x80xf32> -> vector<1000x80xf32>
    %mul3A_205 = arith.constant 0.176776692 : f32
    %mul3A_206 = vector.broadcast %mul3A_205 : f32 to vector<1000x80xf32>
    %mul3A_207 = arith.mulf %dot_general3A_204, %mul3A_206 : vector<1000x80xf32>
    %jit3A_208 = arith.constant -1.000000e+30 : f32
    %broadcast_in_dim3A_209 = vector.shape_cast %lt3A_27 : vector<1x80xi1> to vector<1x80xi1>
    %broadcast_in_dim3A_210 = vector.broadcast %broadcast_in_dim3A_209 : vector<1x80xi1> to vector<1000x80xi1>
    %broadcast_in_dim3A_211 = vector.broadcast %jit3A_208 : f32 to vector<1000x80xf32>
    %select_n3A_212 = arith.select %broadcast_in_dim3A_210, %mul3A_207, %broadcast_in_dim3A_211 : vector<1000x80xi1>, vector<1000x80xf32>
    %reduce_max3A_213 = arith.constant dense<0xFF800000> : vector<1000xf32>
    %reduce_max3A_214 = vector.multi_reduction <maximumf>, %select_n3A_212, %reduce_max3A_213 [1] : vector<1000x80xf32> to vector<1000xf32>
    %broadcast_in_dim3A_215 = vector.shape_cast %reduce_max3A_214 : vector<1000xf32> to vector<1000x1xf32>
    %sub3A_216 = vector.broadcast %broadcast_in_dim3A_215 : vector<1000x1xf32> to vector<1000x80xf32>
    %sub3A_217 = arith.subf %select_n3A_212, %sub3A_216 : vector<1000x80xf32>
    %exp3A_218 = math.exp %sub3A_217 : vector<1000x80xf32>
    %reduce_sum3A_219 = arith.constant dense<0.000000e+00> : vector<1000xf32>
    %reduce_sum3A_220 = vector.multi_reduction <add>, %exp3A_218, %reduce_sum3A_219 [1] : vector<1000x80xf32> to vector<1000xf32>
    %broadcast_in_dim3A_221 = vector.shape_cast %reduce_sum3A_220 : vector<1000xf32> to vector<1000x1xf32>
    %div3A_222 = vector.broadcast %broadcast_in_dim3A_221 : vector<1000x1xf32> to vector<1000x80xf32>
    %div3A_223 = arith.divf %exp3A_218, %div3A_222 : vector<1000x80xf32>
    %dot_general3A_224 = arith.constant dense<0.000000e+00> : vector<1000x32xf32>
    %dot_general3A_225 = tpu.matmul %div3A_223, %slice3A_202, %dot_general3A_224 {dimension_numbers = #tpu.dot_dimension_numbers<[1], [0], [0], [1], [0, 0, 1, 1], [], []>, transpose_lhs_hint = false} : vector<1000x80xf32>, vector<80x32xf32>, vector<1000x32xf32> -> vector<1000x32xf32>
    %concatenate3A = tpu.concatenate %dot_general3A_43, %dot_general3A_69, %dot_general3A_95, %dot_general3A_121, %dot_general3A_147, %dot_general3A_173, %dot_general3A_199, %dot_general3A_225 in 1 : vector<1000x32xf32>, vector<1000x32xf32>, vector<1000x32xf32>, vector<1000x32xf32>, vector<1000x32xf32>, vector<1000x32xf32>, vector<1000x32xf32>, vector<1000x32xf32> -> vector<1000x256xf32>
    %get3A_226 = arith.constant 0 : index
    %get3A_227 = arith.constant 0 : index
    %get3A_228 = vector.load %arg8[%get3A_226, %get3A_227] : memref<256x256xf32, #tpu.memory_space<vmem>>, vector<256x256xf32>
    %dot_general3A_229 = arith.constant dense<0.000000e+00> : vector<1000x256xf32>
    %dot_general3A_230 = tpu.matmul %concatenate3A, %get3A_228, %dot_general3A_229 {dimension_numbers = #tpu.dot_dimension_numbers<[1], [0], [0], [1], [0, 0, 1, 1], [], []>, transpose_lhs_hint = false} : vector<1000x256xf32>, vector<256x256xf32>, vector<1000x256xf32> -> vector<1000x256xf32>
    %get3A_231 = arith.constant 0 : index
    %get3A_232 = arith.constant 0 : index
    %get3A_233 = vector.load %arg9[%get3A_231, %get3A_232] : memref<1x256xf32, #tpu.memory_space<vmem>>, vector<1x256xf32>
    %add3A_234 = vector.broadcast %get3A_233 : vector<1x256xf32> to vector<1000x256xf32>
    %add3A_235 = arith.addf %dot_general3A_230, %add3A_234 : vector<1000x256xf32>
    %get3A_236 = arith.constant 0 : index
    %get3A_237 = arith.constant 0 : index
    %get3A_238 = vector.load %arg1[%get3A_236, %get3A_237] : memref<1000x256xf32, #tpu.memory_space<vmem>>, vector<1000x256xf32>
    %add3A_239 = arith.addf %add3A_235, %get3A_238 : vector<1000x256xf32>
    %reduce_sum3A_240 = arith.constant dense<0.000000e+00> : vector<1000xf32>
    %reduce_sum3A_241 = vector.multi_reduction <add>, %add3A_239, %reduce_sum3A_240 [1] : vector<1000x256xf32> to vector<1000xf32>
    %broadcast_in_dim3A_242 = vector.shape_cast %reduce_sum3A_241 : vector<1000xf32> to vector<1000x1xf32>
    %div3A_243 = arith.constant 2.560000e+02 : f32
    %div3A_244 = vector.broadcast %div3A_243 : f32 to vector<1000x1xf32>
    %div3A_245 = arith.divf %broadcast_in_dim3A_242, %div3A_244 : vector<1000x1xf32>
    %sub3A_246 = vector.broadcast %div3A_245 : vector<1000x1xf32> to vector<1000x256xf32>
    %sub3A_247 = arith.subf %add3A_239, %sub3A_246 : vector<1000x256xf32>
    %integer_pow3A = arith.mulf %sub3A_247, %sub3A_247 : vector<1000x256xf32>
    %reduce_sum3A_248 = arith.constant dense<0.000000e+00> : vector<1000xf32>
    %reduce_sum3A_249 = vector.multi_reduction <add>, %integer_pow3A, %reduce_sum3A_248 [1] : vector<1000x256xf32> to vector<1000xf32>
    %broadcast_in_dim3A_250 = vector.shape_cast %reduce_sum3A_249 : vector<1000xf32> to vector<1000x1xf32>
    %div3A_251 = arith.constant 2.560000e+02 : f32
    %div3A_252 = vector.broadcast %div3A_251 : f32 to vector<1000x1xf32>
    %div3A_253 = arith.divf %broadcast_in_dim3A_250, %div3A_252 : vector<1000x1xf32>
    %sub3A_254 = vector.broadcast %div3A_245 : vector<1000x1xf32> to vector<1000x256xf32>
    %sub3A_255 = arith.subf %add3A_239, %sub3A_254 : vector<1000x256xf32>
    %add3A_256 = arith.constant 9.99999974E-6 : f32
    %add3A_257 = vector.broadcast %add3A_256 : f32 to vector<1000x1xf32>
    %add3A_258 = arith.addf %div3A_253, %add3A_257 : vector<1000x1xf32>
    %rsqrt3A = math.rsqrt %add3A_258 : vector<1000x1xf32>
    %mul3A_259 = vector.broadcast %rsqrt3A : vector<1000x1xf32> to vector<1000x256xf32>
    %mul3A_260 = arith.mulf %sub3A_255, %mul3A_259 : vector<1000x256xf32>
    %get3A_261 = arith.constant 0 : index
    %get3A_262 = arith.constant 0 : index
    %get3A_263 = vector.load %arg10[%get3A_261, %get3A_262] : memref<1x256xf32, #tpu.memory_space<vmem>>, vector<1x256xf32>
    %mul3A_264 = vector.broadcast %get3A_263 : vector<1x256xf32> to vector<1000x256xf32>
    %mul3A_265 = arith.mulf %mul3A_260, %mul3A_264 : vector<1000x256xf32>
    %get3A_266 = arith.constant 0 : index
    %get3A_267 = arith.constant 0 : index
    %get3A_268 = vector.load %arg11[%get3A_266, %get3A_267] : memref<1x256xf32, #tpu.memory_space<vmem>>, vector<1x256xf32>
    %add3A_269 = vector.broadcast %get3A_268 : vector<1x256xf32> to vector<1000x256xf32>
    %add3A_270 = arith.addf %mul3A_265, %add3A_269 : vector<1000x256xf32>
    %swap3A = arith.constant 0 : index
    %swap3A_271 = arith.constant 0 : index
    %swap3A_272 = vector.load %arg12[%swap3A, %swap3A_271] : memref<1000x256xf32, #tpu.memory_space<vmem>>, vector<1000x256xf32>
    tpu.vector_store %arg12[%swap3A, %swap3A_271], %add3A_270 {strides = array<i32>} : memref<1000x256xf32, #tpu.memory_space<vmem>>, vector<1000x256xf32>,
    return
  }
  func.func @transform_0(%arg0: i32) -> (i32, i32) {
    %c0_i32 = arith.constant 0 : i32
    %c0_i32_0 = arith.constant 0 : i32
    return %arg0, %c0_i32 : i32, i32
  }
  func.func @transform_1(%arg0: i32) -> (i32, i32) {
    %c0_i32 = arith.constant 0 : i32
    %c0_i32_0 = arith.constant 0 : i32
    %c0_i32_1 = arith.constant 0 : i32
    return %c0_i32, %c0_i32_0 : i32, i32
  }
  func.func @transform_2(%arg0: i32) -> (i32, i32) {
    %c0_i32 = arith.constant 0 : i32
    %c0_i32_0 = arith.constant 0 : i32
    %c0_i32_1 = arith.constant 0 : i32
    return %c0_i32, %c0_i32_0 : i32, i32
  }
  func.func @transform_3(%arg0: i32) -> (i32, i32) {
    %c0_i32 = arith.constant 0 : i32
    %c0_i32_0 = arith.constant 0 : i32
    %c0_i32_1 = arith.constant 0 : i32
    return %c0_i32, %c0_i32_0 : i32, i32
  }
  func.func @transform_4(%arg0: i32) -> (i32, i32) {
    %c0_i32 = arith.constant 0 : i32
    %c0_i32_0 = arith.constant 0 : i32
    %c0_i32_1 = arith.constant 0 : i32
    return %c0_i32, %c0_i32_0 : i32, i32
  }
  func.func @transform_5(%arg0: i32) -> (i32, i32) {
    %c0_i32 = arith.constant 0 : i32
    %c0_i32_0 = arith.constant 0 : i32
    %c0_i32_1 = arith.constant 0 : i32
    return %c0_i32, %c0_i32_0 : i32, i32
  }
  func.func @transform_6(%arg0: i32) -> (i32, i32) {
    %c0_i32 = arith.constant 0 : i32
    %c0_i32_0 = arith.constant 0 : i32
    %c0_i32_1 = arith.constant 0 : i32
    return %c0_i32, %c0_i32_0 : i32, i32
  }
  func.func @transform_7(%arg0: i32) -> (i32, i32) {
    %c0_i32 = arith.constant 0 : i32
    %c0_i32_0 = arith.constant 0 : i32
    %c0_i32_1 = arith.constant 0 : i32
    return %c0_i32, %c0_i32_0 : i32, i32
  }
  func.func @transform_8(%arg0: i32) -> (i32, i32) {
    %c0_i32 = arith.constant 0 : i32
    %c0_i32_0 = arith.constant 0 : i32
    %c0_i32_1 = arith.constant 0 : i32
    return %c0_i32, %c0_i32_0 : i32, i32
  }
  func.func @transform_9(%arg0: i32) -> (i32, i32) {
    %c0_i32 = arith.constant 0 : i32
    %c0_i32_0 = arith.constant 0 : i32
    %c0_i32_1 = arith.constant 0 : i32
    return %c0_i32, %c0_i32_0 : i32, i32
  }
  func.func @transform_10(%arg0: i32) -> (i32, i32) {
    %c0_i32 = arith.constant 0 : i32
    %c0_i32_0 = arith.constant 0 : i32
    %c0_i32_1 = arith.constant 0 : i32
    return %c0_i32, %c0_i32_0 : i32, i32
  }
  func.func @transform_11(%arg0: i32) -> (i32, i32) {
    %c0_i32 = arith.constant 0 : i32
    %c0_i32_0 = arith.constant 0 : i32
    return %arg0, %c0_i32 : i32, i32
  }
}

</mosaic_0001>

<sc_bundles>
// kernel: kernel.21.cloned.1.call-start
scs
__scs_entry_jumppad:
0x0: {  	(pc) =	sbr.rel $0x88, $3  }
0x1: {  	(tag) =	ssettag $0x0;
	lr =	simm.s32 $0x1  }
0x2: {  	[smem:$0x3F75] =	sst lr;
	_ =	strace $0xD0000000  }
0x3: {  	_ = 	snop  }
0x4: {  	_ = 	snop  }
0x5: {  	_ = 	snop  }
0x6: {  	_ = 	snop  }
0x7: {  	_ = 	snop  }
__scs_overlays_trampoline_lowered:
0x8: {  	[smem:$0x3F84] =	sst s0  }
0x9: {  	[smem:$0x3F85] =	sst s1  }
0xa: {  	[smem:$0x3F86] =	sst s2  }
0xb: {  	[smem:$0x3F87] =	sst s3  }
0xc: {  	[smem:$0x3F88] =	sst s4  }
0xd: {  	[smem:$0x3F89] =	sst s5  }
0xe: {  	[smem:$0x3F8A] =	sst s6  }
0xf: {  	[smem:$0x3F8B] =	sst s7  }
0x10: {  	[smem:$0x3F8C] =	sst s8  }
0x11: {  	[smem:$0x3F8D] =	sst s9;
	s0 =	simm.s32 @!p0 $0x0  }
0x12: {  	s1 =	sld [smem:$0x3F73];
	s0 =	simm.s32 @p0 $0x1  }
0x13: {  	[smem:$0x3F8E] =	sst s0;
	s0 =	simm.s32 @!p1 $0x0  }
0x14: {  	s2 =	sld [smem:$0x3F72];
	s0 =	simm.s32 @p1 $0x1  }
0x15: {  	[smem:$0x3F8F] =	sst s0;
	s0 =	simm.s32 @!p2 $0x0  }
0x16: {  	s3 =	sld [smem:$0x3FDB];
	s0 =	simm.s32 @p2 $0x1  }
0x17: {  	s4 =	simm.s32 $0x1BF5;
	[smem:$0x3F91] =	sst s0  }
0x18: {  	s0 =	sld [smem:$0x3F74];
	_ =	swait.ge [sflag:s4], $0x0  }
0x19: {  	s7 =	sld [smem:$0x3F75]  }
0x1a: {  	s8 =	sadd.s32 $0xFFFFE003, lr  }
0x1b: {  	s9 =	sadd.s32 $0xFFFFFEF7, lr;
	s5 =	simm.s32 $0xFFFFFFFF;
	p2 =	slt.u32 s8, $0xFFFFF086  }
0x1c: {  	p1 =	slt.u32 s9, $0xF7A;
	s5 =	simm.s32 @!p2 $0x0  }
0x1d: {  	s5 =	simm.s32 @p1 $0x1;
	p0 =	seq.s32 s7, s2  }
0x1e: {  	s7 =	smul.u32 @!p0 $0xF7A, s2;
	p2 =	seq.s32 @!p0 s5, $0x0  }
0x1f: {  	s9 =	smul.u32 $0xF7A, s1;
	s8 =	simm.s32 @!p0 $0x1BF5;
	p2 =	por !p2, p0  }
0x20: {  	[sflag:s8] =	ssyncset.s32 @!p0 $0xFFFFF086;
	s6 =	sadd.s32 @!p0 s3, s7;
	s7 =	simm.s32 @!p0 $0x108  }
0x21: {  	s3 =	sadd.s32 s3, s9;
	s6 =	sadd.s32 @!p0 $0x88, s6;
	s7 =	simm.s32 @p2 $0x1082  }
0x22: {  	[simem:s7], [sflag:s8] =	dma.local @!p0 [hbm:s6], $0xF7A  }
0x23: {  	s9 =	sor.u32 $0xD0000000, s2;
	s6 =	simm.s32 $0x108;
	_ =	swait.ge @!p0 [sflag:s8], $0x0  }
0x24: {  	s3 =	sadd.s32 $0x88, s3;
	s6 =	simm.s32 @!p1 $0x1082;
	[sflag:s4] =	ssyncset.s32 $0xFFFFF086  }
0x25: {  	[simem:s6], [sflag:s4] =	dma.local [hbm:s3], $0xF7A  }
0x26: {  	[smem:$0x3F75] =	sst s1;
	(tag) =	ssettag s2;
	_ =	strace s9  }
0x27: {  	s1 =	sld [smem:$0x3F85]  }
0x28: {  	s2 =	sld [smem:$0x3F86]  }
0x29: {  	s4 =	sld [smem:$0x3F88]  }
0x2a: {  	p0 =	seq.s32 s5, $0x0;
	s5 =	sld [smem:$0x3F89]  }
0x2b: {  	s6 =	sld [smem:$0x3F8A]  }
0x2c: {  	s7 =	sld [smem:$0x3F8B]  }
0x2d: {  	s3 =	simm.s32 $0x108;
	s8 =	sld [smem:$0x3F8C]  }
0x2e: {  	s3 =	simm.s32 @!p0 $0x1082;
	s9 =	sld [smem:$0x3F8D]  }
0x2f: {  	lr =	sadd.s32 s0, s3;
	s0 =	sld [smem:$0x3F84]  }
0x30: {  	s3 =	sld [smem:$0x3F87]  }
0x31: {  	[smem:$0x3F90] =	sst s10  }
0x32: {  	s10 =	sld [smem:$0x3F8E];
	_ =	sdelay $0x3  }
0x33: {  	p0 =	seq.s32 s10, $0x1;
	s10 =	sld [smem:$0x3F90];
	_ =	sdelay $0x3  }
0x34: {  	[smem:$0x3F90] =	sst s10  }
0x35: {  	s10 =	sld [smem:$0x3F8F];
	_ =	sdelay $0x3  }
0x36: {  	p1 =	seq.s32 s10, $0x1;
	s10 =	sld [smem:$0x3F90];
	_ =	sdelay $0x3  }
0x37: {  	[smem:$0x3F90] =	sst s10  }
0x38: {  	s10 =	sld [smem:$0x3F91]  }
0x39: {  	_ = 	snop;
	(pc) =	sbr.ind lr, $3  }
0x3a: {  	_ = 	snop  }
0x3b: {  	_ = 	snop  }
0x3c: {  	p2 =	seq.s32 s10, $0x1;
	s10 =	sld [smem:$0x3F90]  }
0x3d: {  	_ =	shalt  }
0x3e: {  	_ =	shalt  }
0x3f: {  	_ =	shalt  }
0x40: {  	_ =	shalt  }
0x41: {  	_ =	shalt  }
0x42: {  	_ =	shalt  }
0x43: {  	_ =	shalt  }
0x44: {  	_ =	shalt  }
0x45: {  	_ =	shalt  }
0x46: {  	_ =	shalt  }
0x47: {  	_ =	shalt  }
0x48: {  	_ =	shalt  }
0x49: {  	_ =	shalt  }
0x4a: {  	_ =	shalt  }
0x4b: {  	_ =	shalt  }
0x4c: {  	_ =	shalt  }
0x4d: {  	_ =	shalt  }
0x4e: {  	_ =	shalt  }
0x4f: {  	_ =	shalt  }
0x50: {  	_ =	shalt  }
0x51: {  	_ =	shalt  }
0x52: {  	_ =	shalt  }
0x53: {  	_ =	shalt  }
0x54: {  	_ =	shalt  }
0x55: {  	_ =	shalt  }
0x56: {  	_ =	shalt  }
0x57: {  	_ =	shalt  }
0x58: {  	_ =	shalt  }
0x59: {  	_ =	shalt  }
0x5a: {  	_ =	shalt  }
0x5b: {  	_ =	shalt  }
0x5c: {  	_ =	shalt  }
0x5d: {  	_ =	shalt  }
0x5e: {  	_ =	shalt  }
0x5f: {  	_ =	shalt  }
0x60: {  	_ =	shalt  }
0x61: {  	_ =	shalt  }
0x62: {  	_ =	shalt  }
0x63: {  	_ =	shalt  }
0x64: {  	_ =	shalt  }
0x65: {  	_ =	shalt  }
0x66: {  	_ =	shalt  }
0x67: {  	_ =	shalt  }
0x68: {  	_ =	shalt  }
0x69: {  	_ =	shalt  }
0x6a: {  	_ =	shalt  }
0x6b: {  	_ =	shalt  }
0x6c: {  	_ =	shalt  }
0x6d: {  	_ =	shalt  }
0x6e: {  	_ =	shalt  }
0x6f: {  	_ =	shalt  }
0x70: {  	_ =	shalt  }
0x71: {  	_ =	shalt  }
0x72: {  	_ =	shalt  }
0x73: {  	_ =	shalt  }
0x74: {  	_ =	shalt  }
0x75: {  	_ =	shalt  }
0x76: {  	_ =	shalt  }
0x77: {  	_ =	shalt  }
0x78: {  	_ =	shalt  }
0x79: {  	_ =	shalt  }
0x7a: {  	_ =	shalt  }
0x7b: {  	_ =	shalt  }
0x7c: {  	_ =	shalt  }
0x7d: {  	_ =	shalt  }
0x7e: {  	_ =	shalt  }
0x7f: {  	_ =	shalt  }
0x80: {  	_ =	shalt  }
0x81: {  	_ =	shalt  }
0x82: {  	_ =	shalt  }
0x83: {  	_ =	shalt  }
0x84: {  	_ =	shalt  }
0x85: {  	_ =	shalt  }
0x86: {  	_ =	shalt  }
0x87: {  	_ =	shalt  }
.Lfunc_end0:
.L_simem_size_0:
called_computation_lowered:
.L_overlay_start_0:
0x88: {  	s2 =	sld [smem:$0x3FD9]  }
0x89: {  	s3 =	sld [smem:$0x3FFE];
	_ =	sdelay $0x1  }
0x8a: {  	s1 =	srdreg.scid  }
0x8b: {  	s0 =	sand.u32 $0x1, s1  }
0x8c: {  	s17 =	sshll.u32 s0, $0xA;
	s2 =	sadd.s32 s3, s2  }
0x8d: {  	s2 =	sadd.s32 s2, s17  }
0x8e: {  	[smem:$0x3F9C] =	sst s2  }
0x8f: {  	_ = 	snop  }
0x90: {  	s2 =	sld [smem:$0x3FD0];
	(tm) =	ssettm $0x1  }
0x91: {  	s18 =	sld [smem:$0x3FFB];
	_ =	sdelay $0x3  }
0x92: {  	_ =	strace s18  }
0x93: {  	s3 =	sld [smem:$0x3FFC];
	_ =	sdelay $0x3  }
0x94: {  	_ =	strace s3  }
0x95: {  	s3 =	sld [smem:$0x3FFD];
	_ =	sdelay $0x3  }
0x96: {  	_ =	strace s3  }
0x97: {  	_ =	strace $0x8FFFFFFF  }
0x98: {  	s19 =	sld [smem:$0x3FDB];
	_ =	sdelay $0x1  }
0x99: {  	s4 =	simm.s32 $_scs_section_size  }
0x9a: {  	s5 =	simm.s32 $_size__tile_overlayer_lowered;
	s6 =	simm.s32 $_tile_overlayer_lowered  }
0x9b: {  	s22 =	simm.s32 $0x1BFF;
	s21 =	sshll.u32 s6, $0x1;
	s3 =	sadd.s32 s4, s19  }
0x9c: {  	s7 =	simm.s32 $0x0;
	s20 =	sshll.u32 s5, $0x1;
	s5 =	sadd.s32 s21, s3  }
0x9d: {  	[timem:s7], [sflag:s22] =	dma.local [hbm:s5], s20  }
0x9e: {  	_ =	swait.ge [sflag:s22], s20  }
0x9f: {  	s4 =	ssub.s32 $0x0, s20;
	[sflag:s22] =	ssyncset.done $0x0  }
0xa0: {  	[sflag:s22] =	ssyncadd.s32 s4;
	_ =	sdelay $0x1  }
0xa1: {  	s23 =	simm.s32 $0x1B8B  }
0xa2: {  	_ =	swait.ge [sflag:s23], $0x1  }
0xa3: {  	[sflag:s23] =	ssyncset.done $0x0  }
0xa4: {  	s25 =	simm.s32 $0x1B8E;
	s24 =	sld [smem:$0x3FFE];
	[sflag:s23] =	ssyncadd.s32 $0xFFFFFFFF  }
0xa5: {  	s26 =	simm.s32 $execute0_lowered;
	[smem:$0x3FD2] =	sst s25  }
0xa6: {  	s5 =	sshll.u32 s26, $0x1;
	_ =	strace $0x80000046;
	[dreg:$0x1] =	wrdreg $0xFFFFFFFF  }
0xa7: {  	s28 =	simm.s32 $_size_execute0_lowered;
	s3 =	sadd.s32 s3, s5;
	[dreg:$0x0] =	wrdreg $0x0  }
0xa8: {  	s5 =	sshll.u32 s28, $0x1;
	[dreg:$0x2] =	wrdreg s3  }
0xa9: {  	[dreg:$0x3] =	wrdreg s5  }
0xaa: {  	[dreg:$0x4] =	wrdreg $0xC0  }
0xab: {  	_ =	task [dreg:s7], $0x5FFFF  }
0xac: {  	[dreg:$0x1] =	wrdreg $0xFFFFFFFF  }
0xad: {  	[dreg:$0x0] =	wrdreg $0x60  }
0xae: {  	[dreg:$0x2] =	wrdreg s2  }
0xaf: {  	[dreg:$0x3] =	wrdreg s24  }
0xb0: {  	[dreg:$0x4] =	wrdreg $0x9  }
0xb1: {  	_ =	task.clear_ibuf [dreg:s7], $0x5FFFF;
	_ =	strace $0x90000046  }
0xb2: {  	s29 =	simm.s32 $0x9;
	_ =	strace $0x80000048  }
0xb3: {  	_ =	swait.ge [sflag:s29], $0x1  }
0xb4: {  	[sflag:s29] =	ssyncadd.s32 $0xFFFFFFFF  }
0xb5: {  	_ =	strace $0x90000048  }
0xb6: {  	_ =	sfence  }
0xb7: {  	s30 =	sld [smem:$0x0];
	_ =	sdelay $0x2  }
0xb8: {  	s31 =	sshll.u32 s1, $0xD;
	s1 =	sshrl.u32 s1, $0x2  }
0xb9: {  	s3 =	sand.u32 $0x4000, s31;
	s1 =	sadd.s32 s1, s30  }
0xba: {  	s0 =	sor.u32 s3, s0;
	s1 =	sshll.u32 s1, $0x11  }
0xbb: {  	s0 =	sor.u32 s1, s0  }
0xbc: {  	s0 =	sadd.s32 $0x8F2B, s0  }
0xbd: {  	[sflag:s0] =	ssyncadd.remote.s32 $0x1  }
0xbe: {  	_ =	sfence.sel $0xFFFF  }
0xbf: {  	[dreg:$0x0] =	wrdreg $0xFFFFFFFF;
	(pc) =	sbr.abs _section_cstart, $3  }
0xc0: {  	[dreg:$0x1] =	wrdreg $0xFFFFFFFF  }
0xc1: {  	_ =	task.clear_ibuf [dreg:s7], $0x2FFFF;
	_ =	strace $0x9FFFFFFF  }
0xc2: {  	(tm) =	ssettm $0x7FFFFFFF  }
0xc3: {  	_ =	shalt  }
tec
execute0_lowered:
.L_overlay_start_1:
0x0: {  	(tag) =	ssettag $0x1  }
0x1: {  	s2 =	rddreg [dreg:$0x0]  }
0x2: {  	s6 =	rddreg [dreg:$0x1]  }
0x3: {  	s0 =	rddreg [dreg:$0x2];
	s4 =	srdreg.scid  }
0x4: {  	s1 =	stileid.u32;
	s3 =	simm.s32 $0x0;
	s12 =	simm.s32 $0x2  }
0x5: {  	s13 =	simm.s32 $0x80;
	s14 =	simm.s32 $0x100;
	s15 =	simm.s32 $0x900  }
0x6: {  	s16 =	simm.s32 $0x1100;
	s17 =	simm.s32 $0x1900;
	s18 =	simm.s32 $0x2100  }
0x7: {  	s19 =	simm.s32 $0x2900;
	s20 =	simm.s32 $0x3100;
	s21 =	simm.s32 $0x3900  }
0x8: {  	s22 =	simm.s32 $0x4100;
	s23 =	simm.s32 $0x4900;
	s8 =	smul.u32 $0x4E20, s1  }
0x9: {  	s24 =	simm.s32 $0x1;
	s7 =	sand.u32 $0x1, s4;
	s10 =	smul.u32 $0x9C400, s1  }
0xa: {  	s25 =	simm.s32 $0x0;
	[smem:$0x7FF] =	sst s3;
	s9 =	smul.u32 $0x2710, s7  }
0xb: {  	s4 =	sadd.s32 $0x6AE00, s6;
	s5 =	sadd.s32 $0xB9000, s6;
	s29 =	smul.u32 $0x4E200, s7  }
0xc: {  	_ =	strace $0x80000047;
	s7 =	ssub.s32 $0x2, s7;
	s10 =	sadd.s32 s10, s6  }
0xd: {  	s30 =	sshrl.u32 s7, $0x1;
	s8 =	sadd.s32 s9, s8;
	s9 =	sadd.s32 s29, s10  }
0xe: {  	v2 =	vlaneseq.u32;
	s31 =	ssub.s32 s7, s30;
	s8 =	sshrl.u32 s8, $0x3;
	s7 =	sadd.s32 $0xACB200, s9  }
0xf: {  	vm0 =	vmmov $0xffff;
	v1 =	vshrl.u32 v2, $0x3;
	s11 =	sadd.s32 s8, s6;
	s6 =	sadd.s32 $0x107200, s9;
	s8 =	smax.u32 s31, $0x1  }
0x10: {  	v0 =	vand.u32 $0x7, v2;
	v2 =	vor.u32 $0x8, v2;
	v1 =	vmul.u32 $0x8, v1;
	s9 =	sadd.s32 $0x148F200, s9;
	s10 =	sadd.s32 $0x9000, s11;
	s11 =	sadd.s32 $0x12E00, s11  }
.LBB2_1:
0x11: {  	s26 =	smov.u32 s11;
	s28 =	smov.u32 s10;
	s29 =	simm.s32 $0x0  }
.LBB2_2:
0x12: {  	[tilespmem:s3], [sflag:$0x2] =	stream.linear.gather [hbm4b:s26+s3], $0x50, $0x38;
	[tilespmem:$0x5100] =	vst v63  }
0x13: {  	_ =	swait.ge [sflag:s12], $0x50  }
0x14: {  	[sflag:s12] =	ssyncset.done $0x0  }
0x15: {  	[sflag:s12] =	ssyncadd.s32 $0xFFFFFFB0  }
0x16: {  	[tilespmem:s13], [sflag:$0x2] =	stream.linear.gather [hbm4b:s28+s3], $0x50, $0x38;
	[tilespmem:$0x5100] =	vst v63  }
0x17: {  	_ =	swait.ge [sflag:s12], $0x50  }
0x18: {  	[sflag:s12] =	ssyncset.done $0x0  }
0x19: {  	[sflag:s12] =	ssyncadd.s32 $0xFFFFFFB0  }
0x1a: {  	v3 =	vld [tilespmem:$0x0];
	_ =	sdelay $0x4  }
0x1b: {  	v4 =	vshll.u32 v3, $0x1  }
0x1c: {  	v3 =	vand.u32 $0x7, v3;
	v4 =	vand.u32 $0xFFFFFFF0, v4  }
0x1d: {  	v3 =	vor.u32 v3, v4  }
0x1e: {  	v4 =	vperm.xlane v3, v0;
	_ =	sdelay $0x1  }
0x1f: {  	v3 =	vperm.xlane v3, v2;
	v4 =	vadd.s32 v1, v4;
	_ =	sdelay $0x1  }
0x20: {  	v3 =	vadd.s32 v1, v3;
	_ =	sdelay $0x2  }
0x21: {  	[tilespmem:s14], [sflag:$0x1] =	stream.indirect_vreg.gather [hbm4b:s2+s3], $0x80, v4, vm0, $0xb8;
	[tilespmem:$0x5100] =	vst v63  }
0x22: {  	_ = 	snop  }
0x23: {  	[tilespmem:s15], [sflag:$0x1] =	stream.indirect_vreg.gather [hbm4b:s2+s3], $0x80, v3, vm0, $0xb8;
	[tilespmem:$0x5100] =	vst v63  }
0x24: {  	v3 =	vld [tilespmem:$0x10];
	_ =	sdelay $0x4  }
0x25: {  	v50 =	vshll.u32 v3, $0x1  }
0x26: {  	v3 =	vand.u32 $0x7, v3;
	v4 =	vand.u32 $0xFFFFFFF0, v50  }
0x27: {  	v3 =	vor.u32 v3, v4  }
0x28: {  	v4 =	vperm.xlane v3, v0;
	_ =	sdelay $0x1  }
0x29: {  	v3 =	vperm.xlane v3, v2;
	v4 =	vadd.s32 v1, v4;
	_ =	sdelay $0x1  }
0x2a: {  	v3 =	vadd.s32 v1, v3;
	_ =	sdelay $0x2  }
0x2b: {  	[tilespmem:s16], [sflag:$0x1] =	stream.indirect_vreg.gather [hbm4b:s2+s3], $0x80, v4, vm0, $0xb8;
	[tilespmem:$0x5100] =	vst v63  }
0x2c: {  	_ = 	snop  }
0x2d: {  	[tilespmem:s17], [sflag:$0x1] =	stream.indirect_vreg.gather [hbm4b:s2+s3], $0x80, v3, vm0, $0xb8;
	[tilespmem:$0x5100] =	vst v63  }
0x2e: {  	v3 =	vld [tilespmem:$0x20];
	_ =	sdelay $0x4  }
0x2f: {  	v51 =	vshll.u32 v3, $0x1  }
0x30: {  	v3 =	vand.u32 $0x7, v3;
	v4 =	vand.u32 $0xFFFFFFF0, v51  }
0x31: {  	v3 =	vor.u32 v3, v4  }
0x32: {  	v4 =	vperm.xlane v3, v0;
	_ =	sdelay $0x1  }
0x33: {  	v3 =	vperm.xlane v3, v2;
	v4 =	vadd.s32 v1, v4;
	_ =	sdelay $0x1  }
0x34: {  	v3 =	vadd.s32 v1, v3;
	_ =	sdelay $0x2  }
0x35: {  	[tilespmem:s18], [sflag:$0x1] =	stream.indirect_vreg.gather [hbm4b:s2+s3], $0x80, v4, vm0, $0xb8;
	[tilespmem:$0x5100] =	vst v63  }
0x36: {  	_ = 	snop  }
0x37: {  	[tilespmem:s19], [sflag:$0x1] =	stream.indirect_vreg.gather [hbm4b:s2+s3], $0x80, v3, vm0, $0xb8;
	[tilespmem:$0x5100] =	vst v63  }
0x38: {  	v3 =	vld [tilespmem:$0x30];
	_ =	sdelay $0x4  }
0x39: {  	v52 =	vshll.u32 v3, $0x1  }
0x3a: {  	v3 =	vand.u32 $0x7, v3;
	v4 =	vand.u32 $0xFFFFFFF0, v52  }
0x3b: {  	v3 =	vor.u32 v3, v4  }
0x3c: {  	v4 =	vperm.xlane v3, v0;
	_ =	sdelay $0x1  }
0x3d: {  	v3 =	vperm.xlane v3, v2;
	v4 =	vadd.s32 v1, v4;
	_ =	sdelay $0x1  }
0x3e: {  	v3 =	vadd.s32 v1, v3;
	_ =	sdelay $0x2  }
0x3f: {  	[tilespmem:s20], [sflag:$0x1] =	stream.indirect_vreg.gather [hbm4b:s2+s3], $0x80, v4, vm0, $0xb8;
	[tilespmem:$0x5100] =	vst v63  }
0x40: {  	_ = 	snop  }
0x41: {  	[tilespmem:s21], [sflag:$0x1] =	stream.indirect_vreg.gather [hbm4b:s2+s3], $0x80, v3, vm0, $0xb8;
	[tilespmem:$0x5100] =	vst v63  }
0x42: {  	v3 =	vld [tilespmem:$0x40];
	_ =	sdelay $0x4  }
0x43: {  	v53 =	vshll.u32 v3, $0x1  }
0x44: {  	v3 =	vand.u32 $0x7, v3;
	v4 =	vand.u32 $0xFFFFFFF0, v53  }
0x45: {  	v3 =	vor.u32 v3, v4  }
0x46: {  	v4 =	vperm.xlane v3, v0;
	_ =	sdelay $0x1  }
0x47: {  	v3 =	vperm.xlane v3, v2;
	v4 =	vadd.s32 v1, v4;
	_ =	sdelay $0x1  }
0x48: {  	v3 =	vadd.s32 v1, v3;
	_ =	sdelay $0x2  }
0x49: {  	[tilespmem:s22], [sflag:$0x1] =	stream.indirect_vreg.gather [hbm4b:s2+s3], $0x80, v4, vm0, $0xb8;
	[tilespmem:$0x5100] =	vst v63  }
0x4a: {  	_ = 	snop  }
0x4b: {  	[tilespmem:s23], [sflag:$0x1] =	stream.indirect_vreg.gather [hbm4b:s2+s3], $0x80, v3, vm0, $0xb8;
	[tilespmem:$0x5100] =	vst v63  }
0x4c: {  	_ =	swait.ge [sflag:s24], $0x5000  }
0x4d: {  	[sflag:s24] =	ssyncset.done $0x0  }
0x4e: {  	s30 =	sadd.s32 s29, s6;
	[sflag:s24] =	ssyncadd.s32 $0xFFFFB000  }
0x4f: {  	[hbm4b:s30+s3] =	stream.linear.scatter [tilespmem:s14], [sflag:$0x2], $0x5000, $0x38;
	[tilespmem:$0x5100] =	vst v63  }
0x50: {  	_ =	swait.ge [sflag:s12], $0x5000  }
0x51: {  	[sflag:s12] =	ssyncset.done $0x0  }
0x52: {  	[sflag:s12] =	ssyncadd.s32 $0xFFFFB000  }
0x53: {  	v3 =	vld [tilespmem:$0x80];
	_ =	sdelay $0x4  }
0x54: {  	v54 =	vshll.u32 v3, $0x1  }
0x55: {  	v3 =	vand.u32 $0x7, v3;
	v4 =	vand.u32 $0xFFFFFFF0, v54  }
0x56: {  	v3 =	vor.u32 v3, v4  }
0x57: {  	v4 =	vperm.xlane v3, v0;
	_ =	sdelay $0x1  }
0x58: {  	v3 =	vperm.xlane v3, v2;
	v4 =	vadd.s32 v1, v4;
	_ =	sdelay $0x1  }
0x59: {  	v3 =	vadd.s32 v1, v3;
	_ =	sdelay $0x2  }
0x5a: {  	[tilespmem:s14], [sflag:$0x1] =	stream.indirect_vreg.gather [hbm4b:s4+s3], $0x80, v4, vm0, $0xb8;
	[tilespmem:$0x5100] =	vst v63  }
0x5b: {  	_ = 	snop  }
0x5c: {  	[tilespmem:s15], [sflag:$0x1] =	stream.indirect_vreg.gather [hbm4b:s4+s3], $0x80, v3, vm0, $0xb8;
	[tilespmem:$0x5100] =	vst v63  }
0x5d: {  	v3 =	vld [tilespmem:$0x90];
	_ =	sdelay $0x4  }
0x5e: {  	v55 =	vshll.u32 v3, $0x1  }
0x5f: {  	v3 =	vand.u32 $0x7, v3;
	v4 =	vand.u32 $0xFFFFFFF0, v55  }
0x60: {  	v3 =	vor.u32 v3, v4  }
0x61: {  	v4 =	vperm.xlane v3, v0;
	_ =	sdelay $0x1  }
0x62: {  	v3 =	vperm.xlane v3, v2;
	v4 =	vadd.s32 v1, v4;
	_ =	sdelay $0x1  }
0x63: {  	v3 =	vadd.s32 v1, v3;
	_ =	sdelay $0x2  }
0x64: {  	[tilespmem:s16], [sflag:$0x1] =	stream.indirect_vreg.gather [hbm4b:s4+s3], $0x80, v4, vm0, $0xb8;
	[tilespmem:$0x5100] =	vst v63  }
0x65: {  	_ = 	snop  }
0x66: {  	[tilespmem:s17], [sflag:$0x1] =	stream.indirect_vreg.gather [hbm4b:s4+s3], $0x80, v3, vm0, $0xb8;
	[tilespmem:$0x5100] =	vst v63  }
0x67: {  	v3 =	vld [tilespmem:$0xA0];
	_ =	sdelay $0x4  }
0x68: {  	v56 =	vshll.u32 v3, $0x1  }
0x69: {  	v3 =	vand.u32 $0x7, v3;
	v4 =	vand.u32 $0xFFFFFFF0, v56  }
0x6a: {  	v3 =	vor.u32 v3, v4  }
0x6b: {  	v4 =	vperm.xlane v3, v0;
	_ =	sdelay $0x1  }
0x6c: {  	v3 =	vperm.xlane v3, v2;
	v4 =	vadd.s32 v1, v4;
	_ =	sdelay $0x1  }
0x6d: {  	v3 =	vadd.s32 v1, v3;
	_ =	sdelay $0x2  }
0x6e: {  	[tilespmem:s18], [sflag:$0x1] =	stream.indirect_vreg.gather [hbm4b:s4+s3], $0x80, v4, vm0, $0xb8;
	[tilespmem:$0x5100] =	vst v63  }
0x6f: {  	_ = 	snop  }
0x70: {  	[tilespmem:s19], [sflag:$0x1] =	stream.indirect_vreg.gather [hbm4b:s4+s3], $0x80, v3, vm0, $0xb8;
	[tilespmem:$0x5100] =	vst v63  }
0x71: {  	v3 =	vld [tilespmem:$0xB0];
	_ =	sdelay $0x4  }
0x72: {  	v57 =	vshll.u32 v3, $0x1  }
0x73: {  	v3 =	vand.u32 $0x7, v3;
	v4 =	vand.u32 $0xFFFFFFF0, v57  }
0x74: {  	v3 =	vor.u32 v3, v4  }
0x75: {  	v4 =	vperm.xlane v3, v0;
	_ =	sdelay $0x1  }
0x76: {  	v3 =	vperm.xlane v3, v2;
	v4 =	vadd.s32 v1, v4;
	_ =	sdelay $0x1  }
0x77: {  	v3 =	vadd.s32 v1, v3;
	_ =	sdelay $0x2  }
0x78: {  	[tilespmem:s20], [sflag:$0x1] =	stream.indirect_vreg.gather [hbm4b:s4+s3], $0x80, v4, vm0, $0xb8;
	[tilespmem:$0x5100] =	vst v63  }
0x79: {  	_ = 	snop  }
0x7a: {  	[tilespmem:s21], [sflag:$0x1] =	stream.indirect_vreg.gather [hbm4b:s4+s3], $0x80, v3, vm0, $0xb8;
	[tilespmem:$0x5100] =	vst v63  }
0x7b: {  	v3 =	vld [tilespmem:$0xC0];
	_ =	sdelay $0x4  }
0x7c: {  	v58 =	vshll.u32 v3, $0x1  }
0x7d: {  	v3 =	vand.u32 $0x7, v3;
	v4 =	vand.u32 $0xFFFFFFF0, v58  }
0x7e: {  	v3 =	vor.u32 v3, v4  }
0x7f: {  	v4 =	vperm.xlane v3, v0;
	_ =	sdelay $0x1  }
0x80: {  	v3 =	vperm.xlane v3, v2;
	v4 =	vadd.s32 v1, v4;
	_ =	sdelay $0x1  }
0x81: {  	v3 =	vadd.s32 v1, v3;
	_ =	sdelay $0x2  }
0x82: {  	[tilespmem:s22], [sflag:$0x1] =	stream.indirect_vreg.gather [hbm4b:s4+s3], $0x80, v4, vm0, $0xb8;
	[tilespmem:$0x5100] =	vst v63  }
0x83: {  	_ = 	snop  }
0x84: {  	[tilespmem:s23], [sflag:$0x1] =	stream.indirect_vreg.gather [hbm4b:s4+s3], $0x80, v3, vm0, $0xb8;
	[tilespmem:$0x5100] =	vst v63  }
0x85: {  	_ =	swait.ge [sflag:s24], $0x5000  }
0x86: {  	[sflag:s24] =	ssyncset.done $0x0  }
0x87: {  	s31 =	sadd.s32 s29, s7;
	[sflag:s24] =	ssyncadd.s32 $0xFFFFB000  }
0x88: {  	[hbm4b:s31+s3] =	stream.linear.scatter [tilespmem:s14], [sflag:$0x2], $0x5000, $0x38;
	[tilespmem:$0x5100] =	vst v63  }
0x89: {  	_ =	swait.ge [sflag:s12], $0x5000  }
0x8a: {  	[sflag:s12] =	ssyncset.done $0x0  }
0x8b: {  	[sflag:s12] =	ssyncadd.s32 $0xFFFFB000  }
0x8c: {  	v3 =	vld [tilespmem:$0x80];
	_ =	sdelay $0x4  }
0x8d: {  	v59 =	vshll.u32 v3, $0x1  }
0x8e: {  	v3 =	vand.u32 $0x7, v3;
	v4 =	vand.u32 $0xFFFFFFF0, v59  }
0x8f: {  	v3 =	vor.u32 v3, v4  }
0x90: {  	v4 =	vperm.xlane v3, v0;
	_ =	sdelay $0x1  }
0x91: {  	v3 =	vperm.xlane v3, v2;
	v4 =	vadd.s32 v1, v4;
	_ =	sdelay $0x1  }
0x92: {  	v3 =	vadd.s32 v1, v3;
	_ =	sdelay $0x2  }
0x93: {  	[tilespmem:s14], [sflag:$0x1] =	stream.indirect_vreg.gather [hbm4b:s5+s3], $0x80, v4, vm0, $0xb8;
	[tilespmem:$0x5100] =	vst v63  }
0x94: {  	_ = 	snop  }
0x95: {  	[tilespmem:s15], [sflag:$0x1] =	stream.indirect_vreg.gather [hbm4b:s5+s3], $0x80, v3, vm0, $0xb8;
	[tilespmem:$0x5100] =	vst v63  }
0x96: {  	v3 =	vld [tilespmem:$0x90];
	_ =	sdelay $0x4  }
0x97: {  	v60 =	vshll.u32 v3, $0x1  }
0x98: {  	v3 =	vand.u32 $0x7, v3;
	v4 =	vand.u32 $0xFFFFFFF0, v60  }
0x99: {  	v3 =	vor.u32 v3, v4  }
0x9a: {  	v4 =	vperm.xlane v3, v0;
	_ =	sdelay $0x1  }
0x9b: {  	v3 =	vperm.xlane v3, v2;
	v4 =	vadd.s32 v1, v4;
	_ =	sdelay $0x1  }
0x9c: {  	v3 =	vadd.s32 v1, v3;
	_ =	sdelay $0x2  }
0x9d: {  	[tilespmem:s16], [sflag:$0x1] =	stream.indirect_vreg.gather [hbm4b:s5+s3], $0x80, v4, vm0, $0xb8;
	[tilespmem:$0x5100] =	vst v63  }
0x9e: {  	_ = 	snop  }
0x9f: {  	[tilespmem:s17], [sflag:$0x1] =	stream.indirect_vreg.gather [hbm4b:s5+s3], $0x80, v3, vm0, $0xb8;
	[tilespmem:$0x5100] =	vst v63  }
0xa0: {  	v3 =	vld [tilespmem:$0xA0];
	_ =	sdelay $0x4  }
0xa1: {  	v61 =	vshll.u32 v3, $0x1  }
0xa2: {  	v3 =	vand.u32 $0x7, v3;
	v4 =	vand.u32 $0xFFFFFFF0, v61  }
0xa3: {  	v3 =	vor.u32 v3, v4  }
0xa4: {  	v4 =	vperm.xlane v3, v0;
	_ =	sdelay $0x1  }
0xa5: {  	v3 =	vperm.xlane v3, v2;
	v4 =	vadd.s32 v1, v4;
	_ =	sdelay $0x1  }
0xa6: {  	v3 =	vadd.s32 v1, v3;
	_ =	sdelay $0x2  }
0xa7: {  	[tilespmem:s18], [sflag:$0x1] =	stream.indirect_vreg.gather [hbm4b:s5+s3], $0x80, v4, vm0, $0xb8;
	[tilespmem:$0x5100] =	vst v63  }
0xa8: {  	_ = 	snop  }
0xa9: {  	[tilespmem:s19], [sflag:$0x1] =	stream.indirect_vreg.gather [hbm4b:s5+s3], $0x80, v3, vm0, $0xb8;
	[tilespmem:$0x5100] =	vst v63  }
0xaa: {  	v3 =	vld [tilespmem:$0xB0];
	_ =	sdelay $0x4  }
0xab: {  	v62 =	vshll.u32 v3, $0x1  }
0xac: {  	v3 =	vand.u32 $0x7, v3;
	v4 =	vand.u32 $0xFFFFFFF0, v62  }
0xad: {  	v3 =	vor.u32 v3, v4  }
0xae: {  	v4 =	vperm.xlane v3, v0;
	_ =	sdelay $0x1  }
0xaf: {  	v3 =	vperm.xlane v3, v2;
	v4 =	vadd.s32 v1, v4;
	_ =	sdelay $0x1  }
0xb0: {  	v3 =	vadd.s32 v1, v3;
	_ =	sdelay $0x2  }
0xb1: {  	[tilespmem:s20], [sflag:$0x1] =	stream.indirect_vreg.gather [hbm4b:s5+s3], $0x80, v4, vm0, $0xb8;
	[tilespmem:$0x5100] =	vst v63  }
0xb2: {  	_ = 	snop  }
0xb3: {  	[tilespmem:s21], [sflag:$0x1] =	stream.indirect_vreg.gather [hbm4b:s5+s3], $0x80, v3, vm0, $0xb8;
	[tilespmem:$0x5100] =	vst v63  }
0xb4: {  	v3 =	vld [tilespmem:$0xC0];
	_ =	sdelay $0x4  }
0xb5: {  	v63 =	vshll.u32 v3, $0x1  }
0xb6: {  	v3 =	vand.u32 $0x7, v3;
	v4 =	vand.u32 $0xFFFFFFF0, v63  }
0xb7: {  	v3 =	vor.u32 v3, v4  }
0xb8: {  	v4 =	vperm.xlane v3, v0;
	_ =	sdelay $0x1  }
0xb9: {  	v3 =	vperm.xlane v3, v2;
	v4 =	vadd.s32 v1, v4;
	_ =	sdelay $0x1  }
0xba: {  	v3 =	vadd.s32 v1, v3;
	_ =	sdelay $0x2  }
0xbb: {  	[tilespmem:s22], [sflag:$0x1] =	stream.indirect_vreg.gather [hbm4b:s5+s3], $0x80, v4, vm0, $0xb8;
	[tilespmem:$0x5100] =	vst v63  }
0xbc: {  	_ = 	snop  }
0xbd: {  	[tilespmem:s23], [sflag:$0x1] =	stream.indirect_vreg.gather [hbm4b:s5+s3], $0x80, v3, vm0, $0xb8;
	[tilespmem:$0x5100] =	vst v63  }
0xbe: {  	_ =	swait.ge [sflag:s24], $0x5000  }
0xbf: {  	p0 =	sne.s32 s29, $0x4D800;
	[sflag:s24] =	ssyncset.done $0x0  }
.Ltmp0:
0xc0: {  	s31 =	sadd.s32 s29, s9;
	[sflag:s24] =	ssyncadd.s32 $0xFFFFB000;
	(pc) =	sbr.rel @p0 .LBB2_2-.Ltmp0, $4  }
0xc1: {  	[hbm4b:s31+s3] =	stream.linear.scatter [tilespmem:s14], [sflag:$0x2], $0x5000, $0x38;
	[tilespmem:$0x5100] =	vst v63  }
0xc2: {  	_ =	swait.ge [sflag:s12], $0x5000  }
0xc3: {  	s26 =	sadd.s32 $0xA, s26;
	[sflag:s12] =	ssyncset.done $0x0  }
0xc4: {  	s28 =	sadd.s32 $0xA, s28;
	s29 =	sadd.s32 $0xA00, s29;
	[sflag:s12] =	ssyncadd.s32 $0xFFFFB000  }
0xc5: {  	s25 =	sadd.s32 $0x1, s25  }
0xc6: {  	p0 =	sne.s32 s25, s8  }
.Ltmp1:
0xc7: {  	_ = 	snop;
	(pc) =	sbr.rel @p0 .LBB2_1-.Ltmp1, $1  }
0xc8: {  	_ =	sdelay $0x3  }
0xc9: {  	_ =	sfence.sel $0x180000  }
0xca: {  	[bflag:$0x0] =	sbarrier.arrive $0xFFFF  }
0xcb: {  	p0 =	sne.s32 s1, $0x0;
	_ =	strace $0x90000047  }
0xcc: {  	s0 =	sadd.s32 @!p0 $0x100000, s0;
	[bflag:$0x2] =	sbarrier.arrive $0xFFFF  }
0xcd: {  	[sflag:s0] =	ssyncadd.tile.s32 @!p0 $0x1;
	_ =	shalt  }
.Lfunc_end2:
_tile_overlayer_lowered:
.L_overlay_start_2:
0xce: {  	(tag) =	ssettag $0x2  }
0xcf: {  	s0 =	rddreg [dreg:$0x0];
	s2 =	stileid.u32  }
0xd0: {  	s1 =	rddreg [dreg:$0x1];
	p0 =	sne.s32 s2, $0x0  }
0xd1: {  	s3 =	rddreg [dreg:$0x2];
	[bflag:$0x3] =	sbarrier.arrive $0xFFFF;
	s2 =	simm.s32 @!p0 $0x1C02  }
0xd2: {  	[timem:s3], [sflag:s2] =	dma.local @!p0 [hbm:s0], s1  }
0xd3: {  	s0 =	simm.s32 @!p0 $0x2  }
0xd4: {  	_ =	swait.ge @!p0 [sflag:s0], s1  }
0xd5: {  	s1 =	ssub.s32 @!p0 $0x0, s1;
	[sflag:s0] =	ssyncset.done @!p0 $0x0  }
0xd6: {  	[sflag:s0] =	ssyncadd.s32 @!p0 s1  }
0xd7: {  	[bflag:$0x3] =	sbarrier.arrive $0xFFFF  }
0xd8: {  	_ =	shalt  }

// kernel: kernel.24.cloned.1.call-start
scs
__scs_entry_jumppad:
0x0: {  	(pc) =	sbr.rel $0x88, $3  }
0x1: {  	(tag) =	ssettag $0x0;
	lr =	simm.s32 $0x1  }
0x2: {  	[smem:$0x3F75] =	sst lr;
	_ =	strace $0xD0000000  }
0x3: {  	_ = 	snop  }
0x4: {  	_ = 	snop  }
0x5: {  	_ = 	snop  }
0x6: {  	_ = 	snop  }
0x7: {  	_ = 	snop  }
__scs_overlays_trampoline_lowered:
0x8: {  	[smem:$0x3F84] =	sst s0  }
0x9: {  	[smem:$0x3F85] =	sst s1  }
0xa: {  	[smem:$0x3F86] =	sst s2  }
0xb: {  	[smem:$0x3F87] =	sst s3  }
0xc: {  	[smem:$0x3F88] =	sst s4  }
0xd: {  	[smem:$0x3F89] =	sst s5  }
0xe: {  	[smem:$0x3F8A] =	sst s6  }
0xf: {  	[smem:$0x3F8B] =	sst s7  }
0x10: {  	[smem:$0x3F8C] =	sst s8  }
0x11: {  	[smem:$0x3F8D] =	sst s9;
	s0 =	simm.s32 @!p0 $0x0  }
0x12: {  	s1 =	sld [smem:$0x3F73];
	s0 =	simm.s32 @p0 $0x1  }
0x13: {  	[smem:$0x3F8E] =	sst s0;
	s0 =	simm.s32 @!p1 $0x0  }
0x14: {  	s2 =	sld [smem:$0x3F72];
	s0 =	simm.s32 @p1 $0x1  }
0x15: {  	[smem:$0x3F8F] =	sst s0;
	s0 =	simm.s32 @!p2 $0x0  }
0x16: {  	s3 =	sld [smem:$0x3FDB];
	s0 =	simm.s32 @p2 $0x1  }
0x17: {  	s4 =	simm.s32 $0x1BF5;
	[smem:$0x3F91] =	sst s0  }
0x18: {  	s0 =	sld [smem:$0x3F74];
	_ =	swait.ge [sflag:s4], $0x0  }
0x19: {  	s7 =	sld [smem:$0x3F75]  }
0x1a: {  	s8 =	sadd.s32 $0xFFFFE003, lr  }
0x1b: {  	s9 =	sadd.s32 $0xFFFFFEF7, lr;
	s5 =	simm.s32 $0xFFFFFFFF;
	p2 =	slt.u32 s8, $0xFFFFF086  }
0x1c: {  	p1 =	slt.u32 s9, $0xF7A;
	s5 =	simm.s32 @!p2 $0x0  }
0x1d: {  	s5 =	simm.s32 @p1 $0x1;
	p0 =	seq.s32 s7, s2  }
0x1e: {  	s7 =	smul.u32 @!p0 $0xF7A, s2;
	p2 =	seq.s32 @!p0 s5, $0x0  }
0x1f: {  	s9 =	smul.u32 $0xF7A, s1;
	s8 =	simm.s32 @!p0 $0x1BF5;
	p2 =	por !p2, p0  }
0x20: {  	[sflag:s8] =	ssyncset.s32 @!p0 $0xFFFFF086;
	s6 =	sadd.s32 @!p0 s3, s7;
	s7 =	simm.s32 @!p0 $0x108  }
0x21: {  	s3 =	sadd.s32 s3, s9;
	s6 =	sadd.s32 @!p0 $0x88, s6;
	s7 =	simm.s32 @p2 $0x1082  }
0x22: {  	[simem:s7], [sflag:s8] =	dma.local @!p0 [hbm:s6], $0xF7A  }
0x23: {  	s9 =	sor.u32 $0xD0000000, s2;
	s6 =	simm.s32 $0x108;
	_ =	swait.ge @!p0 [sflag:s8], $0x0  }
0x24: {  	s3 =	sadd.s32 $0x88, s3;
	s6 =	simm.s32 @!p1 $0x1082;
	[sflag:s4] =	ssyncset.s32 $0xFFFFF086  }
0x25: {  	[simem:s6], [sflag:s4] =	dma.local [hbm:s3], $0xF7A  }
0x26: {  	[smem:$0x3F75] =	sst s1;
	(tag) =	ssettag s2;
	_ =	strace s9  }
0x27: {  	s1 =	sld [smem:$0x3F85]  }
0x28: {  	s2 =	sld [smem:$0x3F86]  }
0x29: {  	s4 =	sld [smem:$0x3F88]  }
0x2a: {  	p0 =	seq.s32 s5, $0x0;
	s5 =	sld [smem:$0x3F89]  }
0x2b: {  	s6 =	sld [smem:$0x3F8A]  }
0x2c: {  	s7 =	sld [smem:$0x3F8B]  }
0x2d: {  	s3 =	simm.s32 $0x108;
	s8 =	sld [smem:$0x3F8C]  }
0x2e: {  	s3 =	simm.s32 @!p0 $0x1082;
	s9 =	sld [smem:$0x3F8D]  }
0x2f: {  	lr =	sadd.s32 s0, s3;
	s0 =	sld [smem:$0x3F84]  }
0x30: {  	s3 =	sld [smem:$0x3F87]  }
0x31: {  	[smem:$0x3F90] =	sst s10  }
0x32: {  	s10 =	sld [smem:$0x3F8E];
	_ =	sdelay $0x3  }
0x33: {  	p0 =	seq.s32 s10, $0x1;
	s10 =	sld [smem:$0x3F90];
	_ =	sdelay $0x3  }
0x34: {  	[smem:$0x3F90] =	sst s10  }
0x35: {  	s10 =	sld [smem:$0x3F8F];
	_ =	sdelay $0x3  }
0x36: {  	p1 =	seq.s32 s10, $0x1;
	s10 =	sld [smem:$0x3F90];
	_ =	sdelay $0x3  }
0x37: {  	[smem:$0x3F90] =	sst s10  }
0x38: {  	s10 =	sld [smem:$0x3F91]  }
0x39: {  	_ = 	snop;
	(pc) =	sbr.ind lr, $3  }
0x3a: {  	_ = 	snop  }
0x3b: {  	_ = 	snop  }
0x3c: {  	p2 =	seq.s32 s10, $0x1;
	s10 =	sld [smem:$0x3F90]  }
0x3d: {  	_ =	shalt  }
0x3e: {  	_ =	shalt  }
0x3f: {  	_ =	shalt  }
0x40: {  	_ =	shalt  }
0x41: {  	_ =	shalt  }
0x42: {  	_ =	shalt  }
0x43: {  	_ =	shalt  }
0x44: {  	_ =	shalt  }
0x45: {  	_ =	shalt  }
0x46: {  	_ =	shalt  }
0x47: {  	_ =	shalt  }
0x48: {  	_ =	shalt  }
0x49: {  	_ =	shalt  }
0x4a: {  	_ =	shalt  }
0x4b: {  	_ =	shalt  }
0x4c: {  	_ =	shalt  }
0x4d: {  	_ =	shalt  }
0x4e: {  	_ =	shalt  }
0x4f: {  	_ =	shalt  }
0x50: {  	_ =	shalt  }
0x51: {  	_ =	shalt  }
0x52: {  	_ =	shalt  }
0x53: {  	_ =	shalt  }
0x54: {  	_ =	shalt  }
0x55: {  	_ =	shalt  }
0x56: {  	_ =	shalt  }
0x57: {  	_ =	shalt  }
0x58: {  	_ =	shalt  }
0x59: {  	_ =	shalt  }
0x5a: {  	_ =	shalt  }
0x5b: {  	_ =	shalt  }
0x5c: {  	_ =	shalt  }
0x5d: {  	_ =	shalt  }
0x5e: {  	_ =	shalt  }
0x5f: {  	_ =	shalt  }
0x60: {  	_ =	shalt  }
0x61: {  	_ =	shalt  }
0x62: {  	_ =	shalt  }
0x63: {  	_ =	shalt  }
0x64: {  	_ =	shalt  }
0x65: {  	_ =	shalt  }
0x66: {  	_ =	shalt  }
0x67: {  	_ =	shalt  }
0x68: {  	_ =	shalt  }
0x69: {  	_ =	shalt  }
0x6a: {  	_ =	shalt  }
0x6b: {  	_ =	shalt  }
0x6c: {  	_ =	shalt  }
0x6d: {  	_ =	shalt  }
0x6e: {  	_ =	shalt  }
0x6f: {  	_ =	shalt  }
0x70: {  	_ =	shalt  }
0x71: {  	_ =	shalt  }
0x72: {  	_ =	shalt  }
0x73: {  	_ =	shalt  }
0x74: {  	_ =	shalt  }
0x75: {  	_ =	shalt  }
0x76: {  	_ =	shalt  }
0x77: {  	_ =	shalt  }
0x78: {  	_ =	shalt  }
0x79: {  	_ =	shalt  }
0x7a: {  	_ =	shalt  }
0x7b: {  	_ =	shalt  }
0x7c: {  	_ =	shalt  }
0x7d: {  	_ =	shalt  }
0x7e: {  	_ =	shalt  }
0x7f: {  	_ =	shalt  }
0x80: {  	_ =	shalt  }
0x81: {  	_ =	shalt  }
0x82: {  	_ =	shalt  }
0x83: {  	_ =	shalt  }
0x84: {  	_ =	shalt  }
0x85: {  	_ =	shalt  }
0x86: {  	_ =	shalt  }
0x87: {  	_ =	shalt  }
.Lfunc_end0:
.L_simem_size_0:
called_computation.1_lowered:
.L_overlay_start_0:
0x88: {  	s2 =	sld [smem:$0x3FD9]  }
0x89: {  	s3 =	sld [smem:$0x3FFE];
	_ =	sdelay $0x1  }
0x8a: {  	s1 =	srdreg.scid  }
0x8b: {  	s0 =	sand.u32 $0x1, s1  }
0x8c: {  	s16 =	sshll.u32 s0, $0xA;
	s2 =	sadd.s32 s3, s2  }
0x8d: {  	s2 =	sadd.s32 s2, s16  }
0x8e: {  	[smem:$0x3F9C] =	sst s2  }
0x8f: {  	_ = 	snop  }
0x90: {  	(tm) =	ssettm $0x1  }
0x91: {  	s17 =	sld [smem:$0x3FFB];
	_ =	sdelay $0x3  }
0x92: {  	_ =	strace s17  }
0x93: {  	s2 =	sld [smem:$0x3FFC];
	_ =	sdelay $0x3  }
0x94: {  	_ =	strace s2  }
0x95: {  	s2 =	sld [smem:$0x3FFD];
	_ =	sdelay $0x3  }
0x96: {  	_ =	strace s2  }
0x97: {  	_ =	strace $0x8FFFFFFF  }
0x98: {  	s18 =	sld [smem:$0x3FDB];
	_ =	sdelay $0x1  }
0x99: {  	s19 =	simm.s32 $_scs_section_size  }
0x9a: {  	s4 =	simm.s32 $_size__tile_overlayer_lowered;
	s5 =	simm.s32 $_tile_overlayer_lowered  }
0x9b: {  	s22 =	simm.s32 $0x1BFF;
	s21 =	sshll.u32 s5, $0x1;
	s2 =	sadd.s32 s19, s18  }
0x9c: {  	s6 =	simm.s32 $0x0;
	s20 =	sshll.u32 s4, $0x1;
	s4 =	sadd.s32 s21, s2  }
0x9d: {  	[timem:s6], [sflag:s22] =	dma.local [hbm:s4], s20  }
0x9e: {  	_ =	swait.ge [sflag:s22], s20  }
0x9f: {  	s3 =	ssub.s32 $0x0, s20;
	[sflag:s22] =	ssyncset.done $0x0  }
0xa0: {  	[sflag:s22] =	ssyncadd.s32 s3;
	_ =	sdelay $0x1  }
0xa1: {  	s23 =	simm.s32 $0x1B8B  }
0xa2: {  	_ =	swait.ge [sflag:s23], $0x1  }
0xa3: {  	[sflag:s23] =	ssyncset.done $0x0  }
0xa4: {  	s25 =	simm.s32 $0x1B8E;
	s24 =	sld [smem:$0x3FFE];
	[sflag:s23] =	ssyncadd.s32 $0xFFFFFFFF  }
0xa5: {  	s26 =	simm.s32 $execute0_lowered;
	[smem:$0x3FD2] =	sst s25  }
0xa6: {  	s4 =	sshll.u32 s26, $0x1;
	_ =	strace $0x80000049;
	[dreg:$0x1] =	wrdreg $0xFFFFFFFF  }
0xa7: {  	s28 =	simm.s32 $_size_execute0_lowered;
	s2 =	sadd.s32 s2, s4;
	[dreg:$0x0] =	wrdreg $0x0  }
0xa8: {  	s4 =	sshll.u32 s28, $0x1;
	[dreg:$0x2] =	wrdreg s2  }
0xa9: {  	[dreg:$0x3] =	wrdreg s4  }
0xaa: {  	[dreg:$0x4] =	wrdreg $0xC0  }
0xab: {  	_ =	task [dreg:s6], $0x5FFFF  }
0xac: {  	[dreg:$0x1] =	wrdreg $0xFFFFFFFF  }
0xad: {  	[dreg:$0x0] =	wrdreg $0x60  }
0xae: {  	[dreg:$0x2] =	wrdreg s24  }
0xaf: {  	[dreg:$0x3] =	wrdreg $0x8C800  }
0xb0: {  	[dreg:$0x4] =	wrdreg $0x9  }
0xb1: {  	_ =	task.clear_ibuf [dreg:s6], $0x5FFFF;
	_ =	strace $0x90000049  }
0xb2: {  	s29 =	simm.s32 $0x9;
	_ =	strace $0x8000004B  }
0xb3: {  	_ =	swait.ge [sflag:s29], $0x1  }
0xb4: {  	[sflag:s29] =	ssyncadd.s32 $0xFFFFFFFF  }
0xb5: {  	_ =	strace $0x9000004B  }
0xb6: {  	_ =	sfence  }
0xb7: {  	s30 =	sld [smem:$0x0];
	_ =	sdelay $0x2  }
0xb8: {  	s31 =	sshll.u32 s1, $0xD;
	s1 =	sshrl.u32 s1, $0x2  }
0xb9: {  	s3 =	sand.u32 $0x4000, s31;
	s1 =	sadd.s32 s1, s30  }
0xba: {  	s0 =	sor.u32 s3, s0;
	s1 =	sshll.u32 s1, $0x11  }
0xbb: {  	s0 =	sor.u32 s1, s0  }
0xbc: {  	s0 =	sadd.s32 $0x8F2B, s0  }
0xbd: {  	[sflag:s0] =	ssyncadd.remote.s32 $0x1  }
0xbe: {  	_ =	sfence.sel $0xFFFF  }
0xbf: {  	[dreg:$0x0] =	wrdreg $0xFFFFFFFF;
	(pc) =	sbr.abs _section_cstart, $3  }
0xc0: {  	[dreg:$0x1] =	wrdreg $0xFFFFFFFF  }
0xc1: {  	_ =	task.clear_ibuf [dreg:s6], $0x2FFFF;
	_ =	strace $0x9FFFFFFF  }
0xc2: {  	(tm) =	ssettm $0x7FFFFFFF  }
0xc3: {  	_ =	shalt  }
tec
execute0_lowered:
.L_overlay_start_1:
0x0: {  	(tag) =	ssettag $0x1  }
0x1: {  	s4 =	rddreg [dreg:$0x0]  }
0x2: {  	s2 =	rddreg [dreg:$0x1]  }
0x3: {  	s0 =	rddreg [dreg:$0x2];
	s3 =	simm.s32 $0x0  }
0x4: {  	s1 =	stileid.u32;
	s6 =	srdreg.scid;
	s16 =	simm.s32 $0x80  }
0x5: {  	s17 =	simm.s32 $0x50;
	s18 =	simm.s32 $0x0;
	s5 =	smul.u32 $0x9C4, s1  }
0x6: {  	[smem:$0x7FF] =	sst s3;
	s6 =	sand.u32 $0x1, s6;
	s8 =	smul.u32 $0x1F400, s1  }
0x7: {  	s14 =	sadd.s32 $0x6AE00, s4;
	s10 =	sadd.s32 $0x13F2E00, s4;
	s29 =	smul.u32 $0x7D000, s1  }
0x8: {  	s31 =	smul.u32 $0x271000, s1;
	p0 =	sgt.u32 s1, $0x9;
	p1 =	slt.u32 s1, $0xA  }
0x9: {  	_ =	strace $0x8000004A;
	s25 =	smul.u32 $0x271000, s6;
	s7 =	ssub.s32 $0x2, s6  }
0xa: {  	s9 =	sshllo.u32 s6, $0x1;
	s11 =	smul.u32 $0x4E20000, s6;
	s13 =	sadd.s32 s5, s4  }
0xb: {  	s26 =	sshrl.u32 s7, $0x1;
	s9 =	smul.u32 $0x138800, s9;
	s5 =	sshrl.u32 s29, $0x2  }
0xc: {  	s7 =	ssub.s32 s7, s26;
	s28 =	sadd.s32 s8, s25;
	s5 =	sadd.s32 s5, s2  }
0xd: {  	s12 =	sadd.s32 s31, s11;
	s13 =	sadd.s32 $0x12E00, s13;
	s4 =	sshrl.u32 s28, $0x3  }
0xe: {  	s30 =	sadd.s32 s8, s9;
	s7 =	smax.u32 s7, $0x1;
	s8 =	sadd.s32 $0x6400, s5  }
0xf: {  	s9 =	sadd.s32 $0xC800, s5;
	s15 =	sadd.s32 $0x2710000, s12;
	s11 =	sadd.s32 $0x19000, s5  }
0x10: {  	s12 =	sshrl.u32 s12, $0x3;
	s6 =	sshrl.u32 s30, $0x3;
	s4 =	sadd.s32 s10, s4  }
0x11: {  	s15 =	sshrl.u32 s15, $0x3;
	s12 =	sadd.s32 s12, s14;
	s6 =	sadd.s32 s10, s6  }
0x12: {  	v0 =	vimm.f32 $0.0e+00;
	s10 =	sadd.s32 $0x12C00, s5;
	s14 =	sadd.s32 s15, s14;
	s15 =	simm.s32 $0x1  }
.LBB2_1:
0x13: {  	s19 =	simm.s32 $0x0;
	s20 =	simm.s32 $0x200  }
.LBB2_2:
0x14: {  	p2 =	sne.s32 s20, $0x18E00;
	[tilespmem:s19+$0x28F0] =	vst v0  }
0x15: {  	[tilespmem:s19+$0x2880] =	vst v0  }
0x16: {  	[tilespmem:s19+$0x2890] =	vst v0  }
.Ltmp0:
0x17: {  	[tilespmem:s19+$0x28A0] =	vst v0;
	(pc) =	sbr.rel @p2 .LBB2_2-.Ltmp0, $4  }
0x18: {  	[tilespmem:s19+$0x28B0] =	vst v0  }
0x19: {  	[tilespmem:s19+$0x28C0] =	vst v0  }
0x1a: {  	[tilespmem:s19+$0x28D0] =	vst v0  }
0x1b: {  	[tilespmem:s19+$0x28E0] =	vst v0;
	s19 =	sshra.s32 s20, $0x2;
	s20 =	sadd.s32 $0x200, s20  }
0x1c: {  	[tilespmem:s19+$0x28F0] =	vst v0  }
0x1d: {  	[tilespmem:s19+$0x2880] =	vst v0  }
0x1e: {  	[tilespmem:s19+$0x2890] =	vst v0  }
0x1f: {  	[tilespmem:s19+$0x28A0] =	vst v0  }
0x20: {  	[tilespmem:s19+$0x28B0] =	vst v0  }
0x21: {  	[tilespmem:s19+$0x28C0] =	vst v0  }
0x22: {  	[tilespmem:s19+$0x28D0] =	vst v0  }
0x23: {  	[tilespmem:s19+$0x28E0] =	vst v0;
	s19 =	simm.s32 @!p0 $0x2880;
	s20 =	simm.s32 @!p0 $0x1  }
0x24: {  	[spmem:s5] =	stream.linear.scatter @!p0 [tilespmem:s19], [sflag:$0x1], $0x6400, $0x38;
	[tilespmem:$0x1C500] =	vst v63  }
0x25: {  	_ =	swait.ge @!p0 [sflag:s20], $0x6400  }
0x26: {  	[sflag:s20] =	ssyncset.done @!p0 $0x0  }
0x27: {  	[sflag:s20] =	ssyncadd.s32 @!p0 $0xFFFF9C00  }
0x28: {  	[spmem:s8] =	stream.linear.scatter @!p0 [tilespmem:s19], [sflag:$0x1], $0x6400, $0x38;
	[tilespmem:$0x1C500] =	vst v63  }
0x29: {  	_ =	swait.ge @!p0 [sflag:s20], $0x6400  }
0x2a: {  	[sflag:s20] =	ssyncset.done @!p0 $0x0  }
0x2b: {  	[sflag:s20] =	ssyncadd.s32 @!p0 $0xFFFF9C00  }
0x2c: {  	[spmem:s9] =	stream.linear.scatter @!p0 [tilespmem:s19], [sflag:$0x1], $0x6400, $0x38;
	[tilespmem:$0x1C500] =	vst v63  }
0x2d: {  	_ =	swait.ge @!p0 [sflag:s20], $0x6400  }
0x2e: {  	[sflag:s20] =	ssyncset.done @!p0 $0x0  }
0x2f: {  	[sflag:s20] =	ssyncadd.s32 @!p0 $0xFFFF9C00  }
0x30: {  	[spmem:s10] =	stream.linear.scatter @!p0 [tilespmem:s19], [sflag:$0x1], $0x6400, $0x38;
	[tilespmem:$0x1C500] =	vst v63  }
0x31: {  	_ =	swait.ge @!p0 [sflag:s20], $0x6400  }
0x32: {  	[sflag:s20] =	ssyncset.done @!p0 $0x0  }
0x33: {  	[sflag:s20] =	ssyncadd.s32 @!p0 $0xFFFF9C00  }
0x34: {  	[spmem:s11] =	stream.linear.scatter @!p0 [tilespmem:s19], [sflag:$0x1], $0x6400, $0x38;
	[tilespmem:$0x1C500] =	vst v63  }
0x35: {  	_ =	swait.ge @!p0 [sflag:s20], $0x6400  }
0x36: {  	[sflag:s20] =	ssyncset.done @!p0 $0x0  }
0x37: {  	[sflag:s20] =	ssyncadd.s32 @!p0 $0xFFFF9C00  }
0x38: {  	s31 =	sadd.s32 $0x0, s13;
	[bflag:$0x0] =	sbarrier.arrive $0xFFFF  }
0x39: {  	[tilespmem:s3], [sflag:$0x1] =	stream.linear.gather [hbm4b:s31+s3], $0x50, $0x38;
	[tilespmem:$0x1C500] =	vst v63  }
0x3a: {  	_ =	swait.ge [sflag:s15], $0x50  }
0x3b: {  	[sflag:s15] =	ssyncset.done $0x0  }
0x3c: {  	[sflag:s15] =	ssyncadd.s32 $0xFFFFFFB0  }
0x3d: {  	[tilespmem:s16], [sflag:$0x1] =	stream.linear.gather [hbm4b:s12+s3], $0x2800, $0x38;
	[tilespmem:$0x1C500] =	vst v63  }
0x3e: {  	_ =	swait.ge [sflag:s15], $0x2800  }
0x3f: {  	[sflag:s15] =	ssyncset.done $0x0  }
0x40: {  	[sflag:s15] =	ssyncadd.s32 $0xFFFFD800  }
0x41: {  	[spmem:s2] =	stream.indirect.scatter.add.f32 [tilespmem:s16], [sflag:$0x1], $0x80, s3, s17, $0xb8;
	[tilespmem:$0x1C500] =	vst v63  }
0x42: {  	s21 =	simm.s32 $0x14;
	_ =	swait.ge [sflag:s15], $0x2800  }
0x43: {  	s19 =	sadd.s32 $0x500, s12;
	s20 =	simm.s32 $0xA;
	[sflag:s15] =	ssyncset.done $0x0  }
.LBB2_4:
0x44: {  	s22 =	sadd.s32 s20, s13  }
0x45: {  	[sflag:s15] =	ssyncadd.s32 $0xFFFFD800;
	s20 =	smov.u32 s21;
	s23 =	sadd.s32 $0xA, s21  }
0x46: {  	[tilespmem:s3], [sflag:$0x1] =	stream.linear.gather [hbm4b:s22+s3], $0x50, $0x38;
	[tilespmem:$0x1C500] =	vst v63  }
0x47: {  	p2 =	sne.s32 s21, $0x9BA;
	_ =	swait.ge [sflag:s15], $0x50  }
0x48: {  	[sflag:s15] =	ssyncset.done $0x0  }
0x49: {  	[sflag:s15] =	ssyncadd.s32 $0xFFFFFFB0  }
0x4a: {  	[tilespmem:s16], [sflag:$0x1] =	stream.linear.gather [hbm4b:s19+s3], $0x2800, $0x38;
	[tilespmem:$0x1C500] =	vst v63  }
0x4b: {  	_ =	swait.ge [sflag:s15], $0x2800  }
.Ltmp1:
0x4c: {  	[sflag:s15] =	ssyncset.done $0x0;
	(pc) =	sbr.rel @p2 .LBB2_4-.Ltmp1, $4  }
0x4d: {  	[sflag:s15] =	ssyncadd.s32 $0xFFFFD800  }
0x4e: {  	[spmem:s2] =	stream.indirect.scatter.add.f32 [tilespmem:s16], [sflag:$0x1], $0x80, s3, s17, $0xb8;
	[tilespmem:$0x1C500] =	vst v63  }
0x4f: {  	_ =	swait.ge [sflag:s15], $0x2800  }
0x50: {  	s21 =	smov.u32 s23;
	s19 =	sadd.s32 $0x500, s19;
	[sflag:s15] =	ssyncset.done $0x0  }
0x51: {  	s20 =	sadd.s32 s20, s13;
	[sflag:s15] =	ssyncadd.s32 $0xFFFFD800  }
0x52: {  	[tilespmem:s3], [sflag:$0x1] =	stream.linear.gather [hbm4b:s20+s3], $0x50, $0x38;
	[tilespmem:$0x1C500] =	vst v63  }
0x53: {  	_ =	swait.ge [sflag:s15], $0x50  }
0x54: {  	[sflag:s15] =	ssyncset.done $0x0  }
0x55: {  	[sflag:s15] =	ssyncadd.s32 $0xFFFFFFB0  }
0x56: {  	[tilespmem:s16], [sflag:$0x1] =	stream.linear.gather [hbm4b:s19+s3], $0x2800, $0x38;
	[tilespmem:$0x1C500] =	vst v63  }
0x57: {  	_ =	swait.ge [sflag:s15], $0x2800  }
0x58: {  	[sflag:s15] =	ssyncset.done $0x0  }
0x59: {  	[sflag:s15] =	ssyncadd.s32 $0xFFFFD800  }
0x5a: {  	[spmem:s2] =	stream.indirect.scatter.add.f32 [tilespmem:s16], [sflag:$0x1], $0x80, s3, s17, $0xb8;
	[tilespmem:$0x1C500] =	vst v63  }
0x5b: {  	_ =	swait.ge [sflag:s15], $0x2800  }
0x5c: {  	[sflag:s15] =	ssyncset.done $0x0  }
0x5d: {  	s19 =	sshll.u32 @p1 s1, $0x6;
	[sflag:s15] =	ssyncadd.s32 $0xFFFFD800  }
0x5e: {  	s20 =	sshrl.u32 @p1 s5, $0x3;
	s19 =	sor.u32 @p1 $0x1C01, s19;
	[bflag:$0x0] =	sbarrier.arrive $0xFFFF  }
0x5f: {  	[hbm:s4], [sflag:s19] =	dma.local @p1 [spmem:s20], $0x3E80  }
0x60: {  	s19 =	simm.s32 @p1 $0x1  }
0x61: {  	_ =	swait.ge @p1 [sflag:s19], $0x3E80  }
0x62: {  	[sflag:s19] =	ssyncset.done @p1 $0x0  }
0x63: {  	[sflag:s19] =	ssyncadd.s32 @p1 $0xFFFFC180  }
0x64: {  	s20 =	simm.s32 @p1 $0x2880;
	[bflag:$0x0] =	sbarrier.arrive @p1 $0xFFFF  }
0x65: {  	[spmem:s5] =	stream.linear.scatter @p1 [tilespmem:s20], [sflag:$0x1], $0x6400, $0x38;
	[tilespmem:$0x1C500] =	vst v63  }
0x66: {  	_ =	swait.ge @p1 [sflag:s19], $0x6400  }
0x67: {  	[sflag:s19] =	ssyncset.done @p1 $0x0  }
0x68: {  	[sflag:s19] =	ssyncadd.s32 @p1 $0xFFFF9C00  }
0x69: {  	[spmem:s8] =	stream.linear.scatter @p1 [tilespmem:s20], [sflag:$0x1], $0x6400, $0x38;
	[tilespmem:$0x1C500] =	vst v63  }
0x6a: {  	_ =	swait.ge @p1 [sflag:s19], $0x6400  }
0x6b: {  	[sflag:s19] =	ssyncset.done @p1 $0x0  }
0x6c: {  	[sflag:s19] =	ssyncadd.s32 @p1 $0xFFFF9C00  }
0x6d: {  	[spmem:s9] =	stream.linear.scatter @p1 [tilespmem:s20], [sflag:$0x1], $0x6400, $0x38;
	[tilespmem:$0x1C500] =	vst v63  }
0x6e: {  	_ =	swait.ge @p1 [sflag:s19], $0x6400  }
0x6f: {  	[sflag:s19] =	ssyncset.done @p1 $0x0  }
0x70: {  	[sflag:s19] =	ssyncadd.s32 @p1 $0xFFFF9C00  }
0x71: {  	[spmem:s10] =	stream.linear.scatter @p1 [tilespmem:s20], [sflag:$0x1], $0x6400, $0x38;
	[tilespmem:$0x1C500] =	vst v63  }
0x72: {  	_ =	swait.ge @p1 [sflag:s19], $0x6400  }
0x73: {  	[sflag:s19] =	ssyncset.done @p1 $0x0  }
0x74: {  	[sflag:s19] =	ssyncadd.s32 @p1 $0xFFFF9C00  }
0x75: {  	[spmem:s11] =	stream.linear.scatter @p1 [tilespmem:s20], [sflag:$0x1], $0x6400, $0x38;
	[tilespmem:$0x1C500] =	vst v63  }
0x76: {  	_ =	swait.ge @p1 [sflag:s19], $0x6400  }
0x77: {  	[sflag:s19] =	ssyncset.done @p1 $0x0  }
0x78: {  	[sflag:s19] =	ssyncadd.s32 @p1 $0xFFFF9C00  }
0x79: {  	[bflag:$0x0] =	sbarrier.arrive @!p1 $0xFFFF  }
0x7a: {  	s31 =	sadd.s32 $0x0, s13;
	[bflag:$0x0] =	sbarrier.arrive $0xFFFF  }
0x7b: {  	[tilespmem:s3], [sflag:$0x1] =	stream.linear.gather [hbm4b:s31+s3], $0x50, $0x38;
	[tilespmem:$0x1C500] =	vst v63  }
0x7c: {  	_ =	swait.ge [sflag:s15], $0x50  }
0x7d: {  	[sflag:s15] =	ssyncset.done $0x0  }
0x7e: {  	[sflag:s15] =	ssyncadd.s32 $0xFFFFFFB0  }
0x7f: {  	[tilespmem:s16], [sflag:$0x1] =	stream.linear.gather [hbm4b:s14+s3], $0x2800, $0x38;
	[tilespmem:$0x1C500] =	vst v63  }
0x80: {  	_ =	swait.ge [sflag:s15], $0x2800  }
0x81: {  	[sflag:s15] =	ssyncset.done $0x0  }
0x82: {  	[sflag:s15] =	ssyncadd.s32 $0xFFFFD800  }
0x83: {  	[spmem:s2] =	stream.indirect.scatter.add.f32 [tilespmem:s16], [sflag:$0x1], $0x80, s3, s17, $0xb8;
	[tilespmem:$0x1C500] =	vst v63  }
0x84: {  	s21 =	simm.s32 $0x14;
	_ =	swait.ge [sflag:s15], $0x2800  }
0x85: {  	s20 =	simm.s32 $0xA;
	s19 =	sadd.s32 $0x500, s14;
	[sflag:s15] =	ssyncset.done $0x0  }
.LBB2_6:
0x86: {  	s22 =	sadd.s32 s20, s13  }
0x87: {  	[sflag:s15] =	ssyncadd.s32 $0xFFFFD800;
	s20 =	smov.u32 s21;
	s23 =	sadd.s32 $0xA, s21  }
0x88: {  	[tilespmem:s3], [sflag:$0x1] =	stream.linear.gather [hbm4b:s22+s3], $0x50, $0x38;
	[tilespmem:$0x1C500] =	vst v63  }
0x89: {  	p2 =	sne.s32 s21, $0x9BA;
	_ =	swait.ge [sflag:s15], $0x50  }
0x8a: {  	[sflag:s15] =	ssyncset.done $0x0  }
0x8b: {  	[sflag:s15] =	ssyncadd.s32 $0xFFFFFFB0  }
0x8c: {  	[tilespmem:s16], [sflag:$0x1] =	stream.linear.gather [hbm4b:s19+s3], $0x2800, $0x38;
	[tilespmem:$0x1C500] =	vst v63  }
0x8d: {  	_ =	swait.ge [sflag:s15], $0x2800  }
.Ltmp2:
0x8e: {  	[sflag:s15] =	ssyncset.done $0x0;
	(pc) =	sbr.rel @p2 .LBB2_6-.Ltmp2, $4  }
0x8f: {  	[sflag:s15] =	ssyncadd.s32 $0xFFFFD800  }
0x90: {  	[spmem:s2] =	stream.indirect.scatter.add.f32 [tilespmem:s16], [sflag:$0x1], $0x80, s3, s17, $0xb8;
	[tilespmem:$0x1C500] =	vst v63  }
0x91: {  	_ =	swait.ge [sflag:s15], $0x2800  }
0x92: {  	s21 =	smov.u32 s23;
	s19 =	sadd.s32 $0x500, s19;
	[sflag:s15] =	ssyncset.done $0x0  }
0x93: {  	s20 =	sadd.s32 s20, s13;
	[sflag:s15] =	ssyncadd.s32 $0xFFFFD800  }
0x94: {  	[tilespmem:s3], [sflag:$0x1] =	stream.linear.gather [hbm4b:s20+s3], $0x50, $0x38;
	[tilespmem:$0x1C500] =	vst v63  }
0x95: {  	_ =	swait.ge [sflag:s15], $0x50  }
0x96: {  	[sflag:s15] =	ssyncset.done $0x0  }
0x97: {  	[sflag:s15] =	ssyncadd.s32 $0xFFFFFFB0  }
0x98: {  	[tilespmem:s16], [sflag:$0x1] =	stream.linear.gather [hbm4b:s19+s3], $0x2800, $0x38;
	[tilespmem:$0x1C500] =	vst v63  }
0x99: {  	_ =	swait.ge [sflag:s15], $0x2800  }
0x9a: {  	[sflag:s15] =	ssyncset.done $0x0  }
0x9b: {  	[sflag:s15] =	ssyncadd.s32 $0xFFFFD800  }
0x9c: {  	[spmem:s2] =	stream.indirect.scatter.add.f32 [tilespmem:s16], [sflag:$0x1], $0x80, s3, s17, $0xb8;
	[tilespmem:$0x1C500] =	vst v63  }
0x9d: {  	_ =	swait.ge [sflag:s15], $0x2800  }
0x9e: {  	[sflag:s15] =	ssyncset.done $0x0  }
0x9f: {  	s18 =	sadd.s32 $0x1, s18;
	s19 =	sshll.u32 @!p0 s1, $0x6;
	[sflag:s15] =	ssyncadd.s32 $0xFFFFD800  }
0xa0: {  	s20 =	sshrl.u32 @!p0 s5, $0x3;
	s19 =	sor.u32 @!p0 $0x1C01, s19;
	[bflag:$0x0] =	sbarrier.arrive $0xFFFF  }
0xa1: {  	[hbm:s6], [sflag:s19] =	dma.local @!p0 [spmem:s20], $0x3E80  }
0xa2: {  	p2 =	sne.s32 s18, s7;
	s19 =	simm.s32 @!p0 $0x1  }
.Ltmp3:
0xa3: {  	_ =	swait.ge @!p0 [sflag:s19], $0x3E80;
	(pc) =	sbr.rel @p2 .LBB2_1-.Ltmp3, $3  }
0xa4: {  	[sflag:s19] =	ssyncset.done @!p0 $0x0  }
0xa5: {  	[sflag:s19] =	ssyncadd.s32 @!p0 $0xFFFFC180  }
0xa6: {  	[bflag:$0x0] =	sbarrier.arrive $0xFFFF;
	_ =	sdelay $0x1  }
0xa7: {  	_ =	sfence.sel $0x180000  }
0xa8: {  	[bflag:$0x0] =	sbarrier.arrive $0xFFFF  }
0xa9: {  	p0 =	sne.s32 s1, $0x0;
	_ =	strace $0x9000004A  }
0xaa: {  	s0 =	sadd.s32 @!p0 $0x100000, s0;
	[bflag:$0x2] =	sbarrier.arrive $0xFFFF  }
0xab: {  	[sflag:s0] =	ssyncadd.tile.s32 @!p0 $0x1;
	_ =	shalt  }
.Lfunc_end2:
_tile_overlayer_lowered:
.L_overlay_start_2:
0xac: {  	(tag) =	ssettag $0x2  }
0xad: {  	s0 =	rddreg [dreg:$0x0];
	s2 =	stileid.u32  }
0xae: {  	s1 =	rddreg [dreg:$0x1];
	p0 =	sne.s32 s2, $0x0  }
0xaf: {  	s3 =	rddreg [dreg:$0x2];
	[bflag:$0x3] =	sbarrier.arrive $0xFFFF;
	s2 =	simm.s32 @!p0 $0x1C01  }
0xb0: {  	[timem:s3], [sflag:s2] =	dma.local @!p0 [hbm:s0], s1  }
0xb1: {  	s0 =	simm.s32 @!p0 $0x1  }
0xb2: {  	_ =	swait.ge @!p0 [sflag:s0], s1  }
0xb3: {  	s1 =	ssub.s32 @!p0 $0x0, s1;
	[sflag:s0] =	ssyncset.done @!p0 $0x0  }
0xb4: {  	[sflag:s0] =	ssyncadd.s32 @!p0 s1  }
0xb5: {  	[bflag:$0x3] =	sbarrier.arrive $0xFFFF  }
0xb6: {  	_ =	shalt  }

// kernel: kernel.27.cloned.1.call-start
scs
__scs_entry_jumppad:
0x0: {  	(pc) =	sbr.rel $0x88, $3  }
0x1: {  	(tag) =	ssettag $0x0;
	lr =	simm.s32 $0x1  }
0x2: {  	[smem:$0x3F75] =	sst lr;
	_ =	strace $0xD0000000  }
0x3: {  	_ = 	snop  }
0x4: {  	_ = 	snop  }
0x5: {  	_ = 	snop  }
0x6: {  	_ = 	snop  }
0x7: {  	_ = 	snop  }
__scs_overlays_trampoline_lowered:
0x8: {  	[smem:$0x3F84] =	sst s0  }
0x9: {  	[smem:$0x3F85] =	sst s1  }
0xa: {  	[smem:$0x3F86] =	sst s2  }
0xb: {  	[smem:$0x3F87] =	sst s3  }
0xc: {  	[smem:$0x3F88] =	sst s4  }
0xd: {  	[smem:$0x3F89] =	sst s5  }
0xe: {  	[smem:$0x3F8A] =	sst s6  }
0xf: {  	[smem:$0x3F8B] =	sst s7  }
0x10: {  	[smem:$0x3F8C] =	sst s8  }
0x11: {  	[smem:$0x3F8D] =	sst s9;
	s0 =	simm.s32 @!p0 $0x0  }
0x12: {  	s1 =	sld [smem:$0x3F73];
	s0 =	simm.s32 @p0 $0x1  }
0x13: {  	[smem:$0x3F8E] =	sst s0;
	s0 =	simm.s32 @!p1 $0x0  }
0x14: {  	s2 =	sld [smem:$0x3F72];
	s0 =	simm.s32 @p1 $0x1  }
0x15: {  	[smem:$0x3F8F] =	sst s0;
	s0 =	simm.s32 @!p2 $0x0  }
0x16: {  	s3 =	sld [smem:$0x3FDB];
	s0 =	simm.s32 @p2 $0x1  }
0x17: {  	s4 =	simm.s32 $0x1BF5;
	[smem:$0x3F91] =	sst s0  }
0x18: {  	s0 =	sld [smem:$0x3F74];
	_ =	swait.ge [sflag:s4], $0x0  }
0x19: {  	s7 =	sld [smem:$0x3F75]  }
0x1a: {  	s8 =	sadd.s32 $0xFFFFE003, lr  }
0x1b: {  	s9 =	sadd.s32 $0xFFFFFEF7, lr;
	s5 =	simm.s32 $0xFFFFFFFF;
	p2 =	slt.u32 s8, $0xFFFFF086  }
0x1c: {  	p1 =	slt.u32 s9, $0xF7A;
	s5 =	simm.s32 @!p2 $0x0  }
0x1d: {  	s5 =	simm.s32 @p1 $0x1;
	p0 =	seq.s32 s7, s2  }
0x1e: {  	s7 =	smul.u32 @!p0 $0xF7A, s2;
	p2 =	seq.s32 @!p0 s5, $0x0  }
0x1f: {  	s9 =	smul.u32 $0xF7A, s1;
	s8 =	simm.s32 @!p0 $0x1BF5;
	p2 =	por !p2, p0  }
0x20: {  	[sflag:s8] =	ssyncset.s32 @!p0 $0xFFFFF086;
	s6 =	sadd.s32 @!p0 s3, s7;
	s7 =	simm.s32 @!p0 $0x108  }
0x21: {  	s3 =	sadd.s32 s3, s9;
	s6 =	sadd.s32 @!p0 $0x88, s6;
	s7 =	simm.s32 @p2 $0x1082  }
0x22: {  	[simem:s7], [sflag:s8] =	dma.local @!p0 [hbm:s6], $0xF7A  }
0x23: {  	s9 =	sor.u32 $0xD0000000, s2;
	s6 =	simm.s32 $0x108;
	_ =	swait.ge @!p0 [sflag:s8], $0x0  }
0x24: {  	s3 =	sadd.s32 $0x88, s3;
	s6 =	simm.s32 @!p1 $0x1082;
	[sflag:s4] =	ssyncset.s32 $0xFFFFF086  }
0x25: {  	[simem:s6], [sflag:s4] =	dma.local [hbm:s3], $0xF7A  }
0x26: {  	[smem:$0x3F75] =	sst s1;
	(tag) =	ssettag s2;
	_ =	strace s9  }
0x27: {  	s1 =	sld [smem:$0x3F85]  }
0x28: {  	s2 =	sld [smem:$0x3F86]  }
0x29: {  	s4 =	sld [smem:$0x3F88]  }
0x2a: {  	p0 =	seq.s32 s5, $0x0;
	s5 =	sld [smem:$0x3F89]  }
0x2b: {  	s6 =	sld [smem:$0x3F8A]  }
0x2c: {  	s7 =	sld [smem:$0x3F8B]  }
0x2d: {  	s3 =	simm.s32 $0x108;
	s8 =	sld [smem:$0x3F8C]  }
0x2e: {  	s3 =	simm.s32 @!p0 $0x1082;
	s9 =	sld [smem:$0x3F8D]  }
0x2f: {  	lr =	sadd.s32 s0, s3;
	s0 =	sld [smem:$0x3F84]  }
0x30: {  	s3 =	sld [smem:$0x3F87]  }
0x31: {  	[smem:$0x3F90] =	sst s10  }
0x32: {  	s10 =	sld [smem:$0x3F8E];
	_ =	sdelay $0x3  }
0x33: {  	p0 =	seq.s32 s10, $0x1;
	s10 =	sld [smem:$0x3F90];
	_ =	sdelay $0x3  }
0x34: {  	[smem:$0x3F90] =	sst s10  }
0x35: {  	s10 =	sld [smem:$0x3F8F];
	_ =	sdelay $0x3  }
0x36: {  	p1 =	seq.s32 s10, $0x1;
	s10 =	sld [smem:$0x3F90];
	_ =	sdelay $0x3  }
0x37: {  	[smem:$0x3F90] =	sst s10  }
0x38: {  	s10 =	sld [smem:$0x3F91]  }
0x39: {  	_ = 	snop;
	(pc) =	sbr.ind lr, $3  }
0x3a: {  	_ = 	snop  }
0x3b: {  	_ = 	snop  }
0x3c: {  	p2 =	seq.s32 s10, $0x1;
	s10 =	sld [smem:$0x3F90]  }
0x3d: {  	_ =	shalt  }
0x3e: {  	_ =	shalt  }
0x3f: {  	_ =	shalt  }
0x40: {  	_ =	shalt  }
0x41: {  	_ =	shalt  }
0x42: {  	_ =	shalt  }
0x43: {  	_ =	shalt  }
0x44: {  	_ =	shalt  }
0x45: {  	_ =	shalt  }
0x46: {  	_ =	shalt  }
0x47: {  	_ =	shalt  }
0x48: {  	_ =	shalt  }
0x49: {  	_ =	shalt  }
0x4a: {  	_ =	shalt  }
0x4b: {  	_ =	shalt  }
0x4c: {  	_ =	shalt  }
0x4d: {  	_ =	shalt  }
0x4e: {  	_ =	shalt  }
0x4f: {  	_ =	shalt  }
0x50: {  	_ =	shalt  }
0x51: {  	_ =	shalt  }
0x52: {  	_ =	shalt  }
0x53: {  	_ =	shalt  }
0x54: {  	_ =	shalt  }
0x55: {  	_ =	shalt  }
0x56: {  	_ =	shalt  }
0x57: {  	_ =	shalt  }
0x58: {  	_ =	shalt  }
0x59: {  	_ =	shalt  }
0x5a: {  	_ =	shalt  }
0x5b: {  	_ =	shalt  }
0x5c: {  	_ =	shalt  }
0x5d: {  	_ =	shalt  }
0x5e: {  	_ =	shalt  }
0x5f: {  	_ =	shalt  }
0x60: {  	_ =	shalt  }
0x61: {  	_ =	shalt  }
0x62: {  	_ =	shalt  }
0x63: {  	_ =	shalt  }
0x64: {  	_ =	shalt  }
0x65: {  	_ =	shalt  }
0x66: {  	_ =	shalt  }
0x67: {  	_ =	shalt  }
0x68: {  	_ =	shalt  }
0x69: {  	_ =	shalt  }
0x6a: {  	_ =	shalt  }
0x6b: {  	_ =	shalt  }
0x6c: {  	_ =	shalt  }
0x6d: {  	_ =	shalt  }
0x6e: {  	_ =	shalt  }
0x6f: {  	_ =	shalt  }
0x70: {  	_ =	shalt  }
0x71: {  	_ =	shalt  }
0x72: {  	_ =	shalt  }
0x73: {  	_ =	shalt  }
0x74: {  	_ =	shalt  }
0x75: {  	_ =	shalt  }
0x76: {  	_ =	shalt  }
0x77: {  	_ =	shalt  }
0x78: {  	_ =	shalt  }
0x79: {  	_ =	shalt  }
0x7a: {  	_ =	shalt  }
0x7b: {  	_ =	shalt  }
0x7c: {  	_ =	shalt  }
0x7d: {  	_ =	shalt  }
0x7e: {  	_ =	shalt  }
0x7f: {  	_ =	shalt  }
0x80: {  	_ =	shalt  }
0x81: {  	_ =	shalt  }
0x82: {  	_ =	shalt  }
0x83: {  	_ =	shalt  }
0x84: {  	_ =	shalt  }
0x85: {  	_ =	shalt  }
0x86: {  	_ =	shalt  }
0x87: {  	_ =	shalt  }
.Lfunc_end0:
.L_simem_size_0:
called_computation.2_lowered:
.L_overlay_start_0:
0x88: {  	s2 =	sld [smem:$0x3FD9]  }
0x89: {  	s3 =	sld [smem:$0x3FFE];
	_ =	sdelay $0x1  }
0x8a: {  	s1 =	srdreg.scid  }
0x8b: {  	s0 =	sand.u32 $0x1, s1  }
0x8c: {  	s17 =	sshll.u32 s0, $0xA;
	s2 =	sadd.s32 s3, s2  }
0x8d: {  	s2 =	sadd.s32 s2, s17  }
0x8e: {  	[smem:$0x3F9C] =	sst s2  }
0x8f: {  	_ = 	snop  }
0x90: {  	s2 =	sld [smem:$0x3FD0];
	(tm) =	ssettm $0x1  }
0x91: {  	s18 =	sld [smem:$0x3FFB];
	_ =	sdelay $0x3  }
0x92: {  	_ =	strace s18  }
0x93: {  	s3 =	sld [smem:$0x3FFC];
	_ =	sdelay $0x3  }
0x94: {  	_ =	strace s3  }
0x95: {  	s3 =	sld [smem:$0x3FFD];
	_ =	sdelay $0x3  }
0x96: {  	_ =	strace s3  }
0x97: {  	_ =	strace $0x8FFFFFFF  }
0x98: {  	s19 =	sld [smem:$0x3FDB];
	_ =	sdelay $0x1  }
0x99: {  	s4 =	simm.s32 $_scs_section_size  }
0x9a: {  	s5 =	simm.s32 $_size__tile_overlayer_lowered;
	s6 =	simm.s32 $_tile_overlayer_lowered  }
0x9b: {  	s22 =	simm.s32 $0x1BFF;
	s21 =	sshll.u32 s6, $0x1;
	s3 =	sadd.s32 s4, s19  }
0x9c: {  	s7 =	simm.s32 $0x0;
	s20 =	sshll.u32 s5, $0x1;
	s5 =	sadd.s32 s21, s3  }
0x9d: {  	[timem:s7], [sflag:s22] =	dma.local [hbm:s5], s20  }
0x9e: {  	_ =	swait.ge [sflag:s22], s20  }
0x9f: {  	s4 =	ssub.s32 $0x0, s20;
	[sflag:s22] =	ssyncset.done $0x0  }
0xa0: {  	[sflag:s22] =	ssyncadd.s32 s4;
	_ =	sdelay $0x1  }
0xa1: {  	s23 =	simm.s32 $0x1B8B  }
0xa2: {  	_ =	swait.ge [sflag:s23], $0x1  }
0xa3: {  	[sflag:s23] =	ssyncset.done $0x0  }
0xa4: {  	s25 =	simm.s32 $0x1B8E;
	s24 =	sld [smem:$0x3FFE];
	[sflag:s23] =	ssyncadd.s32 $0xFFFFFFFF  }
0xa5: {  	s26 =	simm.s32 $execute0_lowered;
	[smem:$0x3FD2] =	sst s25  }
0xa6: {  	s5 =	sshll.u32 s26, $0x1;
	_ =	strace $0x8000004C;
	[dreg:$0x1] =	wrdreg $0xFFFFFFFF  }
0xa7: {  	s28 =	simm.s32 $_size_execute0_lowered;
	s3 =	sadd.s32 s3, s5;
	[dreg:$0x0] =	wrdreg $0x0  }
0xa8: {  	s5 =	sshll.u32 s28, $0x1;
	[dreg:$0x2] =	wrdreg s3  }
0xa9: {  	[dreg:$0x3] =	wrdreg s5  }
0xaa: {  	[dreg:$0x4] =	wrdreg $0xC0  }
0xab: {  	_ =	task [dreg:s7], $0x5FFFF  }
0xac: {  	[dreg:$0x1] =	wrdreg $0xFFFFFFFF  }
0xad: {  	[dreg:$0x0] =	wrdreg $0x60  }
0xae: {  	[dreg:$0x2] =	wrdreg s2  }
0xaf: {  	[dreg:$0x3] =	wrdreg s24  }
0xb0: {  	[dreg:$0x4] =	wrdreg $0x9  }
0xb1: {  	_ =	task.clear_ibuf [dreg:s7], $0x5FFFF;
	_ =	strace $0x9000004C  }
0xb2: {  	s29 =	simm.s32 $0x9;
	_ =	strace $0x8000004E  }
0xb3: {  	_ =	swait.ge [sflag:s29], $0x1  }
0xb4: {  	[sflag:s29] =	ssyncadd.s32 $0xFFFFFFFF  }
0xb5: {  	_ =	strace $0x9000004E  }
0xb6: {  	_ =	sfence  }
0xb7: {  	s30 =	sld [smem:$0x0];
	_ =	sdelay $0x2  }
0xb8: {  	s31 =	sshll.u32 s1, $0xD;
	s1 =	sshrl.u32 s1, $0x2  }
0xb9: {  	s3 =	sand.u32 $0x4000, s31;
	s1 =	sadd.s32 s1, s30  }
0xba: {  	s0 =	sor.u32 s3, s0;
	s1 =	sshll.u32 s1, $0x11  }
0xbb: {  	s0 =	sor.u32 s1, s0  }
0xbc: {  	s0 =	sadd.s32 $0x8F2B, s0  }
0xbd: {  	[sflag:s0] =	ssyncadd.remote.s32 $0x1  }
0xbe: {  	_ =	sfence.sel $0xFFFF  }
0xbf: {  	[dreg:$0x0] =	wrdreg $0xFFFFFFFF;
	(pc) =	sbr.abs _section_cstart, $3  }
0xc0: {  	[dreg:$0x1] =	wrdreg $0xFFFFFFFF  }
0xc1: {  	_ =	task.clear_ibuf [dreg:s7], $0x2FFFF;
	_ =	strace $0x9FFFFFFF  }
0xc2: {  	(tm) =	ssettm $0x7FFFFFFF  }
0xc3: {  	_ =	shalt  }
tec
execute0_lowered:
.L_overlay_start_1:
0x0: {  	(tag) =	ssettag $0x1  }
0x1: {  	s2 =	rddreg [dreg:$0x0]  }
0x2: {  	s6 =	rddreg [dreg:$0x1]  }
0x3: {  	s0 =	rddreg [dreg:$0x2];
	s4 =	srdreg.scid  }
0x4: {  	s1 =	stileid.u32;
	s3 =	simm.s32 $0x0;
	s12 =	simm.s32 $0x2  }
0x5: {  	s13 =	simm.s32 $0x80;
	s14 =	simm.s32 $0x100;
	s15 =	simm.s32 $0x900  }
0x6: {  	s16 =	simm.s32 $0x1100;
	s17 =	simm.s32 $0x1900;
	s18 =	simm.s32 $0x2100  }
0x7: {  	s19 =	simm.s32 $0x2900;
	s20 =	simm.s32 $0x3100;
	s21 =	simm.s32 $0x3900  }
0x8: {  	s22 =	simm.s32 $0x4100;
	s23 =	simm.s32 $0x4900;
	s8 =	smul.u32 $0x4E20, s1  }
0x9: {  	s24 =	simm.s32 $0x1;
	s7 =	sand.u32 $0x1, s4;
	s10 =	smul.u32 $0x9C400, s1  }
0xa: {  	s25 =	simm.s32 $0x0;
	[smem:$0x7FF] =	sst s3;
	s9 =	smul.u32 $0x2710, s7  }
0xb: {  	s4 =	sadd.s32 $0x6AE00, s6;
	s5 =	sadd.s32 $0xB9000, s6;
	s29 =	smul.u32 $0x4E200, s7  }
0xc: {  	_ =	strace $0x8000004D;
	s7 =	ssub.s32 $0x2, s7;
	s10 =	sadd.s32 s10, s6  }
0xd: {  	s30 =	sshrl.u32 s7, $0x1;
	s8 =	sadd.s32 s9, s8;
	s9 =	sadd.s32 s29, s10  }
0xe: {  	v2 =	vlaneseq.u32;
	s31 =	ssub.s32 s7, s30;
	s8 =	sshrl.u32 s8, $0x3;
	s7 =	sadd.s32 $0xACB200, s9  }
0xf: {  	vm0 =	vmmov $0xffff;
	v1 =	vshrl.u32 v2, $0x3;
	s11 =	sadd.s32 s8, s6;
	s6 =	sadd.s32 $0x107200, s9;
	s8 =	smax.u32 s31, $0x1  }
0x10: {  	v0 =	vand.u32 $0x7, v2;
	v2 =	vor.u32 $0x8, v2;
	v1 =	vmul.u32 $0x8, v1;
	s9 =	sadd.s32 $0x148F200, s9;
	s10 =	sadd.s32 $0x9000, s11;
	s11 =	sadd.s32 $0x12E00, s11  }
.LBB2_1:
0x11: {  	s26 =	smov.u32 s11;
	s28 =	smov.u32 s10;
	s29 =	simm.s32 $0x0  }
.LBB2_2:
0x12: {  	[tilespmem:s3], [sflag:$0x2] =	stream.linear.gather [hbm4b:s26+s3], $0x50, $0x38;
	[tilespmem:$0x5100] =	vst v63  }
0x13: {  	_ =	swait.ge [sflag:s12], $0x50  }
0x14: {  	[sflag:s12] =	ssyncset.done $0x0  }
0x15: {  	[sflag:s12] =	ssyncadd.s32 $0xFFFFFFB0  }
0x16: {  	[tilespmem:s13], [sflag:$0x2] =	stream.linear.gather [hbm4b:s28+s3], $0x50, $0x38;
	[tilespmem:$0x5100] =	vst v63  }
0x17: {  	_ =	swait.ge [sflag:s12], $0x50  }
0x18: {  	[sflag:s12] =	ssyncset.done $0x0  }
0x19: {  	[sflag:s12] =	ssyncadd.s32 $0xFFFFFFB0  }
0x1a: {  	v3 =	vld [tilespmem:$0x0];
	_ =	sdelay $0x4  }
0x1b: {  	v4 =	vshll.u32 v3, $0x1  }
0x1c: {  	v3 =	vand.u32 $0x7, v3;
	v4 =	vand.u32 $0xFFFFFFF0, v4  }
0x1d: {  	v3 =	vor.u32 v3, v4  }
0x1e: {  	v4 =	vperm.xlane v3, v0;
	_ =	sdelay $0x1  }
0x1f: {  	v3 =	vperm.xlane v3, v2;
	v4 =	vadd.s32 v1, v4;
	_ =	sdelay $0x1  }
0x20: {  	v3 =	vadd.s32 v1, v3;
	_ =	sdelay $0x2  }
0x21: {  	[tilespmem:s14], [sflag:$0x1] =	stream.indirect_vreg.gather [hbm4b:s2+s3], $0x80, v4, vm0, $0xb8;
	[tilespmem:$0x5100] =	vst v63  }
0x22: {  	_ = 	snop  }
0x23: {  	[tilespmem:s15], [sflag:$0x1] =	stream.indirect_vreg.gather [hbm4b:s2+s3], $0x80, v3, vm0, $0xb8;
	[tilespmem:$0x5100] =	vst v63  }
0x24: {  	v3 =	vld [tilespmem:$0x10];
	_ =	sdelay $0x4  }
0x25: {  	v50 =	vshll.u32 v3, $0x1  }
0x26: {  	v3 =	vand.u32 $0x7, v3;
	v4 =	vand.u32 $0xFFFFFFF0, v50  }
0x27: {  	v3 =	vor.u32 v3, v4  }
0x28: {  	v4 =	vperm.xlane v3, v0;
	_ =	sdelay $0x1  }
0x29: {  	v3 =	vperm.xlane v3, v2;
	v4 =	vadd.s32 v1, v4;
	_ =	sdelay $0x1  }
0x2a: {  	v3 =	vadd.s32 v1, v3;
	_ =	sdelay $0x2  }
0x2b: {  	[tilespmem:s16], [sflag:$0x1] =	stream.indirect_vreg.gather [hbm4b:s2+s3], $0x80, v4, vm0, $0xb8;
	[tilespmem:$0x5100] =	vst v63  }
0x2c: {  	_ = 	snop  }
0x2d: {  	[tilespmem:s17], [sflag:$0x1] =	stream.indirect_vreg.gather [hbm4b:s2+s3], $0x80, v3, vm0, $0xb8;
	[tilespmem:$0x5100] =	vst v63  }
0x2e: {  	v3 =	vld [tilespmem:$0x20];
	_ =	sdelay $0x4  }
0x2f: {  	v51 =	vshll.u32 v3, $0x1  }
0x30: {  	v3 =	vand.u32 $0x7, v3;
	v4 =	vand.u32 $0xFFFFFFF0, v51  }
0x31: {  	v3 =	vor.u32 v3, v4  }
0x32: {  	v4 =	vperm.xlane v3, v0;
	_ =	sdelay $0x1  }
0x33: {  	v3 =	vperm.xlane v3, v2;
	v4 =	vadd.s32 v1, v4;
	_ =	sdelay $0x1  }
0x34: {  	v3 =	vadd.s32 v1, v3;
	_ =	sdelay $0x2  }
0x35: {  	[tilespmem:s18], [sflag:$0x1] =	stream.indirect_vreg.gather [hbm4b:s2+s3], $0x80, v4, vm0, $0xb8;
	[tilespmem:$0x5100] =	vst v63  }
0x36: {  	_ = 	snop  }
0x37: {  	[tilespmem:s19], [sflag:$0x1] =	stream.indirect_vreg.gather [hbm4b:s2+s3], $0x80, v3, vm0, $0xb8;
	[tilespmem:$0x5100] =	vst v63  }
0x38: {  	v3 =	vld [tilespmem:$0x30];
	_ =	sdelay $0x4  }
0x39: {  	v52 =	vshll.u32 v3, $0x1  }
0x3a: {  	v3 =	vand.u32 $0x7, v3;
	v4 =	vand.u32 $0xFFFFFFF0, v52  }
0x3b: {  	v3 =	vor.u32 v3, v4  }
0x3c: {  	v4 =	vperm.xlane v3, v0;
	_ =	sdelay $0x1  }
0x3d: {  	v3 =	vperm.xlane v3, v2;
	v4 =	vadd.s32 v1, v4;
	_ =	sdelay $0x1  }
0x3e: {  	v3 =	vadd.s32 v1, v3;
	_ =	sdelay $0x2  }
0x3f: {  	[tilespmem:s20], [sflag:$0x1] =	stream.indirect_vreg.gather [hbm4b:s2+s3], $0x80, v4, vm0, $0xb8;
	[tilespmem:$0x5100] =	vst v63  }
0x40: {  	_ = 	snop  }
0x41: {  	[tilespmem:s21], [sflag:$0x1] =	stream.indirect_vreg.gather [hbm4b:s2+s3], $0x80, v3, vm0, $0xb8;
	[tilespmem:$0x5100] =	vst v63  }
0x42: {  	v3 =	vld [tilespmem:$0x40];
	_ =	sdelay $0x4  }
0x43: {  	v53 =	vshll.u32 v3, $0x1  }
0x44: {  	v3 =	vand.u32 $0x7, v3;
	v4 =	vand.u32 $0xFFFFFFF0, v53  }
0x45: {  	v3 =	vor.u32 v3, v4  }
0x46: {  	v4 =	vperm.xlane v3, v0;
	_ =	sdelay $0x1  }
0x47: {  	v3 =	vperm.xlane v3, v2;
	v4 =	vadd.s32 v1, v4;
	_ =	sdelay $0x1  }
0x48: {  	v3 =	vadd.s32 v1, v3;
	_ =	sdelay $0x2  }
0x49: {  	[tilespmem:s22], [sflag:$0x1] =	stream.indirect_vreg.gather [hbm4b:s2+s3], $0x80, v4, vm0, $0xb8;
	[tilespmem:$0x5100] =	vst v63  }
0x4a: {  	_ = 	snop  }
0x4b: {  	[tilespmem:s23], [sflag:$0x1] =	stream.indirect_vreg.gather [hbm4b:s2+s3], $0x80, v3, vm0, $0xb8;
	[tilespmem:$0x5100] =	vst v63  }
0x4c: {  	_ =	swait.ge [sflag:s24], $0x5000  }
0x4d: {  	[sflag:s24] =	ssyncset.done $0x0  }
0x4e: {  	s30 =	sadd.s32 s29, s6;
	[sflag:s24] =	ssyncadd.s32 $0xFFFFB000  }
0x4f: {  	[hbm4b:s30+s3] =	stream.linear.scatter [tilespmem:s14], [sflag:$0x2], $0x5000, $0x38;
	[tilespmem:$0x5100] =	vst v63  }
0x50: {  	_ =	swait.ge [sflag:s12], $0x5000  }
0x51: {  	[sflag:s12] =	ssyncset.done $0x0  }
0x52: {  	[sflag:s12] =	ssyncadd.s32 $0xFFFFB000  }
0x53: {  	v3 =	vld [tilespmem:$0x80];
	_ =	sdelay $0x4  }
0x54: {  	v54 =	vshll.u32 v3, $0x1  }
0x55: {  	v3 =	vand.u32 $0x7, v3;
	v4 =	vand.u32 $0xFFFFFFF0, v54  }
0x56: {  	v3 =	vor.u32 v3, v4  }
0x57: {  	v4 =	vperm.xlane v3, v0;
	_ =	sdelay $0x1  }
0x58: {  	v3 =	vperm.xlane v3, v2;
	v4 =	vadd.s32 v1, v4;
	_ =	sdelay $0x1  }
0x59: {  	v3 =	vadd.s32 v1, v3;
	_ =	sdelay $0x2  }
0x5a: {  	[tilespmem:s14], [sflag:$0x1] =	stream.indirect_vreg.gather [hbm4b:s4+s3], $0x80, v4, vm0, $0xb8;
	[tilespmem:$0x5100] =	vst v63  }
0x5b: {  	_ = 	snop  }
0x5c: {  	[tilespmem:s15], [sflag:$0x1] =	stream.indirect_vreg.gather [hbm4b:s4+s3], $0x80, v3, vm0, $0xb8;
	[tilespmem:$0x5100] =	vst v63  }
0x5d: {  	v3 =	vld [tilespmem:$0x90];
	_ =	sdelay $0x4  }
0x5e: {  	v55 =	vshll.u32 v3, $0x1  }
0x5f: {  	v3 =	vand.u32 $0x7, v3;
	v4 =	vand.u32 $0xFFFFFFF0, v55  }
0x60: {  	v3 =	vor.u32 v3, v4  }
0x61: {  	v4 =	vperm.xlane v3, v0;
	_ =	sdelay $0x1  }
0x62: {  	v3 =	vperm.xlane v3, v2;
	v4 =	vadd.s32 v1, v4;
	_ =	sdelay $0x1  }
0x63: {  	v3 =	vadd.s32 v1, v3;
	_ =	sdelay $0x2  }
0x64: {  	[tilespmem:s16], [sflag:$0x1] =	stream.indirect_vreg.gather [hbm4b:s4+s3], $0x80, v4, vm0, $0xb8;
	[tilespmem:$0x5100] =	vst v63  }
0x65: {  	_ = 	snop  }
0x66: {  	[tilespmem:s17], [sflag:$0x1] =	stream.indirect_vreg.gather [hbm4b:s4+s3], $0x80, v3, vm0, $0xb8;
	[tilespmem:$0x5100] =	vst v63  }
0x67: {  	v3 =	vld [tilespmem:$0xA0];
	_ =	sdelay $0x4  }
0x68: {  	v56 =	vshll.u32 v3, $0x1  }
0x69: {  	v3 =	vand.u32 $0x7, v3;
	v4 =	vand.u32 $0xFFFFFFF0, v56  }
0x6a: {  	v3 =	vor.u32 v3, v4  }
0x6b: {  	v4 =	vperm.xlane v3, v0;
	_ =	sdelay $0x1  }
0x6c: {  	v3 =	vperm.xlane v3, v2;
	v4 =	vadd.s32 v1, v4;
	_ =	sdelay $0x1  }
0x6d: {  	v3 =	vadd.s32 v1, v3;
	_ =	sdelay $0x2  }
0x6e: {  	[tilespmem:s18], [sflag:$0x1] =	stream.indirect_vreg.gather [hbm4b:s4+s3], $0x80, v4, vm0, $0xb8;
	[tilespmem:$0x5100] =	vst v63  }
0x6f: {  	_ = 	snop  }
0x70: {  	[tilespmem:s19], [sflag:$0x1] =	stream.indirect_vreg.gather [hbm4b:s4+s3], $0x80, v3, vm0, $0xb8;
	[tilespmem:$0x5100] =	vst v63  }
0x71: {  	v3 =	vld [tilespmem:$0xB0];
	_ =	sdelay $0x4  }
0x72: {  	v57 =	vshll.u32 v3, $0x1  }
0x73: {  	v3 =	vand.u32 $0x7, v3;
	v4 =	vand.u32 $0xFFFFFFF0, v57  }
0x74: {  	v3 =	vor.u32 v3, v4  }
0x75: {  	v4 =	vperm.xlane v3, v0;
	_ =	sdelay $0x1  }
0x76: {  	v3 =	vperm.xlane v3, v2;
	v4 =	vadd.s32 v1, v4;
	_ =	sdelay $0x1  }
0x77: {  	v3 =	vadd.s32 v1, v3;
	_ =	sdelay $0x2  }
0x78: {  	[tilespmem:s20], [sflag:$0x1] =	stream.indirect_vreg.gather [hbm4b:s4+s3], $0x80, v4, vm0, $0xb8;
	[tilespmem:$0x5100] =	vst v63  }
0x79: {  	_ = 	snop  }
0x7a: {  	[tilespmem:s21], [sflag:$0x1] =	stream.indirect_vreg.gather [hbm4b:s4+s3], $0x80, v3, vm0, $0xb8;
	[tilespmem:$0x5100] =	vst v63  }
0x7b: {  	v3 =	vld [tilespmem:$0xC0];
	_ =	sdelay $0x4  }
0x7c: {  	v58 =	vshll.u32 v3, $0x1  }
0x7d: {  	v3 =	vand.u32 $0x7, v3;
	v4 =	vand.u32 $0xFFFFFFF0, v58  }
0x7e: {  	v3 =	vor.u32 v3, v4  }
0x7f: {  	v4 =	vperm.xlane v3, v0;
	_ =	sdelay $0x1  }
0x80: {  	v3 =	vperm.xlane v3, v2;
	v4 =	vadd.s32 v1, v4;
	_ =	sdelay $0x1  }
0x81: {  	v3 =	vadd.s32 v1, v3;
	_ =	sdelay $0x2  }
0x82: {  	[tilespmem:s22], [sflag:$0x1] =	stream.indirect_vreg.gather [hbm4b:s4+s3], $0x80, v4, vm0, $0xb8;
	[tilespmem:$0x5100] =	vst v63  }
0x83: {  	_ = 	snop  }
0x84: {  	[tilespmem:s23], [sflag:$0x1] =	stream.indirect_vreg.gather [hbm4b:s4+s3], $0x80, v3, vm0, $0xb8;
	[tilespmem:$0x5100] =	vst v63  }
0x85: {  	_ =	swait.ge [sflag:s24], $0x5000  }
0x86: {  	[sflag:s24] =	ssyncset.done $0x0  }
0x87: {  	s31 =	sadd.s32 s29, s7;
	[sflag:s24] =	ssyncadd.s32 $0xFFFFB000  }
0x88: {  	[hbm4b:s31+s3] =	stream.linear.scatter [tilespmem:s14], [sflag:$0x2], $0x5000, $0x38;
	[tilespmem:$0x5100] =	vst v63  }
0x89: {  	_ =	swait.ge [sflag:s12], $0x5000  }
0x8a: {  	[sflag:s12] =	ssyncset.done $0x0  }
0x8b: {  	[sflag:s12] =	ssyncadd.s32 $0xFFFFB000  }
0x8c: {  	v3 =	vld [tilespmem:$0x80];
	_ =	sdelay $0x4  }
0x8d: {  	v59 =	vshll.u32 v3, $0x1  }
0x8e: {  	v3 =	vand.u32 $0x7, v3;
	v4 =	vand.u32 $0xFFFFFFF0, v59  }
0x8f: {  	v3 =	vor.u32 v3, v4  }
0x90: {  	v4 =	vperm.xlane v3, v0;
	_ =	sdelay $0x1  }
0x91: {  	v3 =	vperm.xlane v3, v2;
	v4 =	vadd.s32 v1, v4;
	_ =	sdelay $0x1  }
0x92: {  	v3 =	vadd.s32 v1, v3;
	_ =	sdelay $0x2  }
0x93: {  	[tilespmem:s14], [sflag:$0x1] =	stream.indirect_vreg.gather [hbm4b:s5+s3], $0x80, v4, vm0, $0xb8;
	[tilespmem:$0x5100] =	vst v63  }
0x94: {  	_ = 	snop  }
0x95: {  	[tilespmem:s15], [sflag:$0x1] =	stream.indirect_vreg.gather [hbm4b:s5+s3], $0x80, v3, vm0, $0xb8;
	[tilespmem:$0x5100] =	vst v63  }
0x96: {  	v3 =	vld [tilespmem:$0x90];
	_ =	sdelay $0x4  }
0x97: {  	v60 =	vshll.u32 v3, $0x1  }
0x98: {  	v3 =	vand.u32 $0x7, v3;
	v4 =	vand.u32 $0xFFFFFFF0, v60  }
0x99: {  	v3 =	vor.u32 v3, v4  }
0x9a: {  	v4 =	vperm.xlane v3, v0;
	_ =	sdelay $0x1  }
0x9b: {  	v3 =	vperm.xlane v3, v2;
	v4 =	vadd.s32 v1, v4;
	_ =	sdelay $0x1  }
0x9c: {  	v3 =	vadd.s32 v1, v3;
	_ =	sdelay $0x2  }
0x9d: {  	[tilespmem:s16], [sflag:$0x1] =	stream.indirect_vreg.gather [hbm4b:s5+s3], $0x80, v4, vm0, $0xb8;
	[tilespmem:$0x5100] =	vst v63  }
0x9e: {  	_ = 	snop  }
0x9f: {  	[tilespmem:s17], [sflag:$0x1] =	stream.indirect_vreg.gather [hbm4b:s5+s3], $0x80, v3, vm0, $0xb8;
	[tilespmem:$0x5100] =	vst v63  }
0xa0: {  	v3 =	vld [tilespmem:$0xA0];
	_ =	sdelay $0x4  }
0xa1: {  	v61 =	vshll.u32 v3, $0x1  }
0xa2: {  	v3 =	vand.u32 $0x7, v3;
	v4 =	vand.u32 $0xFFFFFFF0, v61  }
0xa3: {  	v3 =	vor.u32 v3, v4  }
0xa4: {  	v4 =	vperm.xlane v3, v0;
	_ =	sdelay $0x1  }
0xa5: {  	v3 =	vperm.xlane v3, v2;
	v4 =	vadd.s32 v1, v4;
	_ =	sdelay $0x1  }
0xa6: {  	v3 =	vadd.s32 v1, v3;
	_ =	sdelay $0x2  }
0xa7: {  	[tilespmem:s18], [sflag:$0x1] =	stream.indirect_vreg.gather [hbm4b:s5+s3], $0x80, v4, vm0, $0xb8;
	[tilespmem:$0x5100] =	vst v63  }
0xa8: {  	_ = 	snop  }
0xa9: {  	[tilespmem:s19], [sflag:$0x1] =	stream.indirect_vreg.gather [hbm4b:s5+s3], $0x80, v3, vm0, $0xb8;
	[tilespmem:$0x5100] =	vst v63  }
0xaa: {  	v3 =	vld [tilespmem:$0xB0];
	_ =	sdelay $0x4  }
0xab: {  	v62 =	vshll.u32 v3, $0x1  }
0xac: {  	v3 =	vand.u32 $0x7, v3;
	v4 =	vand.u32 $0xFFFFFFF0, v62  }
0xad: {  	v3 =	vor.u32 v3, v4  }
0xae: {  	v4 =	vperm.xlane v3, v0;
	_ =	sdelay $0x1  }
0xaf: {  	v3 =	vperm.xlane v3, v2;
	v4 =	vadd.s32 v1, v4;
	_ =	sdelay $0x1  }
0xb0: {  	v3 =	vadd.s32 v1, v3;
	_ =	sdelay $0x2  }
0xb1: {  	[tilespmem:s20], [sflag:$0x1] =	stream.indirect_vreg.gather [hbm4b:s5+s3], $0x80, v4, vm0, $0xb8;
	[tilespmem:$0x5100] =	vst v63  }
0xb2: {  	_ = 	snop  }
0xb3: {  	[tilespmem:s21], [sflag:$0x1] =	stream.indirect_vreg.gather [hbm4b:s5+s3], $0x80, v3, vm0, $0xb8;
	[tilespmem:$0x5100] =	vst v63  }
0xb4: {  	v3 =	vld [tilespmem:$0xC0];
	_ =	sdelay $0x4  }
0xb5: {  	v63 =	vshll.u32 v3, $0x1  }
0xb6: {  	v3 =	vand.u32 $0x7, v3;
	v4 =	vand.u32 $0xFFFFFFF0, v63  }
0xb7: {  	v3 =	vor.u32 v3, v4  }
0xb8: {  	v4 =	vperm.xlane v3, v0;
	_ =	sdelay $0x1  }
0xb9: {  	v3 =	vperm.xlane v3, v2;
	v4 =	vadd.s32 v1, v4;
	_ =	sdelay $0x1  }
0xba: {  	v3 =	vadd.s32 v1, v3;
	_ =	sdelay $0x2  }
0xbb: {  	[tilespmem:s22], [sflag:$0x1] =	stream.indirect_vreg.gather [hbm4b:s5+s3], $0x80, v4, vm0, $0xb8;
	[tilespmem:$0x5100] =	vst v63  }
0xbc: {  	_ = 	snop  }
0xbd: {  	[tilespmem:s23], [sflag:$0x1] =	stream.indirect_vreg.gather [hbm4b:s5+s3], $0x80, v3, vm0, $0xb8;
	[tilespmem:$0x5100] =	vst v63  }
0xbe: {  	_ =	swait.ge [sflag:s24], $0x5000  }
0xbf: {  	p0 =	sne.s32 s29, $0x4D800;
	[sflag:s24] =	ssyncset.done $0x0  }
.Ltmp0:
0xc0: {  	s31 =	sadd.s32 s29, s9;
	[sflag:s24] =	ssyncadd.s32 $0xFFFFB000;
	(pc) =	sbr.rel @p0 .LBB2_2-.Ltmp0, $4  }
0xc1: {  	[hbm4b:s31+s3] =	stream.linear.scatter [tilespmem:s14], [sflag:$0x2], $0x5000, $0x38;
	[tilespmem:$0x5100] =	vst v63  }
0xc2: {  	_ =	swait.ge [sflag:s12], $0x5000  }
0xc3: {  	s26 =	sadd.s32 $0xA, s26;
	[sflag:s12] =	ssyncset.done $0x0  }
0xc4: {  	s28 =	sadd.s32 $0xA, s28;
	s29 =	sadd.s32 $0xA00, s29;
	[sflag:s12] =	ssyncadd.s32 $0xFFFFB000  }
0xc5: {  	s25 =	sadd.s32 $0x1, s25  }
0xc6: {  	p0 =	sne.s32 s25, s8  }
.Ltmp1:
0xc7: {  	_ = 	snop;
	(pc) =	sbr.rel @p0 .LBB2_1-.Ltmp1, $1  }
0xc8: {  	_ =	sdelay $0x3  }
0xc9: {  	_ =	sfence.sel $0x180000  }
0xca: {  	[bflag:$0x0] =	sbarrier.arrive $0xFFFF  }
0xcb: {  	p0 =	sne.s32 s1, $0x0;
	_ =	strace $0x9000004D  }
0xcc: {  	s0 =	sadd.s32 @!p0 $0x100000, s0;
	[bflag:$0x2] =	sbarrier.arrive $0xFFFF  }
0xcd: {  	[sflag:s0] =	ssyncadd.tile.s32 @!p0 $0x1;
	_ =	shalt  }
.Lfunc_end2:
_tile_overlayer_lowered:
.L_overlay_start_2:
0xce: {  	(tag) =	ssettag $0x2  }
0xcf: {  	s0 =	rddreg [dreg:$0x0];
	s2 =	stileid.u32  }
0xd0: {  	s1 =	rddreg [dreg:$0x1];
	p0 =	sne.s32 s2, $0x0  }
0xd1: {  	s3 =	rddreg [dreg:$0x2];
	[bflag:$0x3] =	sbarrier.arrive $0xFFFF;
	s2 =	simm.s32 @!p0 $0x1C02  }
0xd2: {  	[timem:s3], [sflag:s2] =	dma.local @!p0 [hbm:s0], s1  }
0xd3: {  	s0 =	simm.s32 @!p0 $0x2  }
0xd4: {  	_ =	swait.ge @!p0 [sflag:s0], s1  }
0xd5: {  	s1 =	ssub.s32 @!p0 $0x0, s1;
	[sflag:s0] =	ssyncset.done @!p0 $0x0  }
0xd6: {  	[sflag:s0] =	ssyncadd.s32 @!p0 s1  }
0xd7: {  	[bflag:$0x3] =	sbarrier.arrive $0xFFFF  }
0xd8: {  	_ =	shalt  }

// kernel: kernel.30.cloned.1.call-start
scs
__scs_entry_jumppad:
0x0: {  	(pc) =	sbr.rel $0x88, $3  }
0x1: {  	(tag) =	ssettag $0x0;
	lr =	simm.s32 $0x1  }
0x2: {  	[smem:$0x3F75] =	sst lr;
	_ =	strace $0xD0000000  }
0x3: {  	_ = 	snop  }
0x4: {  	_ = 	snop  }
0x5: {  	_ = 	snop  }
0x6: {  	_ = 	snop  }
0x7: {  	_ = 	snop  }
__scs_overlays_trampoline_lowered:
0x8: {  	[smem:$0x3F84] =	sst s0  }
0x9: {  	[smem:$0x3F85] =	sst s1  }
0xa: {  	[smem:$0x3F86] =	sst s2  }
0xb: {  	[smem:$0x3F87] =	sst s3  }
0xc: {  	[smem:$0x3F88] =	sst s4  }
0xd: {  	[smem:$0x3F89] =	sst s5  }
0xe: {  	[smem:$0x3F8A] =	sst s6  }
0xf: {  	[smem:$0x3F8B] =	sst s7  }
0x10: {  	[smem:$0x3F8C] =	sst s8  }
0x11: {  	[smem:$0x3F8D] =	sst s9;
	s0 =	simm.s32 @!p0 $0x0  }
0x12: {  	s1 =	sld [smem:$0x3F73];
	s0 =	simm.s32 @p0 $0x1  }
0x13: {  	[smem:$0x3F8E] =	sst s0;
	s0 =	simm.s32 @!p1 $0x0  }
0x14: {  	s2 =	sld [smem:$0x3F72];
	s0 =	simm.s32 @p1 $0x1  }
0x15: {  	[smem:$0x3F8F] =	sst s0;
	s0 =	simm.s32 @!p2 $0x0  }
0x16: {  	s3 =	sld [smem:$0x3FDB];
	s0 =	simm.s32 @p2 $0x1  }
0x17: {  	s4 =	simm.s32 $0x1BF5;
	[smem:$0x3F91] =	sst s0  }
0x18: {  	s0 =	sld [smem:$0x3F74];
	_ =	swait.ge [sflag:s4], $0x0  }
0x19: {  	s7 =	sld [smem:$0x3F75]  }
0x1a: {  	s8 =	sadd.s32 $0xFFFFE003, lr  }
0x1b: {  	s9 =	sadd.s32 $0xFFFFFEF7, lr;
	s5 =	simm.s32 $0xFFFFFFFF;
	p2 =	slt.u32 s8, $0xFFFFF086  }
0x1c: {  	p1 =	slt.u32 s9, $0xF7A;
	s5 =	simm.s32 @!p2 $0x0  }
0x1d: {  	s5 =	simm.s32 @p1 $0x1;
	p0 =	seq.s32 s7, s2  }
0x1e: {  	s7 =	smul.u32 @!p0 $0xF7A, s2;
	p2 =	seq.s32 @!p0 s5, $0x0  }
0x1f: {  	s9 =	smul.u32 $0xF7A, s1;
	s8 =	simm.s32 @!p0 $0x1BF5;
	p2 =	por !p2, p0  }
0x20: {  	[sflag:s8] =	ssyncset.s32 @!p0 $0xFFFFF086;
	s6 =	sadd.s32 @!p0 s3, s7;
	s7 =	simm.s32 @!p0 $0x108  }
0x21: {  	s3 =	sadd.s32 s3, s9;
	s6 =	sadd.s32 @!p0 $0x88, s6;
	s7 =	simm.s32 @p2 $0x1082  }
0x22: {  	[simem:s7], [sflag:s8] =	dma.local @!p0 [hbm:s6], $0xF7A  }
0x23: {  	s9 =	sor.u32 $0xD0000000, s2;
	s6 =	simm.s32 $0x108;
	_ =	swait.ge @!p0 [sflag:s8], $0x0  }
0x24: {  	s3 =	sadd.s32 $0x88, s3;
	s6 =	simm.s32 @!p1 $0x1082;
	[sflag:s4] =	ssyncset.s32 $0xFFFFF086  }
0x25: {  	[simem:s6], [sflag:s4] =	dma.local [hbm:s3], $0xF7A  }
0x26: {  	[smem:$0x3F75] =	sst s1;
	(tag) =	ssettag s2;
	_ =	strace s9  }
0x27: {  	s1 =	sld [smem:$0x3F85]  }
0x28: {  	s2 =	sld [smem:$0x3F86]  }
0x29: {  	s4 =	sld [smem:$0x3F88]  }
0x2a: {  	p0 =	seq.s32 s5, $0x0;
	s5 =	sld [smem:$0x3F89]  }
0x2b: {  	s6 =	sld [smem:$0x3F8A]  }
0x2c: {  	s7 =	sld [smem:$0x3F8B]  }
0x2d: {  	s3 =	simm.s32 $0x108;
	s8 =	sld [smem:$0x3F8C]  }
0x2e: {  	s3 =	simm.s32 @!p0 $0x1082;
	s9 =	sld [smem:$0x3F8D]  }
0x2f: {  	lr =	sadd.s32 s0, s3;
	s0 =	sld [smem:$0x3F84]  }
0x30: {  	s3 =	sld [smem:$0x3F87]  }
0x31: {  	[smem:$0x3F90] =	sst s10  }
0x32: {  	s10 =	sld [smem:$0x3F8E];
	_ =	sdelay $0x3  }
0x33: {  	p0 =	seq.s32 s10, $0x1;
	s10 =	sld [smem:$0x3F90];
	_ =	sdelay $0x3  }
0x34: {  	[smem:$0x3F90] =	sst s10  }
0x35: {  	s10 =	sld [smem:$0x3F8F];
	_ =	sdelay $0x3  }
0x36: {  	p1 =	seq.s32 s10, $0x1;
	s10 =	sld [smem:$0x3F90];
	_ =	sdelay $0x3  }
0x37: {  	[smem:$0x3F90] =	sst s10  }
0x38: {  	s10 =	sld [smem:$0x3F91]  }
0x39: {  	_ = 	snop;
	(pc) =	sbr.ind lr, $3  }
0x3a: {  	_ = 	snop  }
0x3b: {  	_ = 	snop  }
0x3c: {  	p2 =	seq.s32 s10, $0x1;
	s10 =	sld [smem:$0x3F90]  }
0x3d: {  	_ =	shalt  }
0x3e: {  	_ =	shalt  }
0x3f: {  	_ =	shalt  }
0x40: {  	_ =	shalt  }
0x41: {  	_ =	shalt  }
0x42: {  	_ =	shalt  }
0x43: {  	_ =	shalt  }
0x44: {  	_ =	shalt  }
0x45: {  	_ =	shalt  }
0x46: {  	_ =	shalt  }
0x47: {  	_ =	shalt  }
0x48: {  	_ =	shalt  }
0x49: {  	_ =	shalt  }
0x4a: {  	_ =	shalt  }
0x4b: {  	_ =	shalt  }
0x4c: {  	_ =	shalt  }
0x4d: {  	_ =	shalt  }
0x4e: {  	_ =	shalt  }
0x4f: {  	_ =	shalt  }
0x50: {  	_ =	shalt  }
0x51: {  	_ =	shalt  }
0x52: {  	_ =	shalt  }
0x53: {  	_ =	shalt  }
0x54: {  	_ =	shalt  }
0x55: {  	_ =	shalt  }
0x56: {  	_ =	shalt  }
0x57: {  	_ =	shalt  }
0x58: {  	_ =	shalt  }
0x59: {  	_ =	shalt  }
0x5a: {  	_ =	shalt  }
0x5b: {  	_ =	shalt  }
0x5c: {  	_ =	shalt  }
0x5d: {  	_ =	shalt  }
0x5e: {  	_ =	shalt  }
0x5f: {  	_ =	shalt  }
0x60: {  	_ =	shalt  }
0x61: {  	_ =	shalt  }
0x62: {  	_ =	shalt  }
0x63: {  	_ =	shalt  }
0x64: {  	_ =	shalt  }
0x65: {  	_ =	shalt  }
0x66: {  	_ =	shalt  }
0x67: {  	_ =	shalt  }
0x68: {  	_ =	shalt  }
0x69: {  	_ =	shalt  }
0x6a: {  	_ =	shalt  }
0x6b: {  	_ =	shalt  }
0x6c: {  	_ =	shalt  }
0x6d: {  	_ =	shalt  }
0x6e: {  	_ =	shalt  }
0x6f: {  	_ =	shalt  }
0x70: {  	_ =	shalt  }
0x71: {  	_ =	shalt  }
0x72: {  	_ =	shalt  }
0x73: {  	_ =	shalt  }
0x74: {  	_ =	shalt  }
0x75: {  	_ =	shalt  }
0x76: {  	_ =	shalt  }
0x77: {  	_ =	shalt  }
0x78: {  	_ =	shalt  }
0x79: {  	_ =	shalt  }
0x7a: {  	_ =	shalt  }
0x7b: {  	_ =	shalt  }
0x7c: {  	_ =	shalt  }
0x7d: {  	_ =	shalt  }
0x7e: {  	_ =	shalt  }
0x7f: {  	_ =	shalt  }
0x80: {  	_ =	shalt  }
0x81: {  	_ =	shalt  }
0x82: {  	_ =	shalt  }
0x83: {  	_ =	shalt  }
0x84: {  	_ =	shalt  }
0x85: {  	_ =	shalt  }
0x86: {  	_ =	shalt  }
0x87: {  	_ =	shalt  }
.Lfunc_end0:
.L_simem_size_0:
called_computation.3_lowered:
.L_overlay_start_0:
0x88: {  	s2 =	sld [smem:$0x3FD9]  }
0x89: {  	s3 =	sld [smem:$0x3FFE];
	_ =	sdelay $0x1  }
0x8a: {  	s1 =	srdreg.scid  }
0x8b: {  	s0 =	sand.u32 $0x1, s1  }
0x8c: {  	s16 =	sshll.u32 s0, $0xA;
	s2 =	sadd.s32 s3, s2  }
0x8d: {  	s2 =	sadd.s32 s2, s16  }
0x8e: {  	[smem:$0x3F9C] =	sst s2  }
0x8f: {  	_ = 	snop  }
0x90: {  	(tm) =	ssettm $0x1  }
0x91: {  	s17 =	sld [smem:$0x3FFB];
	_ =	sdelay $0x3  }
0x92: {  	_ =	strace s17  }
0x93: {  	s2 =	sld [smem:$0x3FFC];
	_ =	sdelay $0x3  }
0x94: {  	_ =	strace s2  }
0x95: {  	s2 =	sld [smem:$0x3FFD];
	_ =	sdelay $0x3  }
0x96: {  	_ =	strace s2  }
0x97: {  	_ =	strace $0x8FFFFFFF  }
0x98: {  	s18 =	sld [smem:$0x3FDB];
	_ =	sdelay $0x1  }
0x99: {  	s19 =	simm.s32 $_scs_section_size  }
0x9a: {  	s4 =	simm.s32 $_size__tile_overlayer_lowered;
	s5 =	simm.s32 $_tile_overlayer_lowered  }
0x9b: {  	s22 =	simm.s32 $0x1BFF;
	s21 =	sshll.u32 s5, $0x1;
	s2 =	sadd.s32 s19, s18  }
0x9c: {  	s6 =	simm.s32 $0x0;
	s20 =	sshll.u32 s4, $0x1;
	s4 =	sadd.s32 s21, s2  }
0x9d: {  	[timem:s6], [sflag:s22] =	dma.local [hbm:s4], s20  }
0x9e: {  	_ =	swait.ge [sflag:s22], s20  }
0x9f: {  	s3 =	ssub.s32 $0x0, s20;
	[sflag:s22] =	ssyncset.done $0x0  }
0xa0: {  	[sflag:s22] =	ssyncadd.s32 s3;
	_ =	sdelay $0x1  }
0xa1: {  	s23 =	simm.s32 $0x1B8B  }
0xa2: {  	_ =	swait.ge [sflag:s23], $0x1  }
0xa3: {  	[sflag:s23] =	ssyncset.done $0x0  }
0xa4: {  	s25 =	simm.s32 $0x1B8E;
	s24 =	sld [smem:$0x3FFE];
	[sflag:s23] =	ssyncadd.s32 $0xFFFFFFFF  }
0xa5: {  	s26 =	simm.s32 $execute0_lowered;
	[smem:$0x3FD2] =	sst s25  }
0xa6: {  	s4 =	sshll.u32 s26, $0x1;
	_ =	strace $0x8000004F;
	[dreg:$0x1] =	wrdreg $0xFFFFFFFF  }
0xa7: {  	s28 =	simm.s32 $_size_execute0_lowered;
	s2 =	sadd.s32 s2, s4;
	[dreg:$0x0] =	wrdreg $0x0  }
0xa8: {  	s4 =	sshll.u32 s28, $0x1;
	[dreg:$0x2] =	wrdreg s2  }
0xa9: {  	[dreg:$0x3] =	wrdreg s4  }
0xaa: {  	[dreg:$0x4] =	wrdreg $0xC0  }
0xab: {  	_ =	task [dreg:s6], $0x5FFFF  }
0xac: {  	[dreg:$0x1] =	wrdreg $0xFFFFFFFF  }
0xad: {  	[dreg:$0x0] =	wrdreg $0x60  }
0xae: {  	[dreg:$0x2] =	wrdreg s24  }
0xaf: {  	[dreg:$0x3] =	wrdreg $0x8C800  }
0xb0: {  	[dreg:$0x4] =	wrdreg $0x9  }
0xb1: {  	_ =	task.clear_ibuf [dreg:s6], $0x5FFFF;
	_ =	strace $0x9000004F  }
0xb2: {  	s29 =	simm.s32 $0x9;
	_ =	strace $0x80000051  }
0xb3: {  	_ =	swait.ge [sflag:s29], $0x1  }
0xb4: {  	[sflag:s29] =	ssyncadd.s32 $0xFFFFFFFF  }
0xb5: {  	_ =	strace $0x90000051  }
0xb6: {  	_ =	sfence  }
0xb7: {  	s30 =	sld [smem:$0x0];
	_ =	sdelay $0x2  }
0xb8: {  	s31 =	sshll.u32 s1, $0xD;
	s1 =	sshrl.u32 s1, $0x2  }
0xb9: {  	s3 =	sand.u32 $0x4000, s31;
	s1 =	sadd.s32 s1, s30  }
0xba: {  	s0 =	sor.u32 s3, s0;
	s1 =	sshll.u32 s1, $0x11  }
0xbb: {  	s0 =	sor.u32 s1, s0  }
0xbc: {  	s0 =	sadd.s32 $0x8F2B, s0  }
0xbd: {  	[sflag:s0] =	ssyncadd.remote.s32 $0x1  }
0xbe: {  	_ =	sfence.sel $0xFFFF  }
0xbf: {  	[dreg:$0x0] =	wrdreg $0xFFFFFFFF;
	(pc) =	sbr.abs _section_cstart, $3  }
0xc0: {  	[dreg:$0x1] =	wrdreg $0xFFFFFFFF  }
0xc1: {  	_ =	task.clear_ibuf [dreg:s6], $0x2FFFF;
	_ =	strace $0x9FFFFFFF  }
0xc2: {  	(tm) =	ssettm $0x7FFFFFFF  }
0xc3: {  	_ =	shalt  }
tec
execute0_lowered:
.L_overlay_start_1:
0x0: {  	(tag) =	ssettag $0x1  }
0x1: {  	s4 =	rddreg [dreg:$0x0]  }
0x2: {  	s2 =	rddreg [dreg:$0x1]  }
0x3: {  	s0 =	rddreg [dreg:$0x2];
	s3 =	simm.s32 $0x0  }
0x4: {  	s1 =	stileid.u32;
	s6 =	srdreg.scid;
	s16 =	simm.s32 $0x80  }
0x5: {  	s17 =	simm.s32 $0x50;
	s18 =	simm.s32 $0x0;
	s5 =	smul.u32 $0x9C4, s1  }
0x6: {  	[smem:$0x7FF] =	sst s3;
	s6 =	sand.u32 $0x1, s6;
	s8 =	smul.u32 $0x1F400, s1  }
0x7: {  	s14 =	sadd.s32 $0x6AE00, s4;
	s10 =	sadd.s32 $0x13F2E00, s4;
	s29 =	smul.u32 $0x7D000, s1  }
0x8: {  	s31 =	smul.u32 $0x271000, s1;
	p0 =	sgt.u32 s1, $0x9;
	p1 =	slt.u32 s1, $0xA  }
0x9: {  	_ =	strace $0x80000050;
	s25 =	smul.u32 $0x271000, s6;
	s7 =	ssub.s32 $0x2, s6  }
0xa: {  	s9 =	sshllo.u32 s6, $0x1;
	s11 =	smul.u32 $0x4E20000, s6;
	s13 =	sadd.s32 s5, s4  }
0xb: {  	s26 =	sshrl.u32 s7, $0x1;
	s9 =	smul.u32 $0x138800, s9;
	s5 =	sshrl.u32 s29, $0x2  }
0xc: {  	s7 =	ssub.s32 s7, s26;
	s28 =	sadd.s32 s8, s25;
	s5 =	sadd.s32 s5, s2  }
0xd: {  	s12 =	sadd.s32 s31, s11;
	s13 =	sadd.s32 $0x12E00, s13;
	s4 =	sshrl.u32 s28, $0x3  }
0xe: {  	s30 =	sadd.s32 s8, s9;
	s7 =	smax.u32 s7, $0x1;
	s8 =	sadd.s32 $0x6400, s5  }
0xf: {  	s9 =	sadd.s32 $0xC800, s5;
	s15 =	sadd.s32 $0x2710000, s12;
	s11 =	sadd.s32 $0x19000, s5  }
0x10: {  	s12 =	sshrl.u32 s12, $0x3;
	s6 =	sshrl.u32 s30, $0x3;
	s4 =	sadd.s32 s10, s4  }
0x11: {  	s15 =	sshrl.u32 s15, $0x3;
	s12 =	sadd.s32 s12, s14;
	s6 =	sadd.s32 s10, s6  }
0x12: {  	v0 =	vimm.f32 $0.0e+00;
	s10 =	sadd.s32 $0x12C00, s5;
	s14 =	sadd.s32 s15, s14;
	s15 =	simm.s32 $0x1  }
.LBB2_1:
0x13: {  	s19 =	simm.s32 $0x0;
	s20 =	simm.s32 $0x200  }
.LBB2_2:
0x14: {  	p2 =	sne.s32 s20, $0x18E00;
	[tilespmem:s19+$0x28F0] =	vst v0  }
0x15: {  	[tilespmem:s19+$0x2880] =	vst v0  }
0x16: {  	[tilespmem:s19+$0x2890] =	vst v0  }
.Ltmp0:
0x17: {  	[tilespmem:s19+$0x28A0] =	vst v0;
	(pc) =	sbr.rel @p2 .LBB2_2-.Ltmp0, $4  }
0x18: {  	[tilespmem:s19+$0x28B0] =	vst v0  }
0x19: {  	[tilespmem:s19+$0x28C0] =	vst v0  }
0x1a: {  	[tilespmem:s19+$0x28D0] =	vst v0  }
0x1b: {  	[tilespmem:s19+$0x28E0] =	vst v0;
	s19 =	sshra.s32 s20, $0x2;
	s20 =	sadd.s32 $0x200, s20  }
0x1c: {  	[tilespmem:s19+$0x28F0] =	vst v0  }
0x1d: {  	[tilespmem:s19+$0x2880] =	vst v0  }
0x1e: {  	[tilespmem:s19+$0x2890] =	vst v0  }
0x1f: {  	[tilespmem:s19+$0x28A0] =	vst v0  }
0x20: {  	[tilespmem:s19+$0x28B0] =	vst v0  }
0x21: {  	[tilespmem:s19+$0x28C0] =	vst v0  }
0x22: {  	[tilespmem:s19+$0x28D0] =	vst v0  }
0x23: {  	[tilespmem:s19+$0x28E0] =	vst v0;
	s19 =	simm.s32 @!p0 $0x2880;
	s20 =	simm.s32 @!p0 $0x1  }
0x24: {  	[spmem:s5] =	stream.linear.scatter @!p0 [tilespmem:s19], [sflag:$0x1], $0x6400, $0x38;
	[tilespmem:$0x1C500] =	vst v63  }
0x25: {  	_ =	swait.ge @!p0 [sflag:s20], $0x6400  }
0x26: {  	[sflag:s20] =	ssyncset.done @!p0 $0x0  }
0x27: {  	[sflag:s20] =	ssyncadd.s32 @!p0 $0xFFFF9C00  }
0x28: {  	[spmem:s8] =	stream.linear.scatter @!p0 [tilespmem:s19], [sflag:$0x1], $0x6400, $0x38;
	[tilespmem:$0x1C500] =	vst v63  }
0x29: {  	_ =	swait.ge @!p0 [sflag:s20], $0x6400  }
0x2a: {  	[sflag:s20] =	ssyncset.done @!p0 $0x0  }
0x2b: {  	[sflag:s20] =	ssyncadd.s32 @!p0 $0xFFFF9C00  }
0x2c: {  	[spmem:s9] =	stream.linear.scatter @!p0 [tilespmem:s19], [sflag:$0x1], $0x6400, $0x38;
	[tilespmem:$0x1C500] =	vst v63  }
0x2d: {  	_ =	swait.ge @!p0 [sflag:s20], $0x6400  }
0x2e: {  	[sflag:s20] =	ssyncset.done @!p0 $0x0  }
0x2f: {  	[sflag:s20] =	ssyncadd.s32 @!p0 $0xFFFF9C00  }
0x30: {  	[spmem:s10] =	stream.linear.scatter @!p0 [tilespmem:s19], [sflag:$0x1], $0x6400, $0x38;
	[tilespmem:$0x1C500] =	vst v63  }
0x31: {  	_ =	swait.ge @!p0 [sflag:s20], $0x6400  }
0x32: {  	[sflag:s20] =	ssyncset.done @!p0 $0x0  }
0x33: {  	[sflag:s20] =	ssyncadd.s32 @!p0 $0xFFFF9C00  }
0x34: {  	[spmem:s11] =	stream.linear.scatter @!p0 [tilespmem:s19], [sflag:$0x1], $0x6400, $0x38;
	[tilespmem:$0x1C500] =	vst v63  }
0x35: {  	_ =	swait.ge @!p0 [sflag:s20], $0x6400  }
0x36: {  	[sflag:s20] =	ssyncset.done @!p0 $0x0  }
0x37: {  	[sflag:s20] =	ssyncadd.s32 @!p0 $0xFFFF9C00  }
0x38: {  	s31 =	sadd.s32 $0x0, s13;
	[bflag:$0x0] =	sbarrier.arrive $0xFFFF  }
0x39: {  	[tilespmem:s3], [sflag:$0x1] =	stream.linear.gather [hbm4b:s31+s3], $0x50, $0x38;
	[tilespmem:$0x1C500] =	vst v63  }
0x3a: {  	_ =	swait.ge [sflag:s15], $0x50  }
0x3b: {  	[sflag:s15] =	ssyncset.done $0x0  }
0x3c: {  	[sflag:s15] =	ssyncadd.s32 $0xFFFFFFB0  }
0x3d: {  	[tilespmem:s16], [sflag:$0x1] =	stream.linear.gather [hbm4b:s12+s3], $0x2800, $0x38;
	[tilespmem:$0x1C500] =	vst v63  }
0x3e: {  	_ =	swait.ge [sflag:s15], $0x2800  }
0x3f: {  	[sflag:s15] =	ssyncset.done $0x0  }
0x40: {  	[sflag:s15] =	ssyncadd.s32 $0xFFFFD800  }
0x41: {  	[spmem:s2] =	stream.indirect.scatter.add.f32 [tilespmem:s16], [sflag:$0x1], $0x80, s3, s17, $0xb8;
	[tilespmem:$0x1C500] =	vst v63  }
0x42: {  	s21 =	simm.s32 $0x14;
	_ =	swait.ge [sflag:s15], $0x2800  }
0x43: {  	s19 =	sadd.s32 $0x500, s12;
	s20 =	simm.s32 $0xA;
	[sflag:s15] =	ssyncset.done $0x0  }
.LBB2_4:
0x44: {  	s22 =	sadd.s32 s20, s13  }
0x45: {  	[sflag:s15] =	ssyncadd.s32 $0xFFFFD800;
	s20 =	smov.u32 s21;
	s23 =	sadd.s32 $0xA, s21  }
0x46: {  	[tilespmem:s3], [sflag:$0x1] =	stream.linear.gather [hbm4b:s22+s3], $0x50, $0x38;
	[tilespmem:$0x1C500] =	vst v63  }
0x47: {  	p2 =	sne.s32 s21, $0x9BA;
	_ =	swait.ge [sflag:s15], $0x50  }
0x48: {  	[sflag:s15] =	ssyncset.done $0x0  }
0x49: {  	[sflag:s15] =	ssyncadd.s32 $0xFFFFFFB0  }
0x4a: {  	[tilespmem:s16], [sflag:$0x1] =	stream.linear.gather [hbm4b:s19+s3], $0x2800, $0x38;
	[tilespmem:$0x1C500] =	vst v63  }
0x4b: {  	_ =	swait.ge [sflag:s15], $0x2800  }
.Ltmp1:
0x4c: {  	[sflag:s15] =	ssyncset.done $0x0;
	(pc) =	sbr.rel @p2 .LBB2_4-.Ltmp1, $4  }
0x4d: {  	[sflag:s15] =	ssyncadd.s32 $0xFFFFD800  }
0x4e: {  	[spmem:s2] =	stream.indirect.scatter.add.f32 [tilespmem:s16], [sflag:$0x1], $0x80, s3, s17, $0xb8;
	[tilespmem:$0x1C500] =	vst v63  }
0x4f: {  	_ =	swait.ge [sflag:s15], $0x2800  }
0x50: {  	s21 =	smov.u32 s23;
	s19 =	sadd.s32 $0x500, s19;
	[sflag:s15] =	ssyncset.done $0x0  }
0x51: {  	s20 =	sadd.s32 s20, s13;
	[sflag:s15] =	ssyncadd.s32 $0xFFFFD800  }
0x52: {  	[tilespmem:s3], [sflag:$0x1] =	stream.linear.gather [hbm4b:s20+s3], $0x50, $0x38;
	[tilespmem:$0x1C500] =	vst v63  }
0x53: {  	_ =	swait.ge [sflag:s15], $0x50  }
0x54: {  	[sflag:s15] =	ssyncset.done $0x0  }
0x55: {  	[sflag:s15] =	ssyncadd.s32 $0xFFFFFFB0  }
0x56: {  	[tilespmem:s16], [sflag:$0x1] =	stream.linear.gather [hbm4b:s19+s3], $0x2800, $0x38;
	[tilespmem:$0x1C500] =	vst v63  }
0x57: {  	_ =	swait.ge [sflag:s15], $0x2800  }
0x58: {  	[sflag:s15] =	ssyncset.done $0x0  }
0x59: {  	[sflag:s15] =	ssyncadd.s32 $0xFFFFD800  }
0x5a: {  	[spmem:s2] =	stream.indirect.scatter.add.f32 [tilespmem:s16], [sflag:$0x1], $0x80, s3, s17, $0xb8;
	[tilespmem:$0x1C500] =	vst v63  }
0x5b: {  	_ =	swait.ge [sflag:s15], $0x2800  }
0x5c: {  	[sflag:s15] =	ssyncset.done $0x0  }
0x5d: {  	s19 =	sshll.u32 @p1 s1, $0x6;
	[sflag:s15] =	ssyncadd.s32 $0xFFFFD800  }
0x5e: {  	s20 =	sshrl.u32 @p1 s5, $0x3;
	s19 =	sor.u32 @p1 $0x1C01, s19;
	[bflag:$0x0] =	sbarrier.arrive $0xFFFF  }
0x5f: {  	[hbm:s4], [sflag:s19] =	dma.local @p1 [spmem:s20], $0x3E80  }
0x60: {  	s19 =	simm.s32 @p1 $0x1  }
0x61: {  	_ =	swait.ge @p1 [sflag:s19], $0x3E80  }
0x62: {  	[sflag:s19] =	ssyncset.done @p1 $0x0  }
0x63: {  	[sflag:s19] =	ssyncadd.s32 @p1 $0xFFFFC180  }
0x64: {  	s20 =	simm.s32 @p1 $0x2880;
	[bflag:$0x0] =	sbarrier.arrive @p1 $0xFFFF  }
0x65: {  	[spmem:s5] =	stream.linear.scatter @p1 [tilespmem:s20], [sflag:$0x1], $0x6400, $0x38;
	[tilespmem:$0x1C500] =	vst v63  }
0x66: {  	_ =	swait.ge @p1 [sflag:s19], $0x6400  }
0x67: {  	[sflag:s19] =	ssyncset.done @p1 $0x0  }
0x68: {  	[sflag:s19] =	ssyncadd.s32 @p1 $0xFFFF9C00  }
0x69: {  	[spmem:s8] =	stream.linear.scatter @p1 [tilespmem:s20], [sflag:$0x1], $0x6400, $0x38;
	[tilespmem:$0x1C500] =	vst v63  }
0x6a: {  	_ =	swait.ge @p1 [sflag:s19], $0x6400  }
0x6b: {  	[sflag:s19] =	ssyncset.done @p1 $0x0  }
0x6c: {  	[sflag:s19] =	ssyncadd.s32 @p1 $0xFFFF9C00  }
0x6d: {  	[spmem:s9] =	stream.linear.scatter @p1 [tilespmem:s20], [sflag:$0x1], $0x6400, $0x38;
	[tilespmem:$0x1C500] =	vst v63  }
0x6e: {  	_ =	swait.ge @p1 [sflag:s19], $0x6400  }
0x6f: {  	[sflag:s19] =	ssyncset.done @p1 $0x0  }
0x70: {  	[sflag:s19] =	ssyncadd.s32 @p1 $0xFFFF9C00  }
0x71: {  	[spmem:s10] =	stream.linear.scatter @p1 [tilespmem:s20], [sflag:$0x1], $0x6400, $0x38;
	[tilespmem:$0x1C500] =	vst v63  }
0x72: {  	_ =	swait.ge @p1 [sflag:s19], $0x6400  }
0x73: {  	[sflag:s19] =	ssyncset.done @p1 $0x0  }
0x74: {  	[sflag:s19] =	ssyncadd.s32 @p1 $0xFFFF9C00  }
0x75: {  	[spmem:s11] =	stream.linear.scatter @p1 [tilespmem:s20], [sflag:$0x1], $0x6400, $0x38;
	[tilespmem:$0x1C500] =	vst v63  }
0x76: {  	_ =	swait.ge @p1 [sflag:s19], $0x6400  }
0x77: {  	[sflag:s19] =	ssyncset.done @p1 $0x0  }
0x78: {  	[sflag:s19] =	ssyncadd.s32 @p1 $0xFFFF9C00  }
0x79: {  	[bflag:$0x0] =	sbarrier.arrive @!p1 $0xFFFF  }
0x7a: {  	s31 =	sadd.s32 $0x0, s13;
	[bflag:$0x0] =	sbarrier.arrive $0xFFFF  }
0x7b: {  	[tilespmem:s3], [sflag:$0x1] =	stream.linear.gather [hbm4b:s31+s3], $0x50, $0x38;
	[tilespmem:$0x1C500] =	vst v63  }
0x7c: {  	_ =	swait.ge [sflag:s15], $0x50  }
0x7d: {  	[sflag:s15] =	ssyncset.done $0x0  }
0x7e: {  	[sflag:s15] =	ssyncadd.s32 $0xFFFFFFB0  }
0x7f: {  	[tilespmem:s16], [sflag:$0x1] =	stream.linear.gather [hbm4b:s14+s3], $0x2800, $0x38;
	[tilespmem:$0x1C500] =	vst v63  }
0x80: {  	_ =	swait.ge [sflag:s15], $0x2800  }
0x81: {  	[sflag:s15] =	ssyncset.done $0x0  }
0x82: {  	[sflag:s15] =	ssyncadd.s32 $0xFFFFD800  }
0x83: {  	[spmem:s2] =	stream.indirect.scatter.add.f32 [tilespmem:s16], [sflag:$0x1], $0x80, s3, s17, $0xb8;
	[tilespmem:$0x1C500] =	vst v63  }
0x84: {  	s21 =	simm.s32 $0x14;
	_ =	swait.ge [sflag:s15], $0x2800  }
0x85: {  	s20 =	simm.s32 $0xA;
	s19 =	sadd.s32 $0x500, s14;
	[sflag:s15] =	ssyncset.done $0x0  }
.LBB2_6:
0x86: {  	s22 =	sadd.s32 s20, s13  }
0x87: {  	[sflag:s15] =	ssyncadd.s32 $0xFFFFD800;
	s20 =	smov.u32 s21;
	s23 =	sadd.s32 $0xA, s21  }
0x88: {  	[tilespmem:s3], [sflag:$0x1] =	stream.linear.gather [hbm4b:s22+s3], $0x50, $0x38;
	[tilespmem:$0x1C500] =	vst v63  }
0x89: {  	p2 =	sne.s32 s21, $0x9BA;
	_ =	swait.ge [sflag:s15], $0x50  }
0x8a: {  	[sflag:s15] =	ssyncset.done $0x0  }
0x8b: {  	[sflag:s15] =	ssyncadd.s32 $0xFFFFFFB0  }
0x8c: {  	[tilespmem:s16], [sflag:$0x1] =	stream.linear.gather [hbm4b:s19+s3], $0x2800, $0x38;
	[tilespmem:$0x1C500] =	vst v63  }
0x8d: {  	_ =	swait.ge [sflag:s15], $0x2800  }
.Ltmp2:
0x8e: {  	[sflag:s15] =	ssyncset.done $0x0;
	(pc) =	sbr.rel @p2 .LBB2_6-.Ltmp2, $4  }
0x8f: {  	[sflag:s15] =	ssyncadd.s32 $0xFFFFD800  }
0x90: {  	[spmem:s2] =	stream.indirect.scatter.add.f32 [tilespmem:s16], [sflag:$0x1], $0x80, s3, s17, $0xb8;
	[tilespmem:$0x1C500] =	vst v63  }
0x91: {  	_ =	swait.ge [sflag:s15], $0x2800  }
0x92: {  	s21 =	smov.u32 s23;
	s19 =	sadd.s32 $0x500, s19;
	[sflag:s15] =	ssyncset.done $0x0  }
0x93: {  	s20 =	sadd.s32 s20, s13;
	[sflag:s15] =	ssyncadd.s32 $0xFFFFD800  }
0x94: {  	[tilespmem:s3], [sflag:$0x1] =	stream.linear.gather [hbm4b:s20+s3], $0x50, $0x38;
	[tilespmem:$0x1C500] =	vst v63  }
0x95: {  	_ =	swait.ge [sflag:s15], $0x50  }
0x96: {  	[sflag:s15] =	ssyncset.done $0x0  }
0x97: {  	[sflag:s15] =	ssyncadd.s32 $0xFFFFFFB0  }
0x98: {  	[tilespmem:s16], [sflag:$0x1] =	stream.linear.gather [hbm4b:s19+s3], $0x2800, $0x38;
	[tilespmem:$0x1C500] =	vst v63  }
0x99: {  	_ =	swait.ge [sflag:s15], $0x2800  }
0x9a: {  	[sflag:s15] =	ssyncset.done $0x0  }
0x9b: {  	[sflag:s15] =	ssyncadd.s32 $0xFFFFD800  }
0x9c: {  	[spmem:s2] =	stream.indirect.scatter.add.f32 [tilespmem:s16], [sflag:$0x1], $0x80, s3, s17, $0xb8;
	[tilespmem:$0x1C500] =	vst v63  }
0x9d: {  	_ =	swait.ge [sflag:s15], $0x2800  }
0x9e: {  	[sflag:s15] =	ssyncset.done $0x0  }
0x9f: {  	s18 =	sadd.s32 $0x1, s18;
	s19 =	sshll.u32 @!p0 s1, $0x6;
	[sflag:s15] =	ssyncadd.s32 $0xFFFFD800  }
0xa0: {  	s20 =	sshrl.u32 @!p0 s5, $0x3;
	s19 =	sor.u32 @!p0 $0x1C01, s19;
	[bflag:$0x0] =	sbarrier.arrive $0xFFFF  }
0xa1: {  	[hbm:s6], [sflag:s19] =	dma.local @!p0 [spmem:s20], $0x3E80  }
0xa2: {  	p2 =	sne.s32 s18, s7;
	s19 =	simm.s32 @!p0 $0x1  }
.Ltmp3:
0xa3: {  	_ =	swait.ge @!p0 [sflag:s19], $0x3E80;
	(pc) =	sbr.rel @p2 .LBB2_1-.Ltmp3, $3  }
0xa4: {  	[sflag:s19] =	ssyncset.done @!p0 $0x0  }
0xa5: {  	[sflag:s19] =	ssyncadd.s32 @!p0 $0xFFFFC180  }
0xa6: {  	[bflag:$0x0] =	sbarrier.arrive $0xFFFF;
	_ =	sdelay $0x1  }
0xa7: {  	_ =	sfence.sel $0x180000  }
0xa8: {  	[bflag:$0x0] =	sbarrier.arrive $0xFFFF  }
0xa9: {  	p0 =	sne.s32 s1, $0x0;
	_ =	strace $0x90000050  }
0xaa: {  	s0 =	sadd.s32 @!p0 $0x100000, s0;
	[bflag:$0x2] =	sbarrier.arrive $0xFFFF  }
0xab: {  	[sflag:s0] =	ssyncadd.tile.s32 @!p0 $0x1;
	_ =	shalt  }
.Lfunc_end2:
_tile_overlayer_lowered:
.L_overlay_start_2:
0xac: {  	(tag) =	ssettag $0x2  }
0xad: {  	s0 =	rddreg [dreg:$0x0];
	s2 =	stileid.u32  }
0xae: {  	s1 =	rddreg [dreg:$0x1];
	p0 =	sne.s32 s2, $0x0  }
0xaf: {  	s3 =	rddreg [dreg:$0x2];
	[bflag:$0x3] =	sbarrier.arrive $0xFFFF;
	s2 =	simm.s32 @!p0 $0x1C01  }
0xb0: {  	[timem:s3], [sflag:s2] =	dma.local @!p0 [hbm:s0], s1  }
0xb1: {  	s0 =	simm.s32 @!p0 $0x1  }
0xb2: {  	_ =	swait.ge @!p0 [sflag:s0], s1  }
0xb3: {  	s1 =	ssub.s32 @!p0 $0x0, s1;
	[sflag:s0] =	ssyncset.done @!p0 $0x0  }
0xb4: {  	[sflag:s0] =	ssyncadd.s32 @!p0 s1  }
0xb5: {  	[bflag:$0x3] =	sbarrier.arrive $0xFFFF  }
0xb6: {  	_ =	shalt  }

</sc_bundles>
